<compile_context>
chip_gen: v7x
topology: tpu7x:2x2x1
jax: 0.10.2.dev20260603
libtpu: 0.0.44.dev20260713+nightly
codegen_flags: <defaults>
</compile_context>

<pallas_src>
import functools

import jax
import jax.numpy as jnp
from jax import lax
from jax.experimental import pallas as pl
from jax.experimental.pallas import tpu as pltpu
from jax.experimental.pallas import tpu_sc as plsc

_N, _E, _D, _H, _C = 10000, 320000, 128, 128, 64
_NC, _NS = 2, 16
_NW = _NC * _NS
_UNIT = 128
_NUNITS_PAD = 2560
_NP = 10240
_RPS = _NP // _NS
_DEGW = 128
_DEGS = 8

_mesh = lambda: plsc.VectorSubcoreMesh(core_axis_name="c", subcore_axis_name="s")


def _zero16():
    return jnp.zeros((16,), jnp.float32)


def _zero_acc_slice(zrows, acc, base):
    for t in range(_RPS // _UNIT):
        pltpu.sync_copy(zrows, acc.at[pl.ds(base + t * _UNIT, _UNIT)])


def _make_deg():
    @functools.partial(
        pl.kernel,
        out_type=jax.ShapeDtypeStruct((_NC, _NP, _DEGW), jnp.float32),
        mesh=_mesh(),
        scratch_types=[
            pltpu.VMEM((40, _UNIT), jnp.int32),
            pltpu.VMEM((_UNIT, _DEGW), jnp.float32),
            pltpu.VMEM((_UNIT, _DEGW), jnp.float32),
            pltpu.SemaphoreType.DMA,
            pltpu.SemaphoreType.DMA,
            pltpu.VMEM_SHARED((_NP, _DEGW), jnp.float32),
        ],
    )
    def deg_kernel(dst2d, out, dstall, onesv, zv, s0, s1, acc):
        cid = lax.axis_index("c")
        sid = lax.axis_index("s")
        wid = sid * _NC + cid
        base = sid * _RPS
        u0 = wid * _UPW

        ones16 = jnp.ones((16,), jnp.float32)
        z16 = _zero16()

        def fill(r, carry):
            for cidx in range(_DEGW // 16):
                onesv[r, pl.ds(cidx * 16, 16)] = ones16
                zv[r, pl.ds(cidx * 16, 16)] = z16
            return carry

        lax.fori_loop(0, _UNIT, fill, 0)
        _zero_acc_slice(zv, acc, base)
        plsc.subcore_barrier()

        def scat(u, sem):
            pltpu.async_copy(onesv, acc.at[dstall.at[u]], sem, add=True)

        def swait(sem):
            pltpu.make_async_copy(onesv, acc.at[dstall.at[0]], sem).wait()

        for p in range(2):
            pltpu.sync_copy(dst2d.at[pl.ds(u0 + p * _UPP, _UPP)], dstall)
            scat(0, s0)
            scat(1, s1)

            def step(i, carry):
                u = 2 * i
                swait(s0)

                @pl.when(u + 2 < _UPP)
                def _():
                    scat(u + 2, s0)

                swait(s1)

                @pl.when(u + 3 < _UPP)
                def _():
                    scat(u + 3, s1)

                return carry

            lax.fori_loop(0, _UPP // 2, step, 0)

        plsc.subcore_barrier()
        pltpu.sync_copy(acc.at[pl.ds(base, _RPS)],
                        out.at[cid, pl.ds(base, _RPS)])

    return deg_kernel


_UPW = _NUNITS_PAD // _NW
_UPP = _UPW // 2


def _make_agg(F):
    @functools.partial(
        pl.kernel,
        out_type=jax.ShapeDtypeStruct((_NC, _NP, F), jnp.float32),
        mesh=_mesh(),
        scratch_types=[
            pltpu.VMEM((_UPP, _UNIT), jnp.int32),
            pltpu.VMEM((_UPP, _UNIT), jnp.int32),
            pltpu.VMEM((_UNIT, F), jnp.float32),
            pltpu.VMEM((_UNIT, F), jnp.float32),
            pltpu.SemaphoreType.DMA,
            pltpu.SemaphoreType.DMA,
            pltpu.VMEM_SHARED((_NP, F), jnp.float32),
        ],
    )
    def agg_kernel(src2d, dst2d, h, out, srcall, dstall, rows0, rows1,
                   g0, g1, acc):
        cid = lax.axis_index("c")
        sid = lax.axis_index("s")
        wid = sid * _NC + cid
        base = sid * _RPS
        u0 = wid * _UPW

        z16 = _zero16()

        def zfill(r, carry):
            for cidx in range(F // 16):
                rows0[r, pl.ds(cidx * 16, 16)] = z16
            return carry

        lax.fori_loop(0, _UNIT, zfill, 0)
        _zero_acc_slice(rows0, acc, base)
        plsc.subcore_barrier()

        def gather(u, buf, sem):
            return pltpu.async_copy(h.at[srcall.at[u]], buf, sem)

        def gwait(u, buf, sem):
            pltpu.make_async_copy(h.at[srcall.at[u]], buf, sem).wait()

        def scatter(u, buf):
            pltpu.sync_copy(buf, acc.at[dstall.at[u]], add=True)

        for p in range(2):
            pltpu.sync_copy(src2d.at[pl.ds(u0 + p * _UPP, _UPP)], srcall)
            pltpu.sync_copy(dst2d.at[pl.ds(u0 + p * _UPP, _UPP)], dstall)
            gather(0, rows0, g0)

            def step(i, carry):
                u = 2 * i
                gather(u + 1, rows1, g1)
                gwait(u, rows0, g0)
                scatter(u, rows0)

                @pl.when(u + 2 < _UPP)
                def _():
                    gather(u + 2, rows0, g0)

                gwait(u + 1, rows1, g1)
                scatter(u + 1, rows1)
                return carry

            lax.fori_loop(0, _UPP // 2, step, 0)

        plsc.subcore_barrier()
        pltpu.sync_copy(acc.at[pl.ds(base, _RPS)],
                        out.at[cid, pl.ds(base, _RPS)])

    return agg_kernel


_deg_call = _make_deg()
_agg_h = _make_agg(_H)

_BLK = 1000
_GRID = _N // _BLK


def _dinv_of(d_ref):
    s = d_ref[0, :, 0:1] + d_ref[1, :, 0:1] + 1.0
    return lax.rsqrt(s)


def _mm1(x, W1, deg):
    def body(x_ref, w_ref, d_ref, o_ref):
        h = jnp.dot(x_ref[...], w_ref[...], preferred_element_type=jnp.float32)
        o_ref[...] = h * _dinv_of(d_ref)

    return pl.pallas_call(
        body,
        grid=(_GRID,),
        in_specs=[
            pl.BlockSpec((_BLK, _D), lambda i: (i, 0)),
            pl.BlockSpec((_D, _H), lambda i: (0, 0)),
            pl.BlockSpec((_NC, _BLK, _DEGS), lambda i: (0, i, 0)),
        ],
        out_specs=pl.BlockSpec((_BLK, _H), lambda i: (i, 0)),
        out_shape=jax.ShapeDtypeStruct((_N, _H), jnp.float32),
    )(x, W1, deg)


def _mm2(acc1, h1s, deg, x, b1, W2):
    def body(a_ref, h_ref, d_ref, x_ref, b_ref, w_ref, o_ref):
        dinv = _dinv_of(d_ref)
        agg = a_ref[0] + a_ref[1] + h_ref[...]
        out1 = agg * dinv + b_ref[...]
        z = jnp.maximum(out1, 0.0) + x_ref[...]
        h2 = jnp.dot(z, w_ref[...], preferred_element_type=jnp.float32)
        o_ref[...] = jnp.concatenate([h2 * dinv, jnp.zeros_like(h2)], axis=1)

    return pl.pallas_call(
        body,
        grid=(_GRID,),
        in_specs=[
            pl.BlockSpec((_NC, _BLK, _H), lambda i: (0, i, 0)),
            pl.BlockSpec((_BLK, _H), lambda i: (i, 0)),
            pl.BlockSpec((_NC, _BLK, _DEGS), lambda i: (0, i, 0)),
            pl.BlockSpec((_BLK, _D), lambda i: (i, 0)),
            pl.BlockSpec((_H,), lambda i: (0,)),
            pl.BlockSpec((_H, _C), lambda i: (0, 0)),
        ],
        out_specs=pl.BlockSpec((_BLK, 2 * _C), lambda i: (i, 0)),
        out_shape=jax.ShapeDtypeStruct((_N, 2 * _C), jnp.float32),
    )(acc1, h1s, deg, x, b1, W2)


def _mm3(acc2, h2s, deg, b2):
    def body(a_ref, h_ref, d_ref, b_ref, o_ref):
        dinv = _dinv_of(d_ref)
        agg = a_ref[0, :, : _C] + a_ref[1, :, : _C] + h_ref[:, : _C]
        o_ref[...] = agg * dinv + b_ref[...]

    return pl.pallas_call(
        body,
        grid=(_GRID,),
        in_specs=[
            pl.BlockSpec((_NC, _BLK, 2 * _C), lambda i: (0, i, 0)),
            pl.BlockSpec((_BLK, 2 * _C), lambda i: (i, 0)),
            pl.BlockSpec((_NC, _BLK, _DEGS), lambda i: (0, i, 0)),
            pl.BlockSpec((_C,), lambda i: (0,)),
        ],
        out_specs=pl.BlockSpec((_BLK, _C), lambda i: (i, 0)),
        out_shape=jax.ShapeDtypeStruct((_N, _C), jnp.float32),
    )(acc2, h2s, deg, b2)


def kernel(x, edge_index, W1, b1, W2, b2):
    ei = edge_index.astype(jnp.int32)
    srcs = ei[0]
    dsts = ei[1]
    npad = _NUNITS_PAD * _UNIT - _E
    pad_src = (jnp.arange(npad, dtype=jnp.int32) * 131) % _N
    src2d = jnp.concatenate([srcs, pad_src]).reshape(_NUNITS_PAD, _UNIT)
    dst2d = jnp.concatenate(
        [dsts, _N + (jnp.arange(npad, dtype=jnp.int32) % (_NP - _N))]
    ).reshape(_NUNITS_PAD, _UNIT)
    degw = _deg_call(dst2d)
    deg = jax.lax.slice(degw, (0, 0, 0), (_NC, _NP, _DEGS))
    h1s = _mm1(x, W1, deg)
    acc1 = _agg_h(src2d, dst2d, h1s)
    h2s = _mm2(acc1, h1s, deg, x, b1, W2)
    acc2 = _agg_h(src2d, dst2d, h2s)
    y = _mm3(acc2, h2s, deg, b2)
    return y

# --- scband reference (transcript-rebuilt; emitter-appended) ---
"""Pipeline reference for scband-rest-gcnequal-hidden-22539988369859 (READ-ONLY COPY).

The authoritative reference and input builder live on the scoring server;
editing this copy changes nothing except your own understanding.
"""

import jax, jax.numpy as jnp
import numpy as np

N = 10000
E = 320000
D = 128
H = 128
C = 64


def setup_inputs(seed: int = 0) -> dict:
    key = jax.random.key(seed)
    k1, k2, k3, k4 = jax.random.split(key, 4)
    x = jax.random.normal(k1, (N, D), dtype=jnp.float32)
    edge_index = jax.random.randint(k2, (2, E), 0, N, dtype=jnp.int32)
    # GCNConv layer 1: Linear(D -> H, bias=False) + bias param
    W1 = jax.random.normal(k3, (D, H), dtype=jnp.float32) * (1.0 / np.sqrt(D))
    b1 = jnp.zeros((H,), dtype=jnp.float32)
    # GCNConv layer 2: Linear(H -> C, bias=False) + bias param
    W2 = jax.random.normal(k4, (H, C), dtype=jnp.float32) * (1.0 / np.sqrt(H))
    b2 = jnp.zeros((C,), dtype=jnp.float32)
    return {"x": x, "edge_index": edge_index, "W1": W1, "b1": b1, "W2": W2, "b2": b2}


def gcn_conv(x, edge_index, W, b):
    # PyG GCNConv with add_self_loops=True and symmetric normalization:
    #   out = D^{-1/2} (A + I) D^{-1/2} (x @ W) + b
    n = x.shape[0]
    loop = jnp.arange(n, dtype=edge_index.dtype)
    src = jnp.concatenate([edge_index[0], loop])
    dst = jnp.concatenate([edge_index[1], loop])
    deg = jnp.zeros((n,), dtype=x.dtype).at[dst].add(1.0)
    dinv = jnp.where(deg > 0, 1.0 / jnp.sqrt(deg), 0.0)
    norm = dinv[src] * dinv[dst]
    h = x @ W
    msg = jnp.take(h, src, axis=0) * norm[:, None]
    out = jnp.zeros((n, W.shape[1]), dtype=x.dtype).at[dst].add(msg)
    return out + b


def reference(x, edge_index, W1, b1, W2, b2):
    x1 = jax.nn.relu(gcn_conv(x, edge_index, W1, b1))
    # dropout is identity in eval mode
    y = gcn_conv(x1 + x, edge_index, W2, b2)
    return y

if __name__ == "__main__":
    import jax
    _d = setup_inputs()
    print(jax.jit(kernel)(*tuple(_d.values())))

</pallas_src>

<mosaic_0001>
#map = affine_map<(d0, d1) -> (0, 0)>
#map1 = affine_map<(d0, d1) -> (0, 0, 0)>
module attributes {stable_mosaic.version = 14 : i64} {
  func.func @deg_kernel(%arg0: i32, %arg1: i32, %arg2: memref<2560x128xi32, #tpu.memory_space<hbm>>, %arg3: memref<2x10240x128xf32, #tpu.memory_space<hbm>>, %arg4: memref<40x128xi32, #tpu.memory_space<vmem>>, %arg5: memref<128x128xf32, #tpu.memory_space<vmem>>, %arg6: memref<128x128xf32, #tpu.memory_space<vmem>>, %arg7: memref<!tpu.dma_semaphore, #tpu.memory_space<semaphore_mem>>, %arg8: memref<!tpu.dma_semaphore, #tpu.memory_space<semaphore_mem>>, %arg9: memref<10240x128xf32, #tpu.memory_space<vmem_shared>>) attributes {dimension_semantics = [#tpu.dimension_semantics<core_parallel>, #tpu.dimension_semantics<subcore_parallel>], iteration_bounds = array<i64: 2, 16>, scalar_prefetch = 0 : i64, scratch_operands = 6 : i64, tpu.core_type = #tpu.core_type<sc_vector_subcore>, window_params = [{transform_indices = #map}, {transform_indices = #map1}]} {
    %mul3A = arith.constant 2 : i32
    %mul3A_0 = arith.muli %arg1, %mul3A : i32
    %add3A = arith.addi %mul3A_0, %arg0 : i32
    %mul3A_1 = arith.constant 640 : i32
    %mul3A_2 = arith.muli %arg1, %mul3A_1 : i32
    %mul3A_3 = arith.constant 80 : i32
    %mul3A_4 = arith.muli %add3A, %mul3A_3 : i32
    %broadcast_in_dim3A = arith.constant 1.000000e+00 : f32
    %broadcast_in_dim3A_5 = vector.broadcast %broadcast_in_dim3A : f32 to vector<16xf32>
    %broadcast_in_dim3A_6 = arith.constant 0.000000e+00 : f32
    %broadcast_in_dim3A_7 = vector.broadcast %broadcast_in_dim3A_6 : f32 to vector<16xf32>
    %scan3A = arith.constant 0 : i32
    %scan3A_8 = arith.constant 0 : i32
    %scan3A_9 = arith.constant 128 : i32
    %scan3A_10 = arith.addi %scan3A_8, %scan3A_9 : i32
    %scan3A_11 = arith.constant 1 : i32
    scf.for %scan3A_67 = %scan3A_8 to %scan3A_10 step %scan3A_11  : i32 {
      %swap3A = arith.index_cast %scan3A_67 : i32 to index
      %swap3A_68 = arith.constant 0 : index
      %swap3A_69 = tpu.vector_load %arg5[%swap3A, %swap3A_68] {strides = array<i32>} : memref<128x128xf32, #tpu.memory_space<vmem>>, vector<1x16xf32>,
      %swap3A_70 = vector.shape_cast %swap3A_69 : vector<1x16xf32> to vector<16xf32>
      %swap3A_71 = vector.shape_cast %broadcast_in_dim3A_5 : vector<16xf32> to vector<1x16xf32>
      tpu.vector_store %arg5[%swap3A, %swap3A_68], %swap3A_71 {strides = array<i32>} : memref<128x128xf32, #tpu.memory_space<vmem>>, vector<1x16xf32>,
      %swap3A_72 = arith.index_cast %scan3A_67 : i32 to index
      %swap3A_73 = arith.constant 0 : index
      %swap3A_74 = tpu.vector_load %arg6[%swap3A_72, %swap3A_73] {strides = array<i32>} : memref<128x128xf32, #tpu.memory_space<vmem>>, vector<1x16xf32>,
      %swap3A_75 = vector.shape_cast %swap3A_74 : vector<1x16xf32> to vector<16xf32>
      %swap3A_76 = vector.shape_cast %broadcast_in_dim3A_7 : vector<16xf32> to vector<1x16xf32>
      tpu.vector_store %arg6[%swap3A_72, %swap3A_73], %swap3A_76 {strides = array<i32>} : memref<128x128xf32, #tpu.memory_space<vmem>>, vector<1x16xf32>,
      %swap3A_77 = arith.index_cast %scan3A_67 : i32 to index
      %swap3A_78 = arith.constant 16 : index
      %swap3A_79 = tpu.vector_load %arg5[%swap3A_77, %swap3A_78] {strides = array<i32>} : memref<128x128xf32, #tpu.memory_space<vmem>>, vector<1x16xf32>,
      %swap3A_80 = vector.shape_cast %swap3A_79 : vector<1x16xf32> to vector<16xf32>
      %swap3A_81 = vector.shape_cast %broadcast_in_dim3A_5 : vector<16xf32> to vector<1x16xf32>
      tpu.vector_store %arg5[%swap3A_77, %swap3A_78], %swap3A_81 {strides = array<i32>} : memref<128x128xf32, #tpu.memory_space<vmem>>, vector<1x16xf32>,
      %swap3A_82 = arith.index_cast %scan3A_67 : i32 to index
      %swap3A_83 = arith.constant 16 : index
      %swap3A_84 = tpu.vector_load %arg6[%swap3A_82, %swap3A_83] {strides = array<i32>} : memref<128x128xf32, #tpu.memory_space<vmem>>, vector<1x16xf32>,
      %swap3A_85 = vector.shape_cast %swap3A_84 : vector<1x16xf32> to vector<16xf32>
      %swap3A_86 = vector.shape_cast %broadcast_in_dim3A_7 : vector<16xf32> to vector<1x16xf32>
      tpu.vector_store %arg6[%swap3A_82, %swap3A_83], %swap3A_86 {strides = array<i32>} : memref<128x128xf32, #tpu.memory_space<vmem>>, vector<1x16xf32>,
      %swap3A_87 = arith.index_cast %scan3A_67 : i32 to index
      %swap3A_88 = arith.constant 32 : index
      %swap3A_89 = tpu.vector_load %arg5[%swap3A_87, %swap3A_88] {strides = array<i32>} : memref<128x128xf32, #tpu.memory_space<vmem>>, vector<1x16xf32>,
      %swap3A_90 = vector.shape_cast %swap3A_89 : vector<1x16xf32> to vector<16xf32>
      %swap3A_91 = vector.shape_cast %broadcast_in_dim3A_5 : vector<16xf32> to vector<1x16xf32>
      tpu.vector_store %arg5[%swap3A_87, %swap3A_88], %swap3A_91 {strides = array<i32>} : memref<128x128xf32, #tpu.memory_space<vmem>>, vector<1x16xf32>,
      %swap3A_92 = arith.index_cast %scan3A_67 : i32 to index
      %swap3A_93 = arith.constant 32 : index
      %swap3A_94 = tpu.vector_load %arg6[%swap3A_92, %swap3A_93] {strides = array<i32>} : memref<128x128xf32, #tpu.memory_space<vmem>>, vector<1x16xf32>,
      %swap3A_95 = vector.shape_cast %swap3A_94 : vector<1x16xf32> to vector<16xf32>
      %swap3A_96 = vector.shape_cast %broadcast_in_dim3A_7 : vector<16xf32> to vector<1x16xf32>
      tpu.vector_store %arg6[%swap3A_92, %swap3A_93], %swap3A_96 {strides = array<i32>} : memref<128x128xf32, #tpu.memory_space<vmem>>, vector<1x16xf32>,
      %swap3A_97 = arith.index_cast %scan3A_67 : i32 to index
      %swap3A_98 = arith.constant 48 : index
      %swap3A_99 = tpu.vector_load %arg5[%swap3A_97, %swap3A_98] {strides = array<i32>} : memref<128x128xf32, #tpu.memory_space<vmem>>, vector<1x16xf32>,
      %swap3A_100 = vector.shape_cast %swap3A_99 : vector<1x16xf32> to vector<16xf32>
      %swap3A_101 = vector.shape_cast %broadcast_in_dim3A_5 : vector<16xf32> to vector<1x16xf32>
      tpu.vector_store %arg5[%swap3A_97, %swap3A_98], %swap3A_101 {strides = array<i32>} : memref<128x128xf32, #tpu.memory_space<vmem>>, vector<1x16xf32>,
      %swap3A_102 = arith.index_cast %scan3A_67 : i32 to index
      %swap3A_103 = arith.constant 48 : index
      %swap3A_104 = tpu.vector_load %arg6[%swap3A_102, %swap3A_103] {strides = array<i32>} : memref<128x128xf32, #tpu.memory_space<vmem>>, vector<1x16xf32>,
      %swap3A_105 = vector.shape_cast %swap3A_104 : vector<1x16xf32> to vector<16xf32>
      %swap3A_106 = vector.shape_cast %broadcast_in_dim3A_7 : vector<16xf32> to vector<1x16xf32>
      tpu.vector_store %arg6[%swap3A_102, %swap3A_103], %swap3A_106 {strides = array<i32>} : memref<128x128xf32, #tpu.memory_space<vmem>>, vector<1x16xf32>,
      %swap3A_107 = arith.index_cast %scan3A_67 : i32 to index
      %swap3A_108 = arith.constant 64 : index
      %swap3A_109 = tpu.vector_load %arg5[%swap3A_107, %swap3A_108] {strides = array<i32>} : memref<128x128xf32, #tpu.memory_space<vmem>>, vector<1x16xf32>,
      %swap3A_110 = vector.shape_cast %swap3A_109 : vector<1x16xf32> to vector<16xf32>
      %swap3A_111 = vector.shape_cast %broadcast_in_dim3A_5 : vector<16xf32> to vector<1x16xf32>
      tpu.vector_store %arg5[%swap3A_107, %swap3A_108], %swap3A_111 {strides = array<i32>} : memref<128x128xf32, #tpu.memory_space<vmem>>, vector<1x16xf32>,
      %swap3A_112 = arith.index_cast %scan3A_67 : i32 to index
      %swap3A_113 = arith.constant 64 : index
      %swap3A_114 = tpu.vector_load %arg6[%swap3A_112, %swap3A_113] {strides = array<i32>} : memref<128x128xf32, #tpu.memory_space<vmem>>, vector<1x16xf32>,
      %swap3A_115 = vector.shape_cast %swap3A_114 : vector<1x16xf32> to vector<16xf32>
      %swap3A_116 = vector.shape_cast %broadcast_in_dim3A_7 : vector<16xf32> to vector<1x16xf32>
      tpu.vector_store %arg6[%swap3A_112, %swap3A_113], %swap3A_116 {strides = array<i32>} : memref<128x128xf32, #tpu.memory_space<vmem>>, vector<1x16xf32>,
      %swap3A_117 = arith.index_cast %scan3A_67 : i32 to index
      %swap3A_118 = arith.constant 80 : index
      %swap3A_119 = tpu.vector_load %arg5[%swap3A_117, %swap3A_118] {strides = array<i32>} : memref<128x128xf32, #tpu.memory_space<vmem>>, vector<1x16xf32>,
      %swap3A_120 = vector.shape_cast %swap3A_119 : vector<1x16xf32> to vector<16xf32>
      %swap3A_121 = vector.shape_cast %broadcast_in_dim3A_5 : vector<16xf32> to vector<1x16xf32>
      tpu.vector_store %arg5[%swap3A_117, %swap3A_118], %swap3A_121 {strides = array<i32>} : memref<128x128xf32, #tpu.memory_space<vmem>>, vector<1x16xf32>,
      %swap3A_122 = arith.index_cast %scan3A_67 : i32 to index
      %swap3A_123 = arith.constant 80 : index
      %swap3A_124 = tpu.vector_load %arg6[%swap3A_122, %swap3A_123] {strides = array<i32>} : memref<128x128xf32, #tpu.memory_space<vmem>>, vector<1x16xf32>,
      %swap3A_125 = vector.shape_cast %swap3A_124 : vector<1x16xf32> to vector<16xf32>
      %swap3A_126 = vector.shape_cast %broadcast_in_dim3A_7 : vector<16xf32> to vector<1x16xf32>
      tpu.vector_store %arg6[%swap3A_122, %swap3A_123], %swap3A_126 {strides = array<i32>} : memref<128x128xf32, #tpu.memory_space<vmem>>, vector<1x16xf32>,
      %swap3A_127 = arith.index_cast %scan3A_67 : i32 to index
      %swap3A_128 = arith.constant 96 : index
      %swap3A_129 = tpu.vector_load %arg5[%swap3A_127, %swap3A_128] {strides = array<i32>} : memref<128x128xf32, #tpu.memory_space<vmem>>, vector<1x16xf32>,
      %swap3A_130 = vector.shape_cast %swap3A_129 : vector<1x16xf32> to vector<16xf32>
      %swap3A_131 = vector.shape_cast %broadcast_in_dim3A_5 : vector<16xf32> to vector<1x16xf32>
      tpu.vector_store %arg5[%swap3A_127, %swap3A_128], %swap3A_131 {strides = array<i32>} : memref<128x128xf32, #tpu.memory_space<vmem>>, vector<1x16xf32>,
      %swap3A_132 = arith.index_cast %scan3A_67 : i32 to index
      %swap3A_133 = arith.constant 96 : index
      %swap3A_134 = tpu.vector_load %arg6[%swap3A_132, %swap3A_133] {strides = array<i32>} : memref<128x128xf32, #tpu.memory_space<vmem>>, vector<1x16xf32>,
      %swap3A_135 = vector.shape_cast %swap3A_134 : vector<1x16xf32> to vector<16xf32>
      %swap3A_136 = vector.shape_cast %broadcast_in_dim3A_7 : vector<16xf32> to vector<1x16xf32>
      tpu.vector_store %arg6[%swap3A_132, %swap3A_133], %swap3A_136 {strides = array<i32>} : memref<128x128xf32, #tpu.memory_space<vmem>>, vector<1x16xf32>,
      %swap3A_137 = arith.index_cast %scan3A_67 : i32 to index
      %swap3A_138 = arith.constant 112 : index
      %swap3A_139 = tpu.vector_load %arg5[%swap3A_137, %swap3A_138] {strides = array<i32>} : memref<128x128xf32, #tpu.memory_space<vmem>>, vector<1x16xf32>,
      %swap3A_140 = vector.shape_cast %swap3A_139 : vector<1x16xf32> to vector<16xf32>
      %swap3A_141 = vector.shape_cast %broadcast_in_dim3A_5 : vector<16xf32> to vector<1x16xf32>
      tpu.vector_store %arg5[%swap3A_137, %swap3A_138], %swap3A_141 {strides = array<i32>} : memref<128x128xf32, #tpu.memory_space<vmem>>, vector<1x16xf32>,
      %swap3A_142 = arith.index_cast %scan3A_67 : i32 to index
      %swap3A_143 = arith.constant 112 : index
      %swap3A_144 = tpu.vector_load %arg6[%swap3A_142, %swap3A_143] {strides = array<i32>} : memref<128x128xf32, #tpu.memory_space<vmem>>, vector<1x16xf32>,
      %swap3A_145 = vector.shape_cast %swap3A_144 : vector<1x16xf32> to vector<16xf32>
      %swap3A_146 = vector.shape_cast %broadcast_in_dim3A_7 : vector<16xf32> to vector<1x16xf32>
      tpu.vector_store %arg6[%swap3A_142, %swap3A_143], %swap3A_146 {strides = array<i32>} : memref<128x128xf32, #tpu.memory_space<vmem>>, vector<1x16xf32>,
    }
    %scan3A_12 = arith.constant 128 : i32
    %add3A_13 = arith.constant 0 : i32
    %add3A_14 = arith.addi %mul3A_2, %add3A_13 : i32
    "tpu.region"() ({
      %run_scoped3A = tpu.sem_alloc : memref<!tpu.dma_semaphore, #tpu.memory_space<semaphore_mem>>
      %dma_start3A_67 = arith.constant 0 : i32
      %dma_start3A_68 = tpu.memref_slice %arg9[%add3A_14, %dma_start3A_67] : memref<10240x128xf32, #tpu.memory_space<vmem_shared>> -> memref<128x128xf32, #tpu.memory_space<vmem_shared>>
      %dma_start3A_69 = arith.constant 0 : i32
      %dma_start3A_70 = tpu.memref_slice %arg9[%add3A_14, %dma_start3A_69] : memref<10240x128xf32, #tpu.memory_space<vmem_shared>> -> memref<128x128xf32, #tpu.memory_space<vmem_shared>>
      tpu.enqueue_dma source(%arg6 : memref<128x128xf32, #tpu.memory_space<vmem>>) target(%dma_start3A_70 : memref<128x128xf32, #tpu.memory_space<vmem_shared>>) target_semaphore(%run_scoped3A : memref<!tpu.dma_semaphore, #tpu.memory_space<semaphore_mem>>)
      %dma_wait3A = arith.constant 0 : i32
      %dma_wait3A_71 = tpu.memref_slice %arg9[%add3A_14, %dma_wait3A] : memref<10240x128xf32, #tpu.memory_space<vmem_shared>> -> memref<128x128xf32, #tpu.memory_space<vmem_shared>>
      %dma_wait3A_72 = arith.constant 0 : i32
      %dma_wait3A_73 = tpu.memref_slice %arg9[%add3A_14, %dma_wait3A_72] : memref<10240x128xf32, #tpu.memory_space<vmem_shared>> -> memref<128x128xf32, #tpu.memory_space<vmem_shared>>
      tpu.wait_dma2 semaphore(%run_scoped3A : memref<!tpu.dma_semaphore, #tpu.memory_space<semaphore_mem>>) src(%arg6 : memref<128x128xf32, #tpu.memory_space<vmem>>) dst(%dma_wait3A_73 : memref<128x128xf32, #tpu.memory_space<vmem_shared>>)
      tpu.yield
    }) : () -> ()
    %add3A_15 = arith.constant 128 : i32
    %add3A_16 = arith.addi %mul3A_2, %add3A_15 : i32
    "tpu.region"() ({
      %run_scoped3A = tpu.sem_alloc : memref<!tpu.dma_semaphore, #tpu.memory_space<semaphore_mem>>
      %dma_start3A_67 = arith.constant 0 : i32
      %dma_start3A_68 = tpu.memref_slice %arg9[%add3A_16, %dma_start3A_67] : memref<10240x128xf32, #tpu.memory_space<vmem_shared>> -> memref<128x128xf32, #tpu.memory_space<vmem_shared>>
      %dma_start3A_69 = arith.constant 0 : i32
      %dma_start3A_70 = tpu.memref_slice %arg9[%add3A_16, %dma_start3A_69] : memref<10240x128xf32, #tpu.memory_space<vmem_shared>> -> memref<128x128xf32, #tpu.memory_space<vmem_shared>>
      tpu.enqueue_dma source(%arg6 : memref<128x128xf32, #tpu.memory_space<vmem>>) target(%dma_start3A_70 : memref<128x128xf32, #tpu.memory_space<vmem_shared>>) target_semaphore(%run_scoped3A : memref<!tpu.dma_semaphore, #tpu.memory_space<semaphore_mem>>)
      %dma_wait3A = arith.constant 0 : i32
      %dma_wait3A_71 = tpu.memref_slice %arg9[%add3A_16, %dma_wait3A] : memref<10240x128xf32, #tpu.memory_space<vmem_shared>> -> memref<128x128xf32, #tpu.memory_space<vmem_shared>>
      %dma_wait3A_72 = arith.constant 0 : i32
      %dma_wait3A_73 = tpu.memref_slice %arg9[%add3A_16, %dma_wait3A_72] : memref<10240x128xf32, #tpu.memory_space<vmem_shared>> -> memref<128x128xf32, #tpu.memory_space<vmem_shared>>
      tpu.wait_dma2 semaphore(%run_scoped3A : memref<!tpu.dma_semaphore, #tpu.memory_space<semaphore_mem>>) src(%arg6 : memref<128x128xf32, #tpu.memory_space<vmem>>) dst(%dma_wait3A_73 : memref<128x128xf32, #tpu.memory_space<vmem_shared>>)
      tpu.yield
    }) : () -> ()
    %add3A_17 = arith.constant 256 : i32
    %add3A_18 = arith.addi %mul3A_2, %add3A_17 : i32
    "tpu.region"() ({
      %run_scoped3A = tpu.sem_alloc : memref<!tpu.dma_semaphore, #tpu.memory_space<semaphore_mem>>
      %dma_start3A_67 = arith.constant 0 : i32
      %dma_start3A_68 = tpu.memref_slice %arg9[%add3A_18, %dma_start3A_67] : memref<10240x128xf32, #tpu.memory_space<vmem_shared>> -> memref<128x128xf32, #tpu.memory_space<vmem_shared>>
      %dma_start3A_69 = arith.constant 0 : i32
      %dma_start3A_70 = tpu.memref_slice %arg9[%add3A_18, %dma_start3A_69] : memref<10240x128xf32, #tpu.memory_space<vmem_shared>> -> memref<128x128xf32, #tpu.memory_space<vmem_shared>>
      tpu.enqueue_dma source(%arg6 : memref<128x128xf32, #tpu.memory_space<vmem>>) target(%dma_start3A_70 : memref<128x128xf32, #tpu.memory_space<vmem_shared>>) target_semaphore(%run_scoped3A : memref<!tpu.dma_semaphore, #tpu.memory_space<semaphore_mem>>)
      %dma_wait3A = arith.constant 0 : i32
      %dma_wait3A_71 = tpu.memref_slice %arg9[%add3A_18, %dma_wait3A] : memref<10240x128xf32, #tpu.memory_space<vmem_shared>> -> memref<128x128xf32, #tpu.memory_space<vmem_shared>>
      %dma_wait3A_72 = arith.constant 0 : i32
      %dma_wait3A_73 = tpu.memref_slice %arg9[%add3A_18, %dma_wait3A_72] : memref<10240x128xf32, #tpu.memory_space<vmem_shared>> -> memref<128x128xf32, #tpu.memory_space<vmem_shared>>
      tpu.wait_dma2 semaphore(%run_scoped3A : memref<!tpu.dma_semaphore, #tpu.memory_space<semaphore_mem>>) src(%arg6 : memref<128x128xf32, #tpu.memory_space<vmem>>) dst(%dma_wait3A_73 : memref<128x128xf32, #tpu.memory_space<vmem_shared>>)
      tpu.yield
    }) : () -> ()
    %add3A_19 = arith.constant 384 : i32
    %add3A_20 = arith.addi %mul3A_2, %add3A_19 : i32
    "tpu.region"() ({
      %run_scoped3A = tpu.sem_alloc : memref<!tpu.dma_semaphore, #tpu.memory_space<semaphore_mem>>
      %dma_start3A_67 = arith.constant 0 : i32
      %dma_start3A_68 = tpu.memref_slice %arg9[%add3A_20, %dma_start3A_67] : memref<10240x128xf32, #tpu.memory_space<vmem_shared>> -> memref<128x128xf32, #tpu.memory_space<vmem_shared>>
      %dma_start3A_69 = arith.constant 0 : i32
      %dma_start3A_70 = tpu.memref_slice %arg9[%add3A_20, %dma_start3A_69] : memref<10240x128xf32, #tpu.memory_space<vmem_shared>> -> memref<128x128xf32, #tpu.memory_space<vmem_shared>>
      tpu.enqueue_dma source(%arg6 : memref<128x128xf32, #tpu.memory_space<vmem>>) target(%dma_start3A_70 : memref<128x128xf32, #tpu.memory_space<vmem_shared>>) target_semaphore(%run_scoped3A : memref<!tpu.dma_semaphore, #tpu.memory_space<semaphore_mem>>)
      %dma_wait3A = arith.constant 0 : i32
      %dma_wait3A_71 = tpu.memref_slice %arg9[%add3A_20, %dma_wait3A] : memref<10240x128xf32, #tpu.memory_space<vmem_shared>> -> memref<128x128xf32, #tpu.memory_space<vmem_shared>>
      %dma_wait3A_72 = arith.constant 0 : i32
      %dma_wait3A_73 = tpu.memref_slice %arg9[%add3A_20, %dma_wait3A_72] : memref<10240x128xf32, #tpu.memory_space<vmem_shared>> -> memref<128x128xf32, #tpu.memory_space<vmem_shared>>
      tpu.wait_dma2 semaphore(%run_scoped3A : memref<!tpu.dma_semaphore, #tpu.memory_space<semaphore_mem>>) src(%arg6 : memref<128x128xf32, #tpu.memory_space<vmem>>) dst(%dma_wait3A_73 : memref<128x128xf32, #tpu.memory_space<vmem_shared>>)
      tpu.yield
    }) : () -> ()
    %add3A_21 = arith.constant 512 : i32
    %add3A_22 = arith.addi %mul3A_2, %add3A_21 : i32
    "tpu.region"() ({
      %run_scoped3A = tpu.sem_alloc : memref<!tpu.dma_semaphore, #tpu.memory_space<semaphore_mem>>
      %dma_start3A_67 = arith.constant 0 : i32
      %dma_start3A_68 = tpu.memref_slice %arg9[%add3A_22, %dma_start3A_67] : memref<10240x128xf32, #tpu.memory_space<vmem_shared>> -> memref<128x128xf32, #tpu.memory_space<vmem_shared>>
      %dma_start3A_69 = arith.constant 0 : i32
      %dma_start3A_70 = tpu.memref_slice %arg9[%add3A_22, %dma_start3A_69] : memref<10240x128xf32, #tpu.memory_space<vmem_shared>> -> memref<128x128xf32, #tpu.memory_space<vmem_shared>>
      tpu.enqueue_dma source(%arg6 : memref<128x128xf32, #tpu.memory_space<vmem>>) target(%dma_start3A_70 : memref<128x128xf32, #tpu.memory_space<vmem_shared>>) target_semaphore(%run_scoped3A : memref<!tpu.dma_semaphore, #tpu.memory_space<semaphore_mem>>)
      %dma_wait3A = arith.constant 0 : i32
      %dma_wait3A_71 = tpu.memref_slice %arg9[%add3A_22, %dma_wait3A] : memref<10240x128xf32, #tpu.memory_space<vmem_shared>> -> memref<128x128xf32, #tpu.memory_space<vmem_shared>>
      %dma_wait3A_72 = arith.constant 0 : i32
      %dma_wait3A_73 = tpu.memref_slice %arg9[%add3A_22, %dma_wait3A_72] : memref<10240x128xf32, #tpu.memory_space<vmem_shared>> -> memref<128x128xf32, #tpu.memory_space<vmem_shared>>
      tpu.wait_dma2 semaphore(%run_scoped3A : memref<!tpu.dma_semaphore, #tpu.memory_space<semaphore_mem>>) src(%arg6 : memref<128x128xf32, #tpu.memory_space<vmem>>) dst(%dma_wait3A_73 : memref<128x128xf32, #tpu.memory_space<vmem_shared>>)
      tpu.yield
    }) : () -> ()
    %barrier3A = arith.constant 0 : index
    tpu.barrier barrier_id(%barrier3A)
    %add3A_23 = arith.constant 0 : i32
    %add3A_24 = arith.addi %mul3A_4, %add3A_23 : i32
    "tpu.region"() ({
      %run_scoped3A = tpu.sem_alloc : memref<!tpu.dma_semaphore, #tpu.memory_space<semaphore_mem>>
      %dma_start3A_67 = arith.constant 0 : i32
      %dma_start3A_68 = tpu.memref_slice %arg2[%add3A_24, %dma_start3A_67] : memref<2560x128xi32, #tpu.memory_space<hbm>> -> memref<40x128xi32, #tpu.memory_space<hbm>>
      %dma_start3A_69 = arith.constant 0 : i32
      %dma_start3A_70 = tpu.memref_slice %arg2[%add3A_24, %dma_start3A_69] : memref<2560x128xi32, #tpu.memory_space<hbm>> -> memref<40x128xi32, #tpu.memory_space<hbm>>
      tpu.enqueue_dma source(%dma_start3A_70 : memref<40x128xi32, #tpu.memory_space<hbm>>) target(%arg4 : memref<40x128xi32, #tpu.memory_space<vmem>>) target_semaphore(%run_scoped3A : memref<!tpu.dma_semaphore, #tpu.memory_space<semaphore_mem>>)
      %dma_wait3A = arith.constant 0 : i32
      %dma_wait3A_71 = tpu.memref_slice %arg2[%add3A_24, %dma_wait3A] : memref<2560x128xi32, #tpu.memory_space<hbm>> -> memref<40x128xi32, #tpu.memory_space<hbm>>
      %dma_wait3A_72 = arith.constant 0 : i32
      %dma_wait3A_73 = tpu.memref_slice %arg2[%add3A_24, %dma_wait3A_72] : memref<2560x128xi32, #tpu.memory_space<hbm>> -> memref<40x128xi32, #tpu.memory_space<hbm>>
      tpu.wait_dma2 semaphore(%run_scoped3A : memref<!tpu.dma_semaphore, #tpu.memory_space<semaphore_mem>>) src(%dma_wait3A_73 : memref<40x128xi32, #tpu.memory_space<hbm>>) dst(%arg4 : memref<40x128xi32, #tpu.memory_space<vmem>>)
      tpu.yield
    }) : () -> ()
    %dma_start3A = arith.constant 0 : i32
    %dma_start3A_25 = arith.constant 0 : i32
    %dma_start3A_26 = tpu.memref_slice %arg4[%dma_start3A, %dma_start3A_25] : memref<40x128xi32, #tpu.memory_space<vmem>> -> memref<1x128xi32, #tpu.memory_space<vmem>>
    %dma_start3A_27 = tpu.memref_squeeze %dma_start3A_26 : memref<1x128xi32, #tpu.memory_space<vmem>> -> memref<128xi32, #tpu.memory_space<vmem>>
    %dma_start3A_28 = arith.constant 0 : i32
    %dma_start3A_29 = arith.constant 0 : i32
    %dma_start3A_30 = tpu.memref_slice %arg9[%dma_start3A_28, %dma_start3A_29] : memref<10240x128xf32, #tpu.memory_space<vmem_shared>> -> memref<10240x128xf32, #tpu.memory_space<vmem_shared>>
    tpu.enqueue_indirect_dma source(%arg5 : memref<128x128xf32, #tpu.memory_space<vmem>>) target(%dma_start3A_30 : memref<10240x128xf32, #tpu.memory_space<vmem_shared>>) offsets(%dma_start3A_27 : memref<128xi32, #tpu.memory_space<vmem>>) semaphore(%arg7 : memref<!tpu.dma_semaphore, #tpu.memory_space<semaphore_mem>>) {add = true}
    %dma_start3A_31 = arith.constant 1 : i32
    %dma_start3A_32 = arith.constant 0 : i32
    %dma_start3A_33 = tpu.memref_slice %arg4[%dma_start3A_31, %dma_start3A_32] : memref<40x128xi32, #tpu.memory_space<vmem>> -> memref<1x128xi32, #tpu.memory_space<vmem>>
    %dma_start3A_34 = tpu.memref_squeeze %dma_start3A_33 : memref<1x128xi32, #tpu.memory_space<vmem>> -> memref<128xi32, #tpu.memory_space<vmem>>
    %dma_start3A_35 = arith.constant 0 : i32
    %dma_start3A_36 = arith.constant 0 : i32
    %dma_start3A_37 = tpu.memref_slice %arg9[%dma_start3A_35, %dma_start3A_36] : memref<10240x128xf32, #tpu.memory_space<vmem_shared>> -> memref<10240x128xf32, #tpu.memory_space<vmem_shared>>
    tpu.enqueue_indirect_dma source(%arg5 : memref<128x128xf32, #tpu.memory_space<vmem>>) target(%dma_start3A_37 : memref<10240x128xf32, #tpu.memory_space<vmem_shared>>) offsets(%dma_start3A_34 : memref<128xi32, #tpu.memory_space<vmem>>) semaphore(%arg8 : memref<!tpu.dma_semaphore, #tpu.memory_space<semaphore_mem>>) {add = true}
    %scan3A_38 = arith.constant 0 : i32
    %scan3A_39 = arith.constant 0 : i32
    %scan3A_40 = arith.constant 20 : i32
    %scan3A_41 = arith.addi %scan3A_39, %scan3A_40 : i32
    %scan3A_42 = arith.constant 1 : i32
    scf.for %scan3A_67 = %scan3A_39 to %scan3A_41 step %scan3A_42  : i32 {
      %mul3A_68 = arith.constant 2 : i32
      %mul3A_69 = arith.muli %mul3A_68, %scan3A_67 : i32
      %dma_wait3A = arith.constant 0 : i32
      %dma_wait3A_70 = arith.constant 0 : i32
      %dma_wait3A_71 = tpu.memref_slice %arg4[%dma_wait3A, %dma_wait3A_70] : memref<40x128xi32, #tpu.memory_space<vmem>> -> memref<1x128xi32, #tpu.memory_space<vmem>>
      %dma_wait3A_72 = tpu.memref_squeeze %dma_wait3A_71 : memref<1x128xi32, #tpu.memory_space<vmem>> -> memref<128xi32, #tpu.memory_space<vmem>>
      %dma_wait3A_73 = arith.constant 0 : i32
      %dma_wait3A_74 = arith.constant 0 : i32
      %dma_wait3A_75 = tpu.memref_slice %arg9[%dma_wait3A_73, %dma_wait3A_74] : memref<10240x128xf32, #tpu.memory_space<vmem_shared>> -> memref<10240x128xf32, #tpu.memory_space<vmem_shared>>
      tpu.wait_indirect_dma semaphore(%arg7 : memref<!tpu.dma_semaphore, #tpu.memory_space<semaphore_mem>>) src(%arg5 : memref<128x128xf32, #tpu.memory_space<vmem>>) dst(%dma_wait3A_75 : memref<10240x128xf32, #tpu.memory_space<vmem_shared>>)
      %add3A_76 = arith.constant 2 : i32
      %add3A_77 = arith.addi %mul3A_69, %add3A_76 : i32
      %lt3A = arith.constant 40 : i32
      %lt3A_78 = arith.cmpi slt, %add3A_77, %lt3A : i32
      %convert_element_type3A = arith.extui %lt3A_78 : i1 to i32
      %cond3A = arith.constant 0 : i32
      %cond3A_79 = arith.cmpi ne, %convert_element_type3A, %cond3A : i32
      scf.if %cond3A_79 {
        %add3A_94 = arith.constant 2 : i32
        %add3A_95 = arith.addi %mul3A_69, %add3A_94 : i32
        %dma_start3A_96 = arith.constant 0 : i32
        %dma_start3A_97 = tpu.memref_slice %arg4[%add3A_95, %dma_start3A_96] : memref<40x128xi32, #tpu.memory_space<vmem>> -> memref<1x128xi32, #tpu.memory_space<vmem>>
        %dma_start3A_98 = tpu.memref_squeeze %dma_start3A_97 : memref<1x128xi32, #tpu.memory_space<vmem>> -> memref<128xi32, #tpu.memory_space<vmem>>
        %dma_start3A_99 = arith.constant 0 : i32
        %dma_start3A_100 = arith.constant 0 : i32
        %dma_start3A_101 = tpu.memref_slice %arg9[%dma_start3A_99, %dma_start3A_100] : memref<10240x128xf32, #tpu.memory_space<vmem_shared>> -> memref<10240x128xf32, #tpu.memory_space<vmem_shared>>
        tpu.enqueue_indirect_dma source(%arg5 : memref<128x128xf32, #tpu.memory_space<vmem>>) target(%dma_start3A_101 : memref<10240x128xf32, #tpu.memory_space<vmem_shared>>) offsets(%dma_start3A_98 : memref<128xi32, #tpu.memory_space<vmem>>) semaphore(%arg7 : memref<!tpu.dma_semaphore, #tpu.memory_space<semaphore_mem>>) {add = true}
      } else {
      }
      %dma_wait3A_80 = arith.constant 0 : i32
      %dma_wait3A_81 = arith.constant 0 : i32
      %dma_wait3A_82 = tpu.memref_slice %arg4[%dma_wait3A_80, %dma_wait3A_81] : memref<40x128xi32, #tpu.memory_space<vmem>> -> memref<1x128xi32, #tpu.memory_space<vmem>>
      %dma_wait3A_83 = tpu.memref_squeeze %dma_wait3A_82 : memref<1x128xi32, #tpu.memory_space<vmem>> -> memref<128xi32, #tpu.memory_space<vmem>>
      %dma_wait3A_84 = arith.constant 0 : i32
      %dma_wait3A_85 = arith.constant 0 : i32
      %dma_wait3A_86 = tpu.memref_slice %arg9[%dma_wait3A_84, %dma_wait3A_85] : memref<10240x128xf32, #tpu.memory_space<vmem_shared>> -> memref<10240x128xf32, #tpu.memory_space<vmem_shared>>
      tpu.wait_indirect_dma semaphore(%arg8 : memref<!tpu.dma_semaphore, #tpu.memory_space<semaphore_mem>>) src(%arg5 : memref<128x128xf32, #tpu.memory_space<vmem>>) dst(%dma_wait3A_86 : memref<10240x128xf32, #tpu.memory_space<vmem_shared>>)
      %add3A_87 = arith.constant 3 : i32
      %add3A_88 = arith.addi %mul3A_69, %add3A_87 : i32
      %lt3A_89 = arith.constant 40 : i32
      %lt3A_90 = arith.cmpi slt, %add3A_88, %lt3A_89 : i32
      %convert_element_type3A_91 = arith.extui %lt3A_90 : i1 to i32
      %cond3A_92 = arith.constant 0 : i32
      %cond3A_93 = arith.cmpi ne, %convert_element_type3A_91, %cond3A_92 : i32
      scf.if %cond3A_93 {
        %add3A_94 = arith.constant 3 : i32
        %add3A_95 = arith.addi %mul3A_69, %add3A_94 : i32
        %dma_start3A_96 = arith.constant 0 : i32
        %dma_start3A_97 = tpu.memref_slice %arg4[%add3A_95, %dma_start3A_96] : memref<40x128xi32, #tpu.memory_space<vmem>> -> memref<1x128xi32, #tpu.memory_space<vmem>>
        %dma_start3A_98 = tpu.memref_squeeze %dma_start3A_97 : memref<1x128xi32, #tpu.memory_space<vmem>> -> memref<128xi32, #tpu.memory_space<vmem>>
        %dma_start3A_99 = arith.constant 0 : i32
        %dma_start3A_100 = arith.constant 0 : i32
        %dma_start3A_101 = tpu.memref_slice %arg9[%dma_start3A_99, %dma_start3A_100] : memref<10240x128xf32, #tpu.memory_space<vmem_shared>> -> memref<10240x128xf32, #tpu.memory_space<vmem_shared>>
        tpu.enqueue_indirect_dma source(%arg5 : memref<128x128xf32, #tpu.memory_space<vmem>>) target(%dma_start3A_101 : memref<10240x128xf32, #tpu.memory_space<vmem_shared>>) offsets(%dma_start3A_98 : memref<128xi32, #tpu.memory_space<vmem>>) semaphore(%arg8 : memref<!tpu.dma_semaphore, #tpu.memory_space<semaphore_mem>>) {add = true}
      } else {
      }
    }
    %scan3A_43 = arith.constant 20 : i32
    %add3A_44 = arith.constant 40 : i32
    %add3A_45 = arith.addi %mul3A_4, %add3A_44 : i32
    "tpu.region"() ({
      %run_scoped3A = tpu.sem_alloc : memref<!tpu.dma_semaphore, #tpu.memory_space<semaphore_mem>>
      %dma_start3A_67 = arith.constant 0 : i32
      %dma_start3A_68 = tpu.memref_slice %arg2[%add3A_45, %dma_start3A_67] : memref<2560x128xi32, #tpu.memory_space<hbm>> -> memref<40x128xi32, #tpu.memory_space<hbm>>
      %dma_start3A_69 = arith.constant 0 : i32
      %dma_start3A_70 = tpu.memref_slice %arg2[%add3A_45, %dma_start3A_69] : memref<2560x128xi32, #tpu.memory_space<hbm>> -> memref<40x128xi32, #tpu.memory_space<hbm>>
      tpu.enqueue_dma source(%dma_start3A_70 : memref<40x128xi32, #tpu.memory_space<hbm>>) target(%arg4 : memref<40x128xi32, #tpu.memory_space<vmem>>) target_semaphore(%run_scoped3A : memref<!tpu.dma_semaphore, #tpu.memory_space<semaphore_mem>>)
      %dma_wait3A = arith.constant 0 : i32
      %dma_wait3A_71 = tpu.memref_slice %arg2[%add3A_45, %dma_wait3A] : memref<2560x128xi32, #tpu.memory_space<hbm>> -> memref<40x128xi32, #tpu.memory_space<hbm>>
      %dma_wait3A_72 = arith.constant 0 : i32
      %dma_wait3A_73 = tpu.memref_slice %arg2[%add3A_45, %dma_wait3A_72] : memref<2560x128xi32, #tpu.memory_space<hbm>> -> memref<40x128xi32, #tpu.memory_space<hbm>>
      tpu.wait_dma2 semaphore(%run_scoped3A : memref<!tpu.dma_semaphore, #tpu.memory_space<semaphore_mem>>) src(%dma_wait3A_73 : memref<40x128xi32, #tpu.memory_space<hbm>>) dst(%arg4 : memref<40x128xi32, #tpu.memory_space<vmem>>)
      tpu.yield
    }) : () -> ()
    %dma_start3A_46 = arith.constant 0 : i32
    %dma_start3A_47 = arith.constant 0 : i32
    %dma_start3A_48 = tpu.memref_slice %arg4[%dma_start3A_46, %dma_start3A_47] : memref<40x128xi32, #tpu.memory_space<vmem>> -> memref<1x128xi32, #tpu.memory_space<vmem>>
    %dma_start3A_49 = tpu.memref_squeeze %dma_start3A_48 : memref<1x128xi32, #tpu.memory_space<vmem>> -> memref<128xi32, #tpu.memory_space<vmem>>
    %dma_start3A_50 = arith.constant 0 : i32
    %dma_start3A_51 = arith.constant 0 : i32
    %dma_start3A_52 = tpu.memref_slice %arg9[%dma_start3A_50, %dma_start3A_51] : memref<10240x128xf32, #tpu.memory_space<vmem_shared>> -> memref<10240x128xf32, #tpu.memory_space<vmem_shared>>
    tpu.enqueue_indirect_dma source(%arg5 : memref<128x128xf32, #tpu.memory_space<vmem>>) target(%dma_start3A_52 : memref<10240x128xf32, #tpu.memory_space<vmem_shared>>) offsets(%dma_start3A_49 : memref<128xi32, #tpu.memory_space<vmem>>) semaphore(%arg7 : memref<!tpu.dma_semaphore, #tpu.memory_space<semaphore_mem>>) {add = true}
    %dma_start3A_53 = arith.constant 1 : i32
    %dma_start3A_54 = arith.constant 0 : i32
    %dma_start3A_55 = tpu.memref_slice %arg4[%dma_start3A_53, %dma_start3A_54] : memref<40x128xi32, #tpu.memory_space<vmem>> -> memref<1x128xi32, #tpu.memory_space<vmem>>
    %dma_start3A_56 = tpu.memref_squeeze %dma_start3A_55 : memref<1x128xi32, #tpu.memory_space<vmem>> -> memref<128xi32, #tpu.memory_space<vmem>>
    %dma_start3A_57 = arith.constant 0 : i32
    %dma_start3A_58 = arith.constant 0 : i32
    %dma_start3A_59 = tpu.memref_slice %arg9[%dma_start3A_57, %dma_start3A_58] : memref<10240x128xf32, #tpu.memory_space<vmem_shared>> -> memref<10240x128xf32, #tpu.memory_space<vmem_shared>>
    tpu.enqueue_indirect_dma source(%arg5 : memref<128x128xf32, #tpu.memory_space<vmem>>) target(%dma_start3A_59 : memref<10240x128xf32, #tpu.memory_space<vmem_shared>>) offsets(%dma_start3A_56 : memref<128xi32, #tpu.memory_space<vmem>>) semaphore(%arg8 : memref<!tpu.dma_semaphore, #tpu.memory_space<semaphore_mem>>) {add = true}
    %scan3A_60 = arith.constant 0 : i32
    %scan3A_61 = arith.constant 0 : i32
    %scan3A_62 = arith.constant 20 : i32
    %scan3A_63 = arith.addi %scan3A_61, %scan3A_62 : i32
    %scan3A_64 = arith.constant 1 : i32
    scf.for %scan3A_67 = %scan3A_61 to %scan3A_63 step %scan3A_64  : i32 {
      %mul3A_68 = arith.constant 2 : i32
      %mul3A_69 = arith.muli %mul3A_68, %scan3A_67 : i32
      %dma_wait3A = arith.constant 0 : i32
      %dma_wait3A_70 = arith.constant 0 : i32
      %dma_wait3A_71 = tpu.memref_slice %arg4[%dma_wait3A, %dma_wait3A_70] : memref<40x128xi32, #tpu.memory_space<vmem>> -> memref<1x128xi32, #tpu.memory_space<vmem>>
      %dma_wait3A_72 = tpu.memref_squeeze %dma_wait3A_71 : memref<1x128xi32, #tpu.memory_space<vmem>> -> memref<128xi32, #tpu.memory_space<vmem>>
      %dma_wait3A_73 = arith.constant 0 : i32
      %dma_wait3A_74 = arith.constant 0 : i32
      %dma_wait3A_75 = tpu.memref_slice %arg9[%dma_wait3A_73, %dma_wait3A_74] : memref<10240x128xf32, #tpu.memory_space<vmem_shared>> -> memref<10240x128xf32, #tpu.memory_space<vmem_shared>>
      tpu.wait_indirect_dma semaphore(%arg7 : memref<!tpu.dma_semaphore, #tpu.memory_space<semaphore_mem>>) src(%arg5 : memref<128x128xf32, #tpu.memory_space<vmem>>) dst(%dma_wait3A_75 : memref<10240x128xf32, #tpu.memory_space<vmem_shared>>)
      %add3A_76 = arith.constant 2 : i32
      %add3A_77 = arith.addi %mul3A_69, %add3A_76 : i32
      %lt3A = arith.constant 40 : i32
      %lt3A_78 = arith.cmpi slt, %add3A_77, %lt3A : i32
      %convert_element_type3A = arith.extui %lt3A_78 : i1 to i32
      %cond3A = arith.constant 0 : i32
      %cond3A_79 = arith.cmpi ne, %convert_element_type3A, %cond3A : i32
      scf.if %cond3A_79 {
        %add3A_94 = arith.constant 2 : i32
        %add3A_95 = arith.addi %mul3A_69, %add3A_94 : i32
        %dma_start3A_96 = arith.constant 0 : i32
        %dma_start3A_97 = tpu.memref_slice %arg4[%add3A_95, %dma_start3A_96] : memref<40x128xi32, #tpu.memory_space<vmem>> -> memref<1x128xi32, #tpu.memory_space<vmem>>
        %dma_start3A_98 = tpu.memref_squeeze %dma_start3A_97 : memref<1x128xi32, #tpu.memory_space<vmem>> -> memref<128xi32, #tpu.memory_space<vmem>>
        %dma_start3A_99 = arith.constant 0 : i32
        %dma_start3A_100 = arith.constant 0 : i32
        %dma_start3A_101 = tpu.memref_slice %arg9[%dma_start3A_99, %dma_start3A_100] : memref<10240x128xf32, #tpu.memory_space<vmem_shared>> -> memref<10240x128xf32, #tpu.memory_space<vmem_shared>>
        tpu.enqueue_indirect_dma source(%arg5 : memref<128x128xf32, #tpu.memory_space<vmem>>) target(%dma_start3A_101 : memref<10240x128xf32, #tpu.memory_space<vmem_shared>>) offsets(%dma_start3A_98 : memref<128xi32, #tpu.memory_space<vmem>>) semaphore(%arg7 : memref<!tpu.dma_semaphore, #tpu.memory_space<semaphore_mem>>) {add = true}
      } else {
      }
      %dma_wait3A_80 = arith.constant 0 : i32
      %dma_wait3A_81 = arith.constant 0 : i32
      %dma_wait3A_82 = tpu.memref_slice %arg4[%dma_wait3A_80, %dma_wait3A_81] : memref<40x128xi32, #tpu.memory_space<vmem>> -> memref<1x128xi32, #tpu.memory_space<vmem>>
      %dma_wait3A_83 = tpu.memref_squeeze %dma_wait3A_82 : memref<1x128xi32, #tpu.memory_space<vmem>> -> memref<128xi32, #tpu.memory_space<vmem>>
      %dma_wait3A_84 = arith.constant 0 : i32
      %dma_wait3A_85 = arith.constant 0 : i32
      %dma_wait3A_86 = tpu.memref_slice %arg9[%dma_wait3A_84, %dma_wait3A_85] : memref<10240x128xf32, #tpu.memory_space<vmem_shared>> -> memref<10240x128xf32, #tpu.memory_space<vmem_shared>>
      tpu.wait_indirect_dma semaphore(%arg8 : memref<!tpu.dma_semaphore, #tpu.memory_space<semaphore_mem>>) src(%arg5 : memref<128x128xf32, #tpu.memory_space<vmem>>) dst(%dma_wait3A_86 : memref<10240x128xf32, #tpu.memory_space<vmem_shared>>)
      %add3A_87 = arith.constant 3 : i32
      %add3A_88 = arith.addi %mul3A_69, %add3A_87 : i32
      %lt3A_89 = arith.constant 40 : i32
      %lt3A_90 = arith.cmpi slt, %add3A_88, %lt3A_89 : i32
      %convert_element_type3A_91 = arith.extui %lt3A_90 : i1 to i32
      %cond3A_92 = arith.constant 0 : i32
      %cond3A_93 = arith.cmpi ne, %convert_element_type3A_91, %cond3A_92 : i32
      scf.if %cond3A_93 {
        %add3A_94 = arith.constant 3 : i32
        %add3A_95 = arith.addi %mul3A_69, %add3A_94 : i32
        %dma_start3A_96 = arith.constant 0 : i32
        %dma_start3A_97 = tpu.memref_slice %arg4[%add3A_95, %dma_start3A_96] : memref<40x128xi32, #tpu.memory_space<vmem>> -> memref<1x128xi32, #tpu.memory_space<vmem>>
        %dma_start3A_98 = tpu.memref_squeeze %dma_start3A_97 : memref<1x128xi32, #tpu.memory_space<vmem>> -> memref<128xi32, #tpu.memory_space<vmem>>
        %dma_start3A_99 = arith.constant 0 : i32
        %dma_start3A_100 = arith.constant 0 : i32
        %dma_start3A_101 = tpu.memref_slice %arg9[%dma_start3A_99, %dma_start3A_100] : memref<10240x128xf32, #tpu.memory_space<vmem_shared>> -> memref<10240x128xf32, #tpu.memory_space<vmem_shared>>
        tpu.enqueue_indirect_dma source(%arg5 : memref<128x128xf32, #tpu.memory_space<vmem>>) target(%dma_start3A_101 : memref<10240x128xf32, #tpu.memory_space<vmem_shared>>) offsets(%dma_start3A_98 : memref<128xi32, #tpu.memory_space<vmem>>) semaphore(%arg8 : memref<!tpu.dma_semaphore, #tpu.memory_space<semaphore_mem>>) {add = true}
      } else {
      }
    }
    %scan3A_65 = arith.constant 20 : i32
    %barrier3A_66 = arith.constant 0 : index
    tpu.barrier barrier_id(%barrier3A_66)
    "tpu.region"() ({
      %run_scoped3A = tpu.sem_alloc : memref<!tpu.dma_semaphore, #tpu.memory_space<semaphore_mem>>
      %dma_start3A_67 = arith.constant 0 : i32
      %dma_start3A_68 = tpu.memref_slice %arg3[%arg0, %mul3A_2, %dma_start3A_67] : memref<2x10240x128xf32, #tpu.memory_space<hbm>> -> memref<1x640x128xf32, #tpu.memory_space<hbm>>
      %dma_start3A_69 = tpu.memref_squeeze %dma_start3A_68 : memref<1x640x128xf32, #tpu.memory_space<hbm>> -> memref<640x128xf32, #tpu.memory_space<hbm>>
      %dma_start3A_70 = arith.constant 0 : i32
      %dma_start3A_71 = tpu.memref_slice %arg9[%mul3A_2, %dma_start3A_70] : memref<10240x128xf32, #tpu.memory_space<vmem_shared>> -> memref<640x128xf32, #tpu.memory_space<vmem_shared>>
      tpu.enqueue_dma source(%dma_start3A_71 : memref<640x128xf32, #tpu.memory_space<vmem_shared>>) target(%dma_start3A_69 : memref<640x128xf32, #tpu.memory_space<hbm>>) target_semaphore(%run_scoped3A : memref<!tpu.dma_semaphore, #tpu.memory_space<semaphore_mem>>)
      %dma_wait3A = arith.constant 0 : i32
      %dma_wait3A_72 = tpu.memref_slice %arg3[%arg0, %mul3A_2, %dma_wait3A] : memref<2x10240x128xf32, #tpu.memory_space<hbm>> -> memref<1x640x128xf32, #tpu.memory_space<hbm>>
      %dma_wait3A_73 = tpu.memref_squeeze %dma_wait3A_72 : memref<1x640x128xf32, #tpu.memory_space<hbm>> -> memref<640x128xf32, #tpu.memory_space<hbm>>
      %dma_wait3A_74 = arith.constant 0 : i32
      %dma_wait3A_75 = tpu.memref_slice %arg9[%mul3A_2, %dma_wait3A_74] : memref<10240x128xf32, #tpu.memory_space<vmem_shared>> -> memref<640x128xf32, #tpu.memory_space<vmem_shared>>
      tpu.wait_dma2 semaphore(%run_scoped3A : memref<!tpu.dma_semaphore, #tpu.memory_space<semaphore_mem>>) src(%dma_wait3A_75 : memref<640x128xf32, #tpu.memory_space<vmem_shared>>) dst(%dma_wait3A_73 : memref<640x128xf32, #tpu.memory_space<hbm>>)
      tpu.yield
    }) : () -> ()
    return
  }
}

#map = affine_map<(d0, d1) -> (0, 0)>
#map1 = affine_map<(d0, d1) -> (0, 0, 0)>
module attributes {stable_mosaic.version = 14 : i64} {
  func.func @agg_kernel(%arg0: i32, %arg1: i32, %arg2: memref<2560x128xi32, #tpu.memory_space<hbm>>, %arg3: memref<2560x128xi32, #tpu.memory_space<hbm>>, %arg4: memref<10000x128xf32, #tpu.memory_space<hbm>>, %arg5: memref<2x10240x128xf32, #tpu.memory_space<hbm>>, %arg6: memref<40x128xi32, #tpu.memory_space<vmem>>, %arg7: memref<40x128xi32, #tpu.memory_space<vmem>>, %arg8: memref<128x128xf32, #tpu.memory_space<vmem>>, %arg9: memref<128x128xf32, #tpu.memory_space<vmem>>, %arg10: memref<!tpu.dma_semaphore, #tpu.memory_space<semaphore_mem>>, %arg11: memref<!tpu.dma_semaphore, #tpu.memory_space<semaphore_mem>>, %arg12: memref<10240x128xf32, #tpu.memory_space<vmem_shared>>) attributes {dimension_semantics = [#tpu.dimension_semantics<core_parallel>, #tpu.dimension_semantics<subcore_parallel>], iteration_bounds = array<i64: 2, 16>, scalar_prefetch = 0 : i64, scratch_operands = 7 : i64, tpu.core_type = #tpu.core_type<sc_vector_subcore>, window_params = [{transform_indices = #map}, {transform_indices = #map}, {transform_indices = #map}, {transform_indices = #map1}]} {
    %mul3A = arith.constant 2 : i32
    %mul3A_0 = arith.muli %arg1, %mul3A : i32
    %add3A = arith.addi %mul3A_0, %arg0 : i32
    %mul3A_1 = arith.constant 640 : i32
    %mul3A_2 = arith.muli %arg1, %mul3A_1 : i32
    %mul3A_3 = arith.constant 80 : i32
    %mul3A_4 = arith.muli %add3A, %mul3A_3 : i32
    %broadcast_in_dim3A = arith.constant 0.000000e+00 : f32
    %broadcast_in_dim3A_5 = vector.broadcast %broadcast_in_dim3A : f32 to vector<16xf32>
    %scan3A = arith.constant 0 : i32
    %scan3A_6 = arith.constant 0 : i32
    %scan3A_7 = arith.constant 128 : i32
    %scan3A_8 = arith.addi %scan3A_6, %scan3A_7 : i32
    %scan3A_9 = arith.constant 1 : i32
    scf.for %scan3A_55 = %scan3A_6 to %scan3A_8 step %scan3A_9  : i32 {
      %swap3A = arith.index_cast %scan3A_55 : i32 to index
      %swap3A_56 = arith.constant 0 : index
      %swap3A_57 = tpu.vector_load %arg8[%swap3A, %swap3A_56] {strides = array<i32>} : memref<128x128xf32, #tpu.memory_space<vmem>>, vector<1x16xf32>,
      %swap3A_58 = vector.shape_cast %swap3A_57 : vector<1x16xf32> to vector<16xf32>
      %swap3A_59 = vector.shape_cast %broadcast_in_dim3A_5 : vector<16xf32> to vector<1x16xf32>
      tpu.vector_store %arg8[%swap3A, %swap3A_56], %swap3A_59 {strides = array<i32>} : memref<128x128xf32, #tpu.memory_space<vmem>>, vector<1x16xf32>,
      %swap3A_60 = arith.index_cast %scan3A_55 : i32 to index
      %swap3A_61 = arith.constant 16 : index
      %swap3A_62 = tpu.vector_load %arg8[%swap3A_60, %swap3A_61] {strides = array<i32>} : memref<128x128xf32, #tpu.memory_space<vmem>>, vector<1x16xf32>,
      %swap3A_63 = vector.shape_cast %swap3A_62 : vector<1x16xf32> to vector<16xf32>
      %swap3A_64 = vector.shape_cast %broadcast_in_dim3A_5 : vector<16xf32> to vector<1x16xf32>
      tpu.vector_store %arg8[%swap3A_60, %swap3A_61], %swap3A_64 {strides = array<i32>} : memref<128x128xf32, #tpu.memory_space<vmem>>, vector<1x16xf32>,
      %swap3A_65 = arith.index_cast %scan3A_55 : i32 to index
      %swap3A_66 = arith.constant 32 : index
      %swap3A_67 = tpu.vector_load %arg8[%swap3A_65, %swap3A_66] {strides = array<i32>} : memref<128x128xf32, #tpu.memory_space<vmem>>, vector<1x16xf32>,
      %swap3A_68 = vector.shape_cast %swap3A_67 : vector<1x16xf32> to vector<16xf32>
      %swap3A_69 = vector.shape_cast %broadcast_in_dim3A_5 : vector<16xf32> to vector<1x16xf32>
      tpu.vector_store %arg8[%swap3A_65, %swap3A_66], %swap3A_69 {strides = array<i32>} : memref<128x128xf32, #tpu.memory_space<vmem>>, vector<1x16xf32>,
      %swap3A_70 = arith.index_cast %scan3A_55 : i32 to index
      %swap3A_71 = arith.constant 48 : index
      %swap3A_72 = tpu.vector_load %arg8[%swap3A_70, %swap3A_71] {strides = array<i32>} : memref<128x128xf32, #tpu.memory_space<vmem>>, vector<1x16xf32>,
      %swap3A_73 = vector.shape_cast %swap3A_72 : vector<1x16xf32> to vector<16xf32>
      %swap3A_74 = vector.shape_cast %broadcast_in_dim3A_5 : vector<16xf32> to vector<1x16xf32>
      tpu.vector_store %arg8[%swap3A_70, %swap3A_71], %swap3A_74 {strides = array<i32>} : memref<128x128xf32, #tpu.memory_space<vmem>>, vector<1x16xf32>,
      %swap3A_75 = arith.index_cast %scan3A_55 : i32 to index
      %swap3A_76 = arith.constant 64 : index
      %swap3A_77 = tpu.vector_load %arg8[%swap3A_75, %swap3A_76] {strides = array<i32>} : memref<128x128xf32, #tpu.memory_space<vmem>>, vector<1x16xf32>,
      %swap3A_78 = vector.shape_cast %swap3A_77 : vector<1x16xf32> to vector<16xf32>
      %swap3A_79 = vector.shape_cast %broadcast_in_dim3A_5 : vector<16xf32> to vector<1x16xf32>
      tpu.vector_store %arg8[%swap3A_75, %swap3A_76], %swap3A_79 {strides = array<i32>} : memref<128x128xf32, #tpu.memory_space<vmem>>, vector<1x16xf32>,
      %swap3A_80 = arith.index_cast %scan3A_55 : i32 to index
      %swap3A_81 = arith.constant 80 : index
      %swap3A_82 = tpu.vector_load %arg8[%swap3A_80, %swap3A_81] {strides = array<i32>} : memref<128x128xf32, #tpu.memory_space<vmem>>, vector<1x16xf32>,
      %swap3A_83 = vector.shape_cast %swap3A_82 : vector<1x16xf32> to vector<16xf32>
      %swap3A_84 = vector.shape_cast %broadcast_in_dim3A_5 : vector<16xf32> to vector<1x16xf32>
      tpu.vector_store %arg8[%swap3A_80, %swap3A_81], %swap3A_84 {strides = array<i32>} : memref<128x128xf32, #tpu.memory_space<vmem>>, vector<1x16xf32>,
      %swap3A_85 = arith.index_cast %scan3A_55 : i32 to index
      %swap3A_86 = arith.constant 96 : index
      %swap3A_87 = tpu.vector_load %arg8[%swap3A_85, %swap3A_86] {strides = array<i32>} : memref<128x128xf32, #tpu.memory_space<vmem>>, vector<1x16xf32>,
      %swap3A_88 = vector.shape_cast %swap3A_87 : vector<1x16xf32> to vector<16xf32>
      %swap3A_89 = vector.shape_cast %broadcast_in_dim3A_5 : vector<16xf32> to vector<1x16xf32>
      tpu.vector_store %arg8[%swap3A_85, %swap3A_86], %swap3A_89 {strides = array<i32>} : memref<128x128xf32, #tpu.memory_space<vmem>>, vector<1x16xf32>,
      %swap3A_90 = arith.index_cast %scan3A_55 : i32 to index
      %swap3A_91 = arith.constant 112 : index
      %swap3A_92 = tpu.vector_load %arg8[%swap3A_90, %swap3A_91] {strides = array<i32>} : memref<128x128xf32, #tpu.memory_space<vmem>>, vector<1x16xf32>,
      %swap3A_93 = vector.shape_cast %swap3A_92 : vector<1x16xf32> to vector<16xf32>
      %swap3A_94 = vector.shape_cast %broadcast_in_dim3A_5 : vector<16xf32> to vector<1x16xf32>
      tpu.vector_store %arg8[%swap3A_90, %swap3A_91], %swap3A_94 {strides = array<i32>} : memref<128x128xf32, #tpu.memory_space<vmem>>, vector<1x16xf32>,
    }
    %scan3A_10 = arith.constant 128 : i32
    %add3A_11 = arith.constant 0 : i32
    %add3A_12 = arith.addi %mul3A_2, %add3A_11 : i32
    "tpu.region"() ({
      %run_scoped3A = tpu.sem_alloc : memref<!tpu.dma_semaphore, #tpu.memory_space<semaphore_mem>>
      %dma_start3A_55 = arith.constant 0 : i32
      %dma_start3A_56 = tpu.memref_slice %arg12[%add3A_12, %dma_start3A_55] : memref<10240x128xf32, #tpu.memory_space<vmem_shared>> -> memref<128x128xf32, #tpu.memory_space<vmem_shared>>
      %dma_start3A_57 = arith.constant 0 : i32
      %dma_start3A_58 = tpu.memref_slice %arg12[%add3A_12, %dma_start3A_57] : memref<10240x128xf32, #tpu.memory_space<vmem_shared>> -> memref<128x128xf32, #tpu.memory_space<vmem_shared>>
      tpu.enqueue_dma source(%arg8 : memref<128x128xf32, #tpu.memory_space<vmem>>) target(%dma_start3A_58 : memref<128x128xf32, #tpu.memory_space<vmem_shared>>) target_semaphore(%run_scoped3A : memref<!tpu.dma_semaphore, #tpu.memory_space<semaphore_mem>>)
      %dma_wait3A = arith.constant 0 : i32
      %dma_wait3A_59 = tpu.memref_slice %arg12[%add3A_12, %dma_wait3A] : memref<10240x128xf32, #tpu.memory_space<vmem_shared>> -> memref<128x128xf32, #tpu.memory_space<vmem_shared>>
      %dma_wait3A_60 = arith.constant 0 : i32
      %dma_wait3A_61 = tpu.memref_slice %arg12[%add3A_12, %dma_wait3A_60] : memref<10240x128xf32, #tpu.memory_space<vmem_shared>> -> memref<128x128xf32, #tpu.memory_space<vmem_shared>>
      tpu.wait_dma2 semaphore(%run_scoped3A : memref<!tpu.dma_semaphore, #tpu.memory_space<semaphore_mem>>) src(%arg8 : memref<128x128xf32, #tpu.memory_space<vmem>>) dst(%dma_wait3A_61 : memref<128x128xf32, #tpu.memory_space<vmem_shared>>)
      tpu.yield
    }) : () -> ()
    %add3A_13 = arith.constant 128 : i32
    %add3A_14 = arith.addi %mul3A_2, %add3A_13 : i32
    "tpu.region"() ({
      %run_scoped3A = tpu.sem_alloc : memref<!tpu.dma_semaphore, #tpu.memory_space<semaphore_mem>>
      %dma_start3A_55 = arith.constant 0 : i32
      %dma_start3A_56 = tpu.memref_slice %arg12[%add3A_14, %dma_start3A_55] : memref<10240x128xf32, #tpu.memory_space<vmem_shared>> -> memref<128x128xf32, #tpu.memory_space<vmem_shared>>
      %dma_start3A_57 = arith.constant 0 : i32
      %dma_start3A_58 = tpu.memref_slice %arg12[%add3A_14, %dma_start3A_57] : memref<10240x128xf32, #tpu.memory_space<vmem_shared>> -> memref<128x128xf32, #tpu.memory_space<vmem_shared>>
      tpu.enqueue_dma source(%arg8 : memref<128x128xf32, #tpu.memory_space<vmem>>) target(%dma_start3A_58 : memref<128x128xf32, #tpu.memory_space<vmem_shared>>) target_semaphore(%run_scoped3A : memref<!tpu.dma_semaphore, #tpu.memory_space<semaphore_mem>>)
      %dma_wait3A = arith.constant 0 : i32
      %dma_wait3A_59 = tpu.memref_slice %arg12[%add3A_14, %dma_wait3A] : memref<10240x128xf32, #tpu.memory_space<vmem_shared>> -> memref<128x128xf32, #tpu.memory_space<vmem_shared>>
      %dma_wait3A_60 = arith.constant 0 : i32
      %dma_wait3A_61 = tpu.memref_slice %arg12[%add3A_14, %dma_wait3A_60] : memref<10240x128xf32, #tpu.memory_space<vmem_shared>> -> memref<128x128xf32, #tpu.memory_space<vmem_shared>>
      tpu.wait_dma2 semaphore(%run_scoped3A : memref<!tpu.dma_semaphore, #tpu.memory_space<semaphore_mem>>) src(%arg8 : memref<128x128xf32, #tpu.memory_space<vmem>>) dst(%dma_wait3A_61 : memref<128x128xf32, #tpu.memory_space<vmem_shared>>)
      tpu.yield
    }) : () -> ()
    %add3A_15 = arith.constant 256 : i32
    %add3A_16 = arith.addi %mul3A_2, %add3A_15 : i32
    "tpu.region"() ({
      %run_scoped3A = tpu.sem_alloc : memref<!tpu.dma_semaphore, #tpu.memory_space<semaphore_mem>>
      %dma_start3A_55 = arith.constant 0 : i32
      %dma_start3A_56 = tpu.memref_slice %arg12[%add3A_16, %dma_start3A_55] : memref<10240x128xf32, #tpu.memory_space<vmem_shared>> -> memref<128x128xf32, #tpu.memory_space<vmem_shared>>
      %dma_start3A_57 = arith.constant 0 : i32
      %dma_start3A_58 = tpu.memref_slice %arg12[%add3A_16, %dma_start3A_57] : memref<10240x128xf32, #tpu.memory_space<vmem_shared>> -> memref<128x128xf32, #tpu.memory_space<vmem_shared>>
      tpu.enqueue_dma source(%arg8 : memref<128x128xf32, #tpu.memory_space<vmem>>) target(%dma_start3A_58 : memref<128x128xf32, #tpu.memory_space<vmem_shared>>) target_semaphore(%run_scoped3A : memref<!tpu.dma_semaphore, #tpu.memory_space<semaphore_mem>>)
      %dma_wait3A = arith.constant 0 : i32
      %dma_wait3A_59 = tpu.memref_slice %arg12[%add3A_16, %dma_wait3A] : memref<10240x128xf32, #tpu.memory_space<vmem_shared>> -> memref<128x128xf32, #tpu.memory_space<vmem_shared>>
      %dma_wait3A_60 = arith.constant 0 : i32
      %dma_wait3A_61 = tpu.memref_slice %arg12[%add3A_16, %dma_wait3A_60] : memref<10240x128xf32, #tpu.memory_space<vmem_shared>> -> memref<128x128xf32, #tpu.memory_space<vmem_shared>>
      tpu.wait_dma2 semaphore(%run_scoped3A : memref<!tpu.dma_semaphore, #tpu.memory_space<semaphore_mem>>) src(%arg8 : memref<128x128xf32, #tpu.memory_space<vmem>>) dst(%dma_wait3A_61 : memref<128x128xf32, #tpu.memory_space<vmem_shared>>)
      tpu.yield
    }) : () -> ()
    %add3A_17 = arith.constant 384 : i32
    %add3A_18 = arith.addi %mul3A_2, %add3A_17 : i32
    "tpu.region"() ({
      %run_scoped3A = tpu.sem_alloc : memref<!tpu.dma_semaphore, #tpu.memory_space<semaphore_mem>>
      %dma_start3A_55 = arith.constant 0 : i32
      %dma_start3A_56 = tpu.memref_slice %arg12[%add3A_18, %dma_start3A_55] : memref<10240x128xf32, #tpu.memory_space<vmem_shared>> -> memref<128x128xf32, #tpu.memory_space<vmem_shared>>
      %dma_start3A_57 = arith.constant 0 : i32
      %dma_start3A_58 = tpu.memref_slice %arg12[%add3A_18, %dma_start3A_57] : memref<10240x128xf32, #tpu.memory_space<vmem_shared>> -> memref<128x128xf32, #tpu.memory_space<vmem_shared>>
      tpu.enqueue_dma source(%arg8 : memref<128x128xf32, #tpu.memory_space<vmem>>) target(%dma_start3A_58 : memref<128x128xf32, #tpu.memory_space<vmem_shared>>) target_semaphore(%run_scoped3A : memref<!tpu.dma_semaphore, #tpu.memory_space<semaphore_mem>>)
      %dma_wait3A = arith.constant 0 : i32
      %dma_wait3A_59 = tpu.memref_slice %arg12[%add3A_18, %dma_wait3A] : memref<10240x128xf32, #tpu.memory_space<vmem_shared>> -> memref<128x128xf32, #tpu.memory_space<vmem_shared>>
      %dma_wait3A_60 = arith.constant 0 : i32
      %dma_wait3A_61 = tpu.memref_slice %arg12[%add3A_18, %dma_wait3A_60] : memref<10240x128xf32, #tpu.memory_space<vmem_shared>> -> memref<128x128xf32, #tpu.memory_space<vmem_shared>>
      tpu.wait_dma2 semaphore(%run_scoped3A : memref<!tpu.dma_semaphore, #tpu.memory_space<semaphore_mem>>) src(%arg8 : memref<128x128xf32, #tpu.memory_space<vmem>>) dst(%dma_wait3A_61 : memref<128x128xf32, #tpu.memory_space<vmem_shared>>)
      tpu.yield
    }) : () -> ()
    %add3A_19 = arith.constant 512 : i32
    %add3A_20 = arith.addi %mul3A_2, %add3A_19 : i32
    "tpu.region"() ({
      %run_scoped3A = tpu.sem_alloc : memref<!tpu.dma_semaphore, #tpu.memory_space<semaphore_mem>>
      %dma_start3A_55 = arith.constant 0 : i32
      %dma_start3A_56 = tpu.memref_slice %arg12[%add3A_20, %dma_start3A_55] : memref<10240x128xf32, #tpu.memory_space<vmem_shared>> -> memref<128x128xf32, #tpu.memory_space<vmem_shared>>
      %dma_start3A_57 = arith.constant 0 : i32
      %dma_start3A_58 = tpu.memref_slice %arg12[%add3A_20, %dma_start3A_57] : memref<10240x128xf32, #tpu.memory_space<vmem_shared>> -> memref<128x128xf32, #tpu.memory_space<vmem_shared>>
      tpu.enqueue_dma source(%arg8 : memref<128x128xf32, #tpu.memory_space<vmem>>) target(%dma_start3A_58 : memref<128x128xf32, #tpu.memory_space<vmem_shared>>) target_semaphore(%run_scoped3A : memref<!tpu.dma_semaphore, #tpu.memory_space<semaphore_mem>>)
      %dma_wait3A = arith.constant 0 : i32
      %dma_wait3A_59 = tpu.memref_slice %arg12[%add3A_20, %dma_wait3A] : memref<10240x128xf32, #tpu.memory_space<vmem_shared>> -> memref<128x128xf32, #tpu.memory_space<vmem_shared>>
      %dma_wait3A_60 = arith.constant 0 : i32
      %dma_wait3A_61 = tpu.memref_slice %arg12[%add3A_20, %dma_wait3A_60] : memref<10240x128xf32, #tpu.memory_space<vmem_shared>> -> memref<128x128xf32, #tpu.memory_space<vmem_shared>>
      tpu.wait_dma2 semaphore(%run_scoped3A : memref<!tpu.dma_semaphore, #tpu.memory_space<semaphore_mem>>) src(%arg8 : memref<128x128xf32, #tpu.memory_space<vmem>>) dst(%dma_wait3A_61 : memref<128x128xf32, #tpu.memory_space<vmem_shared>>)
      tpu.yield
    }) : () -> ()
    %barrier3A = arith.constant 0 : index
    tpu.barrier barrier_id(%barrier3A)
    %add3A_21 = arith.constant 0 : i32
    %add3A_22 = arith.addi %mul3A_4, %add3A_21 : i32
    "tpu.region"() ({
      %run_scoped3A = tpu.sem_alloc : memref<!tpu.dma_semaphore, #tpu.memory_space<semaphore_mem>>
      %dma_start3A_55 = arith.constant 0 : i32
      %dma_start3A_56 = tpu.memref_slice %arg2[%add3A_22, %dma_start3A_55] : memref<2560x128xi32, #tpu.memory_space<hbm>> -> memref<40x128xi32, #tpu.memory_space<hbm>>
      %dma_start3A_57 = arith.constant 0 : i32
      %dma_start3A_58 = tpu.memref_slice %arg2[%add3A_22, %dma_start3A_57] : memref<2560x128xi32, #tpu.memory_space<hbm>> -> memref<40x128xi32, #tpu.memory_space<hbm>>
      tpu.enqueue_dma source(%dma_start3A_58 : memref<40x128xi32, #tpu.memory_space<hbm>>) target(%arg6 : memref<40x128xi32, #tpu.memory_space<vmem>>) target_semaphore(%run_scoped3A : memref<!tpu.dma_semaphore, #tpu.memory_space<semaphore_mem>>)
      %dma_wait3A = arith.constant 0 : i32
      %dma_wait3A_59 = tpu.memref_slice %arg2[%add3A_22, %dma_wait3A] : memref<2560x128xi32, #tpu.memory_space<hbm>> -> memref<40x128xi32, #tpu.memory_space<hbm>>
      %dma_wait3A_60 = arith.constant 0 : i32
      %dma_wait3A_61 = tpu.memref_slice %arg2[%add3A_22, %dma_wait3A_60] : memref<2560x128xi32, #tpu.memory_space<hbm>> -> memref<40x128xi32, #tpu.memory_space<hbm>>
      tpu.wait_dma2 semaphore(%run_scoped3A : memref<!tpu.dma_semaphore, #tpu.memory_space<semaphore_mem>>) src(%dma_wait3A_61 : memref<40x128xi32, #tpu.memory_space<hbm>>) dst(%arg6 : memref<40x128xi32, #tpu.memory_space<vmem>>)
      tpu.yield
    }) : () -> ()
    %add3A_23 = arith.constant 0 : i32
    %add3A_24 = arith.addi %mul3A_4, %add3A_23 : i32
    "tpu.region"() ({
      %run_scoped3A = tpu.sem_alloc : memref<!tpu.dma_semaphore, #tpu.memory_space<semaphore_mem>>
      %dma_start3A_55 = arith.constant 0 : i32
      %dma_start3A_56 = tpu.memref_slice %arg3[%add3A_24, %dma_start3A_55] : memref<2560x128xi32, #tpu.memory_space<hbm>> -> memref<40x128xi32, #tpu.memory_space<hbm>>
      %dma_start3A_57 = arith.constant 0 : i32
      %dma_start3A_58 = tpu.memref_slice %arg3[%add3A_24, %dma_start3A_57] : memref<2560x128xi32, #tpu.memory_space<hbm>> -> memref<40x128xi32, #tpu.memory_space<hbm>>
      tpu.enqueue_dma source(%dma_start3A_58 : memref<40x128xi32, #tpu.memory_space<hbm>>) target(%arg7 : memref<40x128xi32, #tpu.memory_space<vmem>>) target_semaphore(%run_scoped3A : memref<!tpu.dma_semaphore, #tpu.memory_space<semaphore_mem>>)
      %dma_wait3A = arith.constant 0 : i32
      %dma_wait3A_59 = tpu.memref_slice %arg3[%add3A_24, %dma_wait3A] : memref<2560x128xi32, #tpu.memory_space<hbm>> -> memref<40x128xi32, #tpu.memory_space<hbm>>
      %dma_wait3A_60 = arith.constant 0 : i32
      %dma_wait3A_61 = tpu.memref_slice %arg3[%add3A_24, %dma_wait3A_60] : memref<2560x128xi32, #tpu.memory_space<hbm>> -> memref<40x128xi32, #tpu.memory_space<hbm>>
      tpu.wait_dma2 semaphore(%run_scoped3A : memref<!tpu.dma_semaphore, #tpu.memory_space<semaphore_mem>>) src(%dma_wait3A_61 : memref<40x128xi32, #tpu.memory_space<hbm>>) dst(%arg7 : memref<40x128xi32, #tpu.memory_space<vmem>>)
      tpu.yield
    }) : () -> ()
    %dma_start3A = arith.constant 0 : i32
    %dma_start3A_25 = arith.constant 0 : i32
    %dma_start3A_26 = tpu.memref_slice %arg6[%dma_start3A, %dma_start3A_25] : memref<40x128xi32, #tpu.memory_space<vmem>> -> memref<1x128xi32, #tpu.memory_space<vmem>>
    %dma_start3A_27 = tpu.memref_squeeze %dma_start3A_26 : memref<1x128xi32, #tpu.memory_space<vmem>> -> memref<128xi32, #tpu.memory_space<vmem>>
    %dma_start3A_28 = arith.constant 0 : i32
    %dma_start3A_29 = arith.constant 0 : i32
    %dma_start3A_30 = tpu.memref_slice %arg4[%dma_start3A_28, %dma_start3A_29] : memref<10000x128xf32, #tpu.memory_space<hbm>> -> memref<10000x128xf32, #tpu.memory_space<hbm>>
    tpu.enqueue_indirect_dma source(%dma_start3A_30 : memref<10000x128xf32, #tpu.memory_space<hbm>>) target(%arg8 : memref<128x128xf32, #tpu.memory_space<vmem>>) offsets(%dma_start3A_27 : memref<128xi32, #tpu.memory_space<vmem>>) semaphore(%arg10 : memref<!tpu.dma_semaphore, #tpu.memory_space<semaphore_mem>>)
    %scan3A_31 = arith.constant 0 : i32
    %scan3A_32 = arith.constant 0 : i32
    %scan3A_33 = arith.constant 20 : i32
    %scan3A_34 = arith.addi %scan3A_32, %scan3A_33 : i32
    %scan3A_35 = arith.constant 1 : i32
    scf.for %scan3A_55 = %scan3A_32 to %scan3A_34 step %scan3A_35  : i32 {
      %mul3A_56 = arith.constant 2 : i32
      %mul3A_57 = arith.muli %mul3A_56, %scan3A_55 : i32
      %add3A_58 = arith.constant 1 : i32
      %add3A_59 = arith.addi %mul3A_57, %add3A_58 : i32
      %dma_start3A_60 = arith.constant 0 : i32
      %dma_start3A_61 = tpu.memref_slice %arg6[%add3A_59, %dma_start3A_60] : memref<40x128xi32, #tpu.memory_space<vmem>> -> memref<1x128xi32, #tpu.memory_space<vmem>>
      %dma_start3A_62 = tpu.memref_squeeze %dma_start3A_61 : memref<1x128xi32, #tpu.memory_space<vmem>> -> memref<128xi32, #tpu.memory_space<vmem>>
      %dma_start3A_63 = arith.constant 0 : i32
      %dma_start3A_64 = arith.constant 0 : i32
      %dma_start3A_65 = tpu.memref_slice %arg4[%dma_start3A_63, %dma_start3A_64] : memref<10000x128xf32, #tpu.memory_space<hbm>> -> memref<10000x128xf32, #tpu.memory_space<hbm>>
      tpu.enqueue_indirect_dma source(%dma_start3A_65 : memref<10000x128xf32, #tpu.memory_space<hbm>>) target(%arg9 : memref<128x128xf32, #tpu.memory_space<vmem>>) offsets(%dma_start3A_62 : memref<128xi32, #tpu.memory_space<vmem>>) semaphore(%arg11 : memref<!tpu.dma_semaphore, #tpu.memory_space<semaphore_mem>>)
      %dma_wait3A = arith.constant 0 : i32
      %dma_wait3A_66 = tpu.memref_slice %arg6[%mul3A_57, %dma_wait3A] : memref<40x128xi32, #tpu.memory_space<vmem>> -> memref<1x128xi32, #tpu.memory_space<vmem>>
      %dma_wait3A_67 = tpu.memref_squeeze %dma_wait3A_66 : memref<1x128xi32, #tpu.memory_space<vmem>> -> memref<128xi32, #tpu.memory_space<vmem>>
      %dma_wait3A_68 = arith.constant 0 : i32
      %dma_wait3A_69 = arith.constant 0 : i32
      %dma_wait3A_70 = tpu.memref_slice %arg4[%dma_wait3A_68, %dma_wait3A_69] : memref<10000x128xf32, #tpu.memory_space<hbm>> -> memref<10000x128xf32, #tpu.memory_space<hbm>>
      tpu.wait_indirect_dma semaphore(%arg10 : memref<!tpu.dma_semaphore, #tpu.memory_space<semaphore_mem>>) src(%dma_wait3A_70 : memref<10000x128xf32, #tpu.memory_space<hbm>>) dst(%arg8 : memref<128x128xf32, #tpu.memory_space<vmem>>)
      "tpu.region"() ({
        %run_scoped3A = tpu.sem_alloc : memref<!tpu.dma_semaphore, #tpu.memory_space<semaphore_mem>>
        %dma_start3A_85 = arith.constant 0 : i32
        %dma_start3A_86 = tpu.memref_slice %arg7[%mul3A_57, %dma_start3A_85] : memref<40x128xi32, #tpu.memory_space<vmem>> -> memref<1x128xi32, #tpu.memory_space<vmem>>
        %dma_start3A_87 = tpu.memref_squeeze %dma_start3A_86 : memref<1x128xi32, #tpu.memory_space<vmem>> -> memref<128xi32, #tpu.memory_space<vmem>>
        %dma_start3A_88 = arith.constant 0 : i32
        %dma_start3A_89 = arith.constant 0 : i32
        %dma_start3A_90 = tpu.memref_slice %arg12[%dma_start3A_88, %dma_start3A_89] : memref<10240x128xf32, #tpu.memory_space<vmem_shared>> -> memref<10240x128xf32, #tpu.memory_space<vmem_shared>>
        tpu.enqueue_indirect_dma source(%arg8 : memref<128x128xf32, #tpu.memory_space<vmem>>) target(%dma_start3A_90 : memref<10240x128xf32, #tpu.memory_space<vmem_shared>>) offsets(%dma_start3A_87 : memref<128xi32, #tpu.memory_space<vmem>>) semaphore(%run_scoped3A : memref<!tpu.dma_semaphore, #tpu.memory_space<semaphore_mem>>) {add = true}
        %dma_wait3A_91 = arith.constant 0 : i32
        %dma_wait3A_92 = tpu.memref_slice %arg7[%mul3A_57, %dma_wait3A_91] : memref<40x128xi32, #tpu.memory_space<vmem>> -> memref<1x128xi32, #tpu.memory_space<vmem>>
        %dma_wait3A_93 = tpu.memref_squeeze %dma_wait3A_92 : memref<1x128xi32, #tpu.memory_space<vmem>> -> memref<128xi32, #tpu.memory_space<vmem>>
        %dma_wait3A_94 = arith.constant 0 : i32
        %dma_wait3A_95 = arith.constant 0 : i32
        %dma_wait3A_96 = tpu.memref_slice %arg12[%dma_wait3A_94, %dma_wait3A_95] : memref<10240x128xf32, #tpu.memory_space<vmem_shared>> -> memref<10240x128xf32, #tpu.memory_space<vmem_shared>>
        tpu.wait_indirect_dma semaphore(%run_scoped3A : memref<!tpu.dma_semaphore, #tpu.memory_space<semaphore_mem>>) src(%arg8 : memref<128x128xf32, #tpu.memory_space<vmem>>) dst(%dma_wait3A_96 : memref<10240x128xf32, #tpu.memory_space<vmem_shared>>)
        tpu.yield
      }) : () -> ()
      %add3A_71 = arith.constant 2 : i32
      %add3A_72 = arith.addi %mul3A_57, %add3A_71 : i32
      %lt3A = arith.constant 40 : i32
      %lt3A_73 = arith.cmpi slt, %add3A_72, %lt3A : i32
      %convert_element_type3A = arith.extui %lt3A_73 : i1 to i32
      %cond3A = arith.constant 0 : i32
      %cond3A_74 = arith.cmpi ne, %convert_element_type3A, %cond3A : i32
      scf.if %cond3A_74 {
        %add3A_85 = arith.constant 2 : i32
        %add3A_86 = arith.addi %mul3A_57, %add3A_85 : i32
        %dma_start3A_87 = arith.constant 0 : i32
        %dma_start3A_88 = tpu.memref_slice %arg6[%add3A_86, %dma_start3A_87] : memref<40x128xi32, #tpu.memory_space<vmem>> -> memref<1x128xi32, #tpu.memory_space<vmem>>
        %dma_start3A_89 = tpu.memref_squeeze %dma_start3A_88 : memref<1x128xi32, #tpu.memory_space<vmem>> -> memref<128xi32, #tpu.memory_space<vmem>>
        %dma_start3A_90 = arith.constant 0 : i32
        %dma_start3A_91 = arith.constant 0 : i32
        %dma_start3A_92 = tpu.memref_slice %arg4[%dma_start3A_90, %dma_start3A_91] : memref<10000x128xf32, #tpu.memory_space<hbm>> -> memref<10000x128xf32, #tpu.memory_space<hbm>>
        tpu.enqueue_indirect_dma source(%dma_start3A_92 : memref<10000x128xf32, #tpu.memory_space<hbm>>) target(%arg8 : memref<128x128xf32, #tpu.memory_space<vmem>>) offsets(%dma_start3A_89 : memref<128xi32, #tpu.memory_space<vmem>>) semaphore(%arg10 : memref<!tpu.dma_semaphore, #tpu.memory_space<semaphore_mem>>)
      } else {
      }
      %add3A_75 = arith.constant 1 : i32
      %add3A_76 = arith.addi %mul3A_57, %add3A_75 : i32
      %dma_wait3A_77 = arith.constant 0 : i32
      %dma_wait3A_78 = tpu.memref_slice %arg6[%add3A_76, %dma_wait3A_77] : memref<40x128xi32, #tpu.memory_space<vmem>> -> memref<1x128xi32, #tpu.memory_space<vmem>>
      %dma_wait3A_79 = tpu.memref_squeeze %dma_wait3A_78 : memref<1x128xi32, #tpu.memory_space<vmem>> -> memref<128xi32, #tpu.memory_space<vmem>>
      %dma_wait3A_80 = arith.constant 0 : i32
      %dma_wait3A_81 = arith.constant 0 : i32
      %dma_wait3A_82 = tpu.memref_slice %arg4[%dma_wait3A_80, %dma_wait3A_81] : memref<10000x128xf32, #tpu.memory_space<hbm>> -> memref<10000x128xf32, #tpu.memory_space<hbm>>
      tpu.wait_indirect_dma semaphore(%arg11 : memref<!tpu.dma_semaphore, #tpu.memory_space<semaphore_mem>>) src(%dma_wait3A_82 : memref<10000x128xf32, #tpu.memory_space<hbm>>) dst(%arg9 : memref<128x128xf32, #tpu.memory_space<vmem>>)
      %add3A_83 = arith.constant 1 : i32
      %add3A_84 = arith.addi %mul3A_57, %add3A_83 : i32
      "tpu.region"() ({
        %run_scoped3A = tpu.sem_alloc : memref<!tpu.dma_semaphore, #tpu.memory_space<semaphore_mem>>
        %dma_start3A_85 = arith.constant 0 : i32
        %dma_start3A_86 = tpu.memref_slice %arg7[%add3A_84, %dma_start3A_85] : memref<40x128xi32, #tpu.memory_space<vmem>> -> memref<1x128xi32, #tpu.memory_space<vmem>>
        %dma_start3A_87 = tpu.memref_squeeze %dma_start3A_86 : memref<1x128xi32, #tpu.memory_space<vmem>> -> memref<128xi32, #tpu.memory_space<vmem>>
        %dma_start3A_88 = arith.constant 0 : i32
        %dma_start3A_89 = arith.constant 0 : i32
        %dma_start3A_90 = tpu.memref_slice %arg12[%dma_start3A_88, %dma_start3A_89] : memref<10240x128xf32, #tpu.memory_space<vmem_shared>> -> memref<10240x128xf32, #tpu.memory_space<vmem_shared>>
        tpu.enqueue_indirect_dma source(%arg9 : memref<128x128xf32, #tpu.memory_space<vmem>>) target(%dma_start3A_90 : memref<10240x128xf32, #tpu.memory_space<vmem_shared>>) offsets(%dma_start3A_87 : memref<128xi32, #tpu.memory_space<vmem>>) semaphore(%run_scoped3A : memref<!tpu.dma_semaphore, #tpu.memory_space<semaphore_mem>>) {add = true}
        %dma_wait3A_91 = arith.constant 0 : i32
        %dma_wait3A_92 = tpu.memref_slice %arg7[%add3A_84, %dma_wait3A_91] : memref<40x128xi32, #tpu.memory_space<vmem>> -> memref<1x128xi32, #tpu.memory_space<vmem>>
        %dma_wait3A_93 = tpu.memref_squeeze %dma_wait3A_92 : memref<1x128xi32, #tpu.memory_space<vmem>> -> memref<128xi32, #tpu.memory_space<vmem>>
        %dma_wait3A_94 = arith.constant 0 : i32
        %dma_wait3A_95 = arith.constant 0 : i32
        %dma_wait3A_96 = tpu.memref_slice %arg12[%dma_wait3A_94, %dma_wait3A_95] : memref<10240x128xf32, #tpu.memory_space<vmem_shared>> -> memref<10240x128xf32, #tpu.memory_space<vmem_shared>>
        tpu.wait_indirect_dma semaphore(%run_scoped3A : memref<!tpu.dma_semaphore, #tpu.memory_space<semaphore_mem>>) src(%arg9 : memref<128x128xf32, #tpu.memory_space<vmem>>) dst(%dma_wait3A_96 : memref<10240x128xf32, #tpu.memory_space<vmem_shared>>)
        tpu.yield
      }) : () -> ()
    }
    %scan3A_36 = arith.constant 20 : i32
    %add3A_37 = arith.constant 40 : i32
    %add3A_38 = arith.addi %mul3A_4, %add3A_37 : i32
    "tpu.region"() ({
      %run_scoped3A = tpu.sem_alloc : memref<!tpu.dma_semaphore, #tpu.memory_space<semaphore_mem>>
      %dma_start3A_55 = arith.constant 0 : i32
      %dma_start3A_56 = tpu.memref_slice %arg2[%add3A_38, %dma_start3A_55] : memref<2560x128xi32, #tpu.memory_space<hbm>> -> memref<40x128xi32, #tpu.memory_space<hbm>>
      %dma_start3A_57 = arith.constant 0 : i32
      %dma_start3A_58 = tpu.memref_slice %arg2[%add3A_38, %dma_start3A_57] : memref<2560x128xi32, #tpu.memory_space<hbm>> -> memref<40x128xi32, #tpu.memory_space<hbm>>
      tpu.enqueue_dma source(%dma_start3A_58 : memref<40x128xi32, #tpu.memory_space<hbm>>) target(%arg6 : memref<40x128xi32, #tpu.memory_space<vmem>>) target_semaphore(%run_scoped3A : memref<!tpu.dma_semaphore, #tpu.memory_space<semaphore_mem>>)
      %dma_wait3A = arith.constant 0 : i32
      %dma_wait3A_59 = tpu.memref_slice %arg2[%add3A_38, %dma_wait3A] : memref<2560x128xi32, #tpu.memory_space<hbm>> -> memref<40x128xi32, #tpu.memory_space<hbm>>
      %dma_wait3A_60 = arith.constant 0 : i32
      %dma_wait3A_61 = tpu.memref_slice %arg2[%add3A_38, %dma_wait3A_60] : memref<2560x128xi32, #tpu.memory_space<hbm>> -> memref<40x128xi32, #tpu.memory_space<hbm>>
      tpu.wait_dma2 semaphore(%run_scoped3A : memref<!tpu.dma_semaphore, #tpu.memory_space<semaphore_mem>>) src(%dma_wait3A_61 : memref<40x128xi32, #tpu.memory_space<hbm>>) dst(%arg6 : memref<40x128xi32, #tpu.memory_space<vmem>>)
      tpu.yield
    }) : () -> ()
    %add3A_39 = arith.constant 40 : i32
    %add3A_40 = arith.addi %mul3A_4, %add3A_39 : i32
    "tpu.region"() ({
      %run_scoped3A = tpu.sem_alloc : memref<!tpu.dma_semaphore, #tpu.memory_space<semaphore_mem>>
      %dma_start3A_55 = arith.constant 0 : i32
      %dma_start3A_56 = tpu.memref_slice %arg3[%add3A_40, %dma_start3A_55] : memref<2560x128xi32, #tpu.memory_space<hbm>> -> memref<40x128xi32, #tpu.memory_space<hbm>>
      %dma_start3A_57 = arith.constant 0 : i32
      %dma_start3A_58 = tpu.memref_slice %arg3[%add3A_40, %dma_start3A_57] : memref<2560x128xi32, #tpu.memory_space<hbm>> -> memref<40x128xi32, #tpu.memory_space<hbm>>
      tpu.enqueue_dma source(%dma_start3A_58 : memref<40x128xi32, #tpu.memory_space<hbm>>) target(%arg7 : memref<40x128xi32, #tpu.memory_space<vmem>>) target_semaphore(%run_scoped3A : memref<!tpu.dma_semaphore, #tpu.memory_space<semaphore_mem>>)
      %dma_wait3A = arith.constant 0 : i32
      %dma_wait3A_59 = tpu.memref_slice %arg3[%add3A_40, %dma_wait3A] : memref<2560x128xi32, #tpu.memory_space<hbm>> -> memref<40x128xi32, #tpu.memory_space<hbm>>
      %dma_wait3A_60 = arith.constant 0 : i32
      %dma_wait3A_61 = tpu.memref_slice %arg3[%add3A_40, %dma_wait3A_60] : memref<2560x128xi32, #tpu.memory_space<hbm>> -> memref<40x128xi32, #tpu.memory_space<hbm>>
      tpu.wait_dma2 semaphore(%run_scoped3A : memref<!tpu.dma_semaphore, #tpu.memory_space<semaphore_mem>>) src(%dma_wait3A_61 : memref<40x128xi32, #tpu.memory_space<hbm>>) dst(%arg7 : memref<40x128xi32, #tpu.memory_space<vmem>>)
      tpu.yield
    }) : () -> ()
    %dma_start3A_41 = arith.constant 0 : i32
    %dma_start3A_42 = arith.constant 0 : i32
    %dma_start3A_43 = tpu.memref_slice %arg6[%dma_start3A_41, %dma_start3A_42] : memref<40x128xi32, #tpu.memory_space<vmem>> -> memref<1x128xi32, #tpu.memory_space<vmem>>
    %dma_start3A_44 = tpu.memref_squeeze %dma_start3A_43 : memref<1x128xi32, #tpu.memory_space<vmem>> -> memref<128xi32, #tpu.memory_space<vmem>>
    %dma_start3A_45 = arith.constant 0 : i32
    %dma_start3A_46 = arith.constant 0 : i32
    %dma_start3A_47 = tpu.memref_slice %arg4[%dma_start3A_45, %dma_start3A_46] : memref<10000x128xf32, #tpu.memory_space<hbm>> -> memref<10000x128xf32, #tpu.memory_space<hbm>>
    tpu.enqueue_indirect_dma source(%dma_start3A_47 : memref<10000x128xf32, #tpu.memory_space<hbm>>) target(%arg8 : memref<128x128xf32, #tpu.memory_space<vmem>>) offsets(%dma_start3A_44 : memref<128xi32, #tpu.memory_space<vmem>>) semaphore(%arg10 : memref<!tpu.dma_semaphore, #tpu.memory_space<semaphore_mem>>)
    %scan3A_48 = arith.constant 0 : i32
    %scan3A_49 = arith.constant 0 : i32
    %scan3A_50 = arith.constant 20 : i32
    %scan3A_51 = arith.addi %scan3A_49, %scan3A_50 : i32
    %scan3A_52 = arith.constant 1 : i32
    scf.for %scan3A_55 = %scan3A_49 to %scan3A_51 step %scan3A_52  : i32 {
      %mul3A_56 = arith.constant 2 : i32
      %mul3A_57 = arith.muli %mul3A_56, %scan3A_55 : i32
      %add3A_58 = arith.constant 1 : i32
      %add3A_59 = arith.addi %mul3A_57, %add3A_58 : i32
      %dma_start3A_60 = arith.constant 0 : i32
      %dma_start3A_61 = tpu.memref_slice %arg6[%add3A_59, %dma_start3A_60] : memref<40x128xi32, #tpu.memory_space<vmem>> -> memref<1x128xi32, #tpu.memory_space<vmem>>
      %dma_start3A_62 = tpu.memref_squeeze %dma_start3A_61 : memref<1x128xi32, #tpu.memory_space<vmem>> -> memref<128xi32, #tpu.memory_space<vmem>>
      %dma_start3A_63 = arith.constant 0 : i32
      %dma_start3A_64 = arith.constant 0 : i32
      %dma_start3A_65 = tpu.memref_slice %arg4[%dma_start3A_63, %dma_start3A_64] : memref<10000x128xf32, #tpu.memory_space<hbm>> -> memref<10000x128xf32, #tpu.memory_space<hbm>>
      tpu.enqueue_indirect_dma source(%dma_start3A_65 : memref<10000x128xf32, #tpu.memory_space<hbm>>) target(%arg9 : memref<128x128xf32, #tpu.memory_space<vmem>>) offsets(%dma_start3A_62 : memref<128xi32, #tpu.memory_space<vmem>>) semaphore(%arg11 : memref<!tpu.dma_semaphore, #tpu.memory_space<semaphore_mem>>)
      %dma_wait3A = arith.constant 0 : i32
      %dma_wait3A_66 = tpu.memref_slice %arg6[%mul3A_57, %dma_wait3A] : memref<40x128xi32, #tpu.memory_space<vmem>> -> memref<1x128xi32, #tpu.memory_space<vmem>>
      %dma_wait3A_67 = tpu.memref_squeeze %dma_wait3A_66 : memref<1x128xi32, #tpu.memory_space<vmem>> -> memref<128xi32, #tpu.memory_space<vmem>>
      %dma_wait3A_68 = arith.constant 0 : i32
      %dma_wait3A_69 = arith.constant 0 : i32
      %dma_wait3A_70 = tpu.memref_slice %arg4[%dma_wait3A_68, %dma_wait3A_69] : memref<10000x128xf32, #tpu.memory_space<hbm>> -> memref<10000x128xf32, #tpu.memory_space<hbm>>
      tpu.wait_indirect_dma semaphore(%arg10 : memref<!tpu.dma_semaphore, #tpu.memory_space<semaphore_mem>>) src(%dma_wait3A_70 : memref<10000x128xf32, #tpu.memory_space<hbm>>) dst(%arg8 : memref<128x128xf32, #tpu.memory_space<vmem>>)
      "tpu.region"() ({
        %run_scoped3A = tpu.sem_alloc : memref<!tpu.dma_semaphore, #tpu.memory_space<semaphore_mem>>
        %dma_start3A_85 = arith.constant 0 : i32
        %dma_start3A_86 = tpu.memref_slice %arg7[%mul3A_57, %dma_start3A_85] : memref<40x128xi32, #tpu.memory_space<vmem>> -> memref<1x128xi32, #tpu.memory_space<vmem>>
        %dma_start3A_87 = tpu.memref_squeeze %dma_start3A_86 : memref<1x128xi32, #tpu.memory_space<vmem>> -> memref<128xi32, #tpu.memory_space<vmem>>
        %dma_start3A_88 = arith.constant 0 : i32
        %dma_start3A_89 = arith.constant 0 : i32
        %dma_start3A_90 = tpu.memref_slice %arg12[%dma_start3A_88, %dma_start3A_89] : memref<10240x128xf32, #tpu.memory_space<vmem_shared>> -> memref<10240x128xf32, #tpu.memory_space<vmem_shared>>
        tpu.enqueue_indirect_dma source(%arg8 : memref<128x128xf32, #tpu.memory_space<vmem>>) target(%dma_start3A_90 : memref<10240x128xf32, #tpu.memory_space<vmem_shared>>) offsets(%dma_start3A_87 : memref<128xi32, #tpu.memory_space<vmem>>) semaphore(%run_scoped3A : memref<!tpu.dma_semaphore, #tpu.memory_space<semaphore_mem>>) {add = true}
        %dma_wait3A_91 = arith.constant 0 : i32
        %dma_wait3A_92 = tpu.memref_slice %arg7[%mul3A_57, %dma_wait3A_91] : memref<40x128xi32, #tpu.memory_space<vmem>> -> memref<1x128xi32, #tpu.memory_space<vmem>>
        %dma_wait3A_93 = tpu.memref_squeeze %dma_wait3A_92 : memref<1x128xi32, #tpu.memory_space<vmem>> -> memref<128xi32, #tpu.memory_space<vmem>>
        %dma_wait3A_94 = arith.constant 0 : i32
        %dma_wait3A_95 = arith.constant 0 : i32
        %dma_wait3A_96 = tpu.memref_slice %arg12[%dma_wait3A_94, %dma_wait3A_95] : memref<10240x128xf32, #tpu.memory_space<vmem_shared>> -> memref<10240x128xf32, #tpu.memory_space<vmem_shared>>
        tpu.wait_indirect_dma semaphore(%run_scoped3A : memref<!tpu.dma_semaphore, #tpu.memory_space<semaphore_mem>>) src(%arg8 : memref<128x128xf32, #tpu.memory_space<vmem>>) dst(%dma_wait3A_96 : memref<10240x128xf32, #tpu.memory_space<vmem_shared>>)
        tpu.yield
      }) : () -> ()
      %add3A_71 = arith.constant 2 : i32
      %add3A_72 = arith.addi %mul3A_57, %add3A_71 : i32
      %lt3A = arith.constant 40 : i32
      %lt3A_73 = arith.cmpi slt, %add3A_72, %lt3A : i32
      %convert_element_type3A = arith.extui %lt3A_73 : i1 to i32
      %cond3A = arith.constant 0 : i32
      %cond3A_74 = arith.cmpi ne, %convert_element_type3A, %cond3A : i32
      scf.if %cond3A_74 {
        %add3A_85 = arith.constant 2 : i32
        %add3A_86 = arith.addi %mul3A_57, %add3A_85 : i32
        %dma_start3A_87 = arith.constant 0 : i32
        %dma_start3A_88 = tpu.memref_slice %arg6[%add3A_86, %dma_start3A_87] : memref<40x128xi32, #tpu.memory_space<vmem>> -> memref<1x128xi32, #tpu.memory_space<vmem>>
        %dma_start3A_89 = tpu.memref_squeeze %dma_start3A_88 : memref<1x128xi32, #tpu.memory_space<vmem>> -> memref<128xi32, #tpu.memory_space<vmem>>
        %dma_start3A_90 = arith.constant 0 : i32
        %dma_start3A_91 = arith.constant 0 : i32
        %dma_start3A_92 = tpu.memref_slice %arg4[%dma_start3A_90, %dma_start3A_91] : memref<10000x128xf32, #tpu.memory_space<hbm>> -> memref<10000x128xf32, #tpu.memory_space<hbm>>
        tpu.enqueue_indirect_dma source(%dma_start3A_92 : memref<10000x128xf32, #tpu.memory_space<hbm>>) target(%arg8 : memref<128x128xf32, #tpu.memory_space<vmem>>) offsets(%dma_start3A_89 : memref<128xi32, #tpu.memory_space<vmem>>) semaphore(%arg10 : memref<!tpu.dma_semaphore, #tpu.memory_space<semaphore_mem>>)
      } else {
      }
      %add3A_75 = arith.constant 1 : i32
      %add3A_76 = arith.addi %mul3A_57, %add3A_75 : i32
      %dma_wait3A_77 = arith.constant 0 : i32
      %dma_wait3A_78 = tpu.memref_slice %arg6[%add3A_76, %dma_wait3A_77] : memref<40x128xi32, #tpu.memory_space<vmem>> -> memref<1x128xi32, #tpu.memory_space<vmem>>
      %dma_wait3A_79 = tpu.memref_squeeze %dma_wait3A_78 : memref<1x128xi32, #tpu.memory_space<vmem>> -> memref<128xi32, #tpu.memory_space<vmem>>
      %dma_wait3A_80 = arith.constant 0 : i32
      %dma_wait3A_81 = arith.constant 0 : i32
      %dma_wait3A_82 = tpu.memref_slice %arg4[%dma_wait3A_80, %dma_wait3A_81] : memref<10000x128xf32, #tpu.memory_space<hbm>> -> memref<10000x128xf32, #tpu.memory_space<hbm>>
      tpu.wait_indirect_dma semaphore(%arg11 : memref<!tpu.dma_semaphore, #tpu.memory_space<semaphore_mem>>) src(%dma_wait3A_82 : memref<10000x128xf32, #tpu.memory_space<hbm>>) dst(%arg9 : memref<128x128xf32, #tpu.memory_space<vmem>>)
      %add3A_83 = arith.constant 1 : i32
      %add3A_84 = arith.addi %mul3A_57, %add3A_83 : i32
      "tpu.region"() ({
        %run_scoped3A = tpu.sem_alloc : memref<!tpu.dma_semaphore, #tpu.memory_space<semaphore_mem>>
        %dma_start3A_85 = arith.constant 0 : i32
        %dma_start3A_86 = tpu.memref_slice %arg7[%add3A_84, %dma_start3A_85] : memref<40x128xi32, #tpu.memory_space<vmem>> -> memref<1x128xi32, #tpu.memory_space<vmem>>
        %dma_start3A_87 = tpu.memref_squeeze %dma_start3A_86 : memref<1x128xi32, #tpu.memory_space<vmem>> -> memref<128xi32, #tpu.memory_space<vmem>>
        %dma_start3A_88 = arith.constant 0 : i32
        %dma_start3A_89 = arith.constant 0 : i32
        %dma_start3A_90 = tpu.memref_slice %arg12[%dma_start3A_88, %dma_start3A_89] : memref<10240x128xf32, #tpu.memory_space<vmem_shared>> -> memref<10240x128xf32, #tpu.memory_space<vmem_shared>>
        tpu.enqueue_indirect_dma source(%arg9 : memref<128x128xf32, #tpu.memory_space<vmem>>) target(%dma_start3A_90 : memref<10240x128xf32, #tpu.memory_space<vmem_shared>>) offsets(%dma_start3A_87 : memref<128xi32, #tpu.memory_space<vmem>>) semaphore(%run_scoped3A : memref<!tpu.dma_semaphore, #tpu.memory_space<semaphore_mem>>) {add = true}
        %dma_wait3A_91 = arith.constant 0 : i32
        %dma_wait3A_92 = tpu.memref_slice %arg7[%add3A_84, %dma_wait3A_91] : memref<40x128xi32, #tpu.memory_space<vmem>> -> memref<1x128xi32, #tpu.memory_space<vmem>>
        %dma_wait3A_93 = tpu.memref_squeeze %dma_wait3A_92 : memref<1x128xi32, #tpu.memory_space<vmem>> -> memref<128xi32, #tpu.memory_space<vmem>>
        %dma_wait3A_94 = arith.constant 0 : i32
        %dma_wait3A_95 = arith.constant 0 : i32
        %dma_wait3A_96 = tpu.memref_slice %arg12[%dma_wait3A_94, %dma_wait3A_95] : memref<10240x128xf32, #tpu.memory_space<vmem_shared>> -> memref<10240x128xf32, #tpu.memory_space<vmem_shared>>
        tpu.wait_indirect_dma semaphore(%run_scoped3A : memref<!tpu.dma_semaphore, #tpu.memory_space<semaphore_mem>>) src(%arg9 : memref<128x128xf32, #tpu.memory_space<vmem>>) dst(%dma_wait3A_96 : memref<10240x128xf32, #tpu.memory_space<vmem_shared>>)
        tpu.yield
      }) : () -> ()
    }
    %scan3A_53 = arith.constant 20 : i32
    %barrier3A_54 = arith.constant 0 : index
    tpu.barrier barrier_id(%barrier3A_54)
    "tpu.region"() ({
      %run_scoped3A = tpu.sem_alloc : memref<!tpu.dma_semaphore, #tpu.memory_space<semaphore_mem>>
      %dma_start3A_55 = arith.constant 0 : i32
      %dma_start3A_56 = tpu.memref_slice %arg5[%arg0, %mul3A_2, %dma_start3A_55] : memref<2x10240x128xf32, #tpu.memory_space<hbm>> -> memref<1x640x128xf32, #tpu.memory_space<hbm>>
      %dma_start3A_57 = tpu.memref_squeeze %dma_start3A_56 : memref<1x640x128xf32, #tpu.memory_space<hbm>> -> memref<640x128xf32, #tpu.memory_space<hbm>>
      %dma_start3A_58 = arith.constant 0 : i32
      %dma_start3A_59 = tpu.memref_slice %arg12[%mul3A_2, %dma_start3A_58] : memref<10240x128xf32, #tpu.memory_space<vmem_shared>> -> memref<640x128xf32, #tpu.memory_space<vmem_shared>>
      tpu.enqueue_dma source(%dma_start3A_59 : memref<640x128xf32, #tpu.memory_space<vmem_shared>>) target(%dma_start3A_57 : memref<640x128xf32, #tpu.memory_space<hbm>>) target_semaphore(%run_scoped3A : memref<!tpu.dma_semaphore, #tpu.memory_space<semaphore_mem>>)
      %dma_wait3A = arith.constant 0 : i32
      %dma_wait3A_60 = tpu.memref_slice %arg5[%arg0, %mul3A_2, %dma_wait3A] : memref<2x10240x128xf32, #tpu.memory_space<hbm>> -> memref<1x640x128xf32, #tpu.memory_space<hbm>>
      %dma_wait3A_61 = tpu.memref_squeeze %dma_wait3A_60 : memref<1x640x128xf32, #tpu.memory_space<hbm>> -> memref<640x128xf32, #tpu.memory_space<hbm>>
      %dma_wait3A_62 = arith.constant 0 : i32
      %dma_wait3A_63 = tpu.memref_slice %arg12[%mul3A_2, %dma_wait3A_62] : memref<10240x128xf32, #tpu.memory_space<vmem_shared>> -> memref<640x128xf32, #tpu.memory_space<vmem_shared>>
      tpu.wait_dma2 semaphore(%run_scoped3A : memref<!tpu.dma_semaphore, #tpu.memory_space<semaphore_mem>>) src(%dma_wait3A_63 : memref<640x128xf32, #tpu.memory_space<vmem_shared>>) dst(%dma_wait3A_61 : memref<640x128xf32, #tpu.memory_space<hbm>>)
      tpu.yield
    }) : () -> ()
    return
  }
}

#map = affine_map<(d0, d1) -> (0, 0)>
#map1 = affine_map<(d0, d1) -> (0, 0, 0)>
module attributes {stable_mosaic.version = 14 : i64} {
  func.func @agg_kernel(%arg0: i32, %arg1: i32, %arg2: memref<2560x128xi32, #tpu.memory_space<hbm>>, %arg3: memref<2560x128xi32, #tpu.memory_space<hbm>>, %arg4: memref<10000x128xf32, #tpu.memory_space<hbm>>, %arg5: memref<2x10240x128xf32, #tpu.memory_space<hbm>>, %arg6: memref<40x128xi32, #tpu.memory_space<vmem>>, %arg7: memref<40x128xi32, #tpu.memory_space<vmem>>, %arg8: memref<128x128xf32, #tpu.memory_space<vmem>>, %arg9: memref<128x128xf32, #tpu.memory_space<vmem>>, %arg10: memref<!tpu.dma_semaphore, #tpu.memory_space<semaphore_mem>>, %arg11: memref<!tpu.dma_semaphore, #tpu.memory_space<semaphore_mem>>, %arg12: memref<10240x128xf32, #tpu.memory_space<vmem_shared>>) attributes {dimension_semantics = [#tpu.dimension_semantics<core_parallel>, #tpu.dimension_semantics<subcore_parallel>], iteration_bounds = array<i64: 2, 16>, scalar_prefetch = 0 : i64, scratch_operands = 7 : i64, tpu.core_type = #tpu.core_type<sc_vector_subcore>, window_params = [{transform_indices = #map}, {transform_indices = #map}, {transform_indices = #map}, {transform_indices = #map1}]} {
    %mul3A = arith.constant 2 : i32
    %mul3A_0 = arith.muli %arg1, %mul3A : i32
    %add3A = arith.addi %mul3A_0, %arg0 : i32
    %mul3A_1 = arith.constant 640 : i32
    %mul3A_2 = arith.muli %arg1, %mul3A_1 : i32
    %mul3A_3 = arith.constant 80 : i32
    %mul3A_4 = arith.muli %add3A, %mul3A_3 : i32
    %broadcast_in_dim3A = arith.constant 0.000000e+00 : f32
    %broadcast_in_dim3A_5 = vector.broadcast %broadcast_in_dim3A : f32 to vector<16xf32>
    %scan3A = arith.constant 0 : i32
    %scan3A_6 = arith.constant 0 : i32
    %scan3A_7 = arith.constant 128 : i32
    %scan3A_8 = arith.addi %scan3A_6, %scan3A_7 : i32
    %scan3A_9 = arith.constant 1 : i32
    scf.for %scan3A_55 = %scan3A_6 to %scan3A_8 step %scan3A_9  : i32 {
      %swap3A = arith.index_cast %scan3A_55 : i32 to index
      %swap3A_56 = arith.constant 0 : index
      %swap3A_57 = tpu.vector_load %arg8[%swap3A, %swap3A_56] {strides = array<i32>} : memref<128x128xf32, #tpu.memory_space<vmem>>, vector<1x16xf32>,
      %swap3A_58 = vector.shape_cast %swap3A_57 : vector<1x16xf32> to vector<16xf32>
      %swap3A_59 = vector.shape_cast %broadcast_in_dim3A_5 : vector<16xf32> to vector<1x16xf32>
      tpu.vector_store %arg8[%swap3A, %swap3A_56], %swap3A_59 {strides = array<i32>} : memref<128x128xf32, #tpu.memory_space<vmem>>, vector<1x16xf32>,
      %swap3A_60 = arith.index_cast %scan3A_55 : i32 to index
      %swap3A_61 = arith.constant 16 : index
      %swap3A_62 = tpu.vector_load %arg8[%swap3A_60, %swap3A_61] {strides = array<i32>} : memref<128x128xf32, #tpu.memory_space<vmem>>, vector<1x16xf32>,
      %swap3A_63 = vector.shape_cast %swap3A_62 : vector<1x16xf32> to vector<16xf32>
      %swap3A_64 = vector.shape_cast %broadcast_in_dim3A_5 : vector<16xf32> to vector<1x16xf32>
      tpu.vector_store %arg8[%swap3A_60, %swap3A_61], %swap3A_64 {strides = array<i32>} : memref<128x128xf32, #tpu.memory_space<vmem>>, vector<1x16xf32>,
      %swap3A_65 = arith.index_cast %scan3A_55 : i32 to index
      %swap3A_66 = arith.constant 32 : index
      %swap3A_67 = tpu.vector_load %arg8[%swap3A_65, %swap3A_66] {strides = array<i32>} : memref<128x128xf32, #tpu.memory_space<vmem>>, vector<1x16xf32>,
      %swap3A_68 = vector.shape_cast %swap3A_67 : vector<1x16xf32> to vector<16xf32>
      %swap3A_69 = vector.shape_cast %broadcast_in_dim3A_5 : vector<16xf32> to vector<1x16xf32>
      tpu.vector_store %arg8[%swap3A_65, %swap3A_66], %swap3A_69 {strides = array<i32>} : memref<128x128xf32, #tpu.memory_space<vmem>>, vector<1x16xf32>,
      %swap3A_70 = arith.index_cast %scan3A_55 : i32 to index
      %swap3A_71 = arith.constant 48 : index
      %swap3A_72 = tpu.vector_load %arg8[%swap3A_70, %swap3A_71] {strides = array<i32>} : memref<128x128xf32, #tpu.memory_space<vmem>>, vector<1x16xf32>,
      %swap3A_73 = vector.shape_cast %swap3A_72 : vector<1x16xf32> to vector<16xf32>
      %swap3A_74 = vector.shape_cast %broadcast_in_dim3A_5 : vector<16xf32> to vector<1x16xf32>
      tpu.vector_store %arg8[%swap3A_70, %swap3A_71], %swap3A_74 {strides = array<i32>} : memref<128x128xf32, #tpu.memory_space<vmem>>, vector<1x16xf32>,
      %swap3A_75 = arith.index_cast %scan3A_55 : i32 to index
      %swap3A_76 = arith.constant 64 : index
      %swap3A_77 = tpu.vector_load %arg8[%swap3A_75, %swap3A_76] {strides = array<i32>} : memref<128x128xf32, #tpu.memory_space<vmem>>, vector<1x16xf32>,
      %swap3A_78 = vector.shape_cast %swap3A_77 : vector<1x16xf32> to vector<16xf32>
      %swap3A_79 = vector.shape_cast %broadcast_in_dim3A_5 : vector<16xf32> to vector<1x16xf32>
      tpu.vector_store %arg8[%swap3A_75, %swap3A_76], %swap3A_79 {strides = array<i32>} : memref<128x128xf32, #tpu.memory_space<vmem>>, vector<1x16xf32>,
      %swap3A_80 = arith.index_cast %scan3A_55 : i32 to index
      %swap3A_81 = arith.constant 80 : index
      %swap3A_82 = tpu.vector_load %arg8[%swap3A_80, %swap3A_81] {strides = array<i32>} : memref<128x128xf32, #tpu.memory_space<vmem>>, vector<1x16xf32>,
      %swap3A_83 = vector.shape_cast %swap3A_82 : vector<1x16xf32> to vector<16xf32>
      %swap3A_84 = vector.shape_cast %broadcast_in_dim3A_5 : vector<16xf32> to vector<1x16xf32>
      tpu.vector_store %arg8[%swap3A_80, %swap3A_81], %swap3A_84 {strides = array<i32>} : memref<128x128xf32, #tpu.memory_space<vmem>>, vector<1x16xf32>,
      %swap3A_85 = arith.index_cast %scan3A_55 : i32 to index
      %swap3A_86 = arith.constant 96 : index
      %swap3A_87 = tpu.vector_load %arg8[%swap3A_85, %swap3A_86] {strides = array<i32>} : memref<128x128xf32, #tpu.memory_space<vmem>>, vector<1x16xf32>,
      %swap3A_88 = vector.shape_cast %swap3A_87 : vector<1x16xf32> to vector<16xf32>
      %swap3A_89 = vector.shape_cast %broadcast_in_dim3A_5 : vector<16xf32> to vector<1x16xf32>
      tpu.vector_store %arg8[%swap3A_85, %swap3A_86], %swap3A_89 {strides = array<i32>} : memref<128x128xf32, #tpu.memory_space<vmem>>, vector<1x16xf32>,
      %swap3A_90 = arith.index_cast %scan3A_55 : i32 to index
      %swap3A_91 = arith.constant 112 : index
      %swap3A_92 = tpu.vector_load %arg8[%swap3A_90, %swap3A_91] {strides = array<i32>} : memref<128x128xf32, #tpu.memory_space<vmem>>, vector<1x16xf32>,
      %swap3A_93 = vector.shape_cast %swap3A_92 : vector<1x16xf32> to vector<16xf32>
      %swap3A_94 = vector.shape_cast %broadcast_in_dim3A_5 : vector<16xf32> to vector<1x16xf32>
      tpu.vector_store %arg8[%swap3A_90, %swap3A_91], %swap3A_94 {strides = array<i32>} : memref<128x128xf32, #tpu.memory_space<vmem>>, vector<1x16xf32>,
    }
    %scan3A_10 = arith.constant 128 : i32
    %add3A_11 = arith.constant 0 : i32
    %add3A_12 = arith.addi %mul3A_2, %add3A_11 : i32
    "tpu.region"() ({
      %run_scoped3A = tpu.sem_alloc : memref<!tpu.dma_semaphore, #tpu.memory_space<semaphore_mem>>
      %dma_start3A_55 = arith.constant 0 : i32
      %dma_start3A_56 = tpu.memref_slice %arg12[%add3A_12, %dma_start3A_55] : memref<10240x128xf32, #tpu.memory_space<vmem_shared>> -> memref<128x128xf32, #tpu.memory_space<vmem_shared>>
      %dma_start3A_57 = arith.constant 0 : i32
      %dma_start3A_58 = tpu.memref_slice %arg12[%add3A_12, %dma_start3A_57] : memref<10240x128xf32, #tpu.memory_space<vmem_shared>> -> memref<128x128xf32, #tpu.memory_space<vmem_shared>>
      tpu.enqueue_dma source(%arg8 : memref<128x128xf32, #tpu.memory_space<vmem>>) target(%dma_start3A_58 : memref<128x128xf32, #tpu.memory_space<vmem_shared>>) target_semaphore(%run_scoped3A : memref<!tpu.dma_semaphore, #tpu.memory_space<semaphore_mem>>)
      %dma_wait3A = arith.constant 0 : i32
      %dma_wait3A_59 = tpu.memref_slice %arg12[%add3A_12, %dma_wait3A] : memref<10240x128xf32, #tpu.memory_space<vmem_shared>> -> memref<128x128xf32, #tpu.memory_space<vmem_shared>>
      %dma_wait3A_60 = arith.constant 0 : i32
      %dma_wait3A_61 = tpu.memref_slice %arg12[%add3A_12, %dma_wait3A_60] : memref<10240x128xf32, #tpu.memory_space<vmem_shared>> -> memref<128x128xf32, #tpu.memory_space<vmem_shared>>
      tpu.wait_dma2 semaphore(%run_scoped3A : memref<!tpu.dma_semaphore, #tpu.memory_space<semaphore_mem>>) src(%arg8 : memref<128x128xf32, #tpu.memory_space<vmem>>) dst(%dma_wait3A_61 : memref<128x128xf32, #tpu.memory_space<vmem_shared>>)
      tpu.yield
    }) : () -> ()
    %add3A_13 = arith.constant 128 : i32
    %add3A_14 = arith.addi %mul3A_2, %add3A_13 : i32
    "tpu.region"() ({
      %run_scoped3A = tpu.sem_alloc : memref<!tpu.dma_semaphore, #tpu.memory_space<semaphore_mem>>
      %dma_start3A_55 = arith.constant 0 : i32
      %dma_start3A_56 = tpu.memref_slice %arg12[%add3A_14, %dma_start3A_55] : memref<10240x128xf32, #tpu.memory_space<vmem_shared>> -> memref<128x128xf32, #tpu.memory_space<vmem_shared>>
      %dma_start3A_57 = arith.constant 0 : i32
      %dma_start3A_58 = tpu.memref_slice %arg12[%add3A_14, %dma_start3A_57] : memref<10240x128xf32, #tpu.memory_space<vmem_shared>> -> memref<128x128xf32, #tpu.memory_space<vmem_shared>>
      tpu.enqueue_dma source(%arg8 : memref<128x128xf32, #tpu.memory_space<vmem>>) target(%dma_start3A_58 : memref<128x128xf32, #tpu.memory_space<vmem_shared>>) target_semaphore(%run_scoped3A : memref<!tpu.dma_semaphore, #tpu.memory_space<semaphore_mem>>)
      %dma_wait3A = arith.constant 0 : i32
      %dma_wait3A_59 = tpu.memref_slice %arg12[%add3A_14, %dma_wait3A] : memref<10240x128xf32, #tpu.memory_space<vmem_shared>> -> memref<128x128xf32, #tpu.memory_space<vmem_shared>>
      %dma_wait3A_60 = arith.constant 0 : i32
      %dma_wait3A_61 = tpu.memref_slice %arg12[%add3A_14, %dma_wait3A_60] : memref<10240x128xf32, #tpu.memory_space<vmem_shared>> -> memref<128x128xf32, #tpu.memory_space<vmem_shared>>
      tpu.wait_dma2 semaphore(%run_scoped3A : memref<!tpu.dma_semaphore, #tpu.memory_space<semaphore_mem>>) src(%arg8 : memref<128x128xf32, #tpu.memory_space<vmem>>) dst(%dma_wait3A_61 : memref<128x128xf32, #tpu.memory_space<vmem_shared>>)
      tpu.yield
    }) : () -> ()
    %add3A_15 = arith.constant 256 : i32
    %add3A_16 = arith.addi %mul3A_2, %add3A_15 : i32
    "tpu.region"() ({
      %run_scoped3A = tpu.sem_alloc : memref<!tpu.dma_semaphore, #tpu.memory_space<semaphore_mem>>
      %dma_start3A_55 = arith.constant 0 : i32
      %dma_start3A_56 = tpu.memref_slice %arg12[%add3A_16, %dma_start3A_55] : memref<10240x128xf32, #tpu.memory_space<vmem_shared>> -> memref<128x128xf32, #tpu.memory_space<vmem_shared>>
      %dma_start3A_57 = arith.constant 0 : i32
      %dma_start3A_58 = tpu.memref_slice %arg12[%add3A_16, %dma_start3A_57] : memref<10240x128xf32, #tpu.memory_space<vmem_shared>> -> memref<128x128xf32, #tpu.memory_space<vmem_shared>>
      tpu.enqueue_dma source(%arg8 : memref<128x128xf32, #tpu.memory_space<vmem>>) target(%dma_start3A_58 : memref<128x128xf32, #tpu.memory_space<vmem_shared>>) target_semaphore(%run_scoped3A : memref<!tpu.dma_semaphore, #tpu.memory_space<semaphore_mem>>)
      %dma_wait3A = arith.constant 0 : i32
      %dma_wait3A_59 = tpu.memref_slice %arg12[%add3A_16, %dma_wait3A] : memref<10240x128xf32, #tpu.memory_space<vmem_shared>> -> memref<128x128xf32, #tpu.memory_space<vmem_shared>>
      %dma_wait3A_60 = arith.constant 0 : i32
      %dma_wait3A_61 = tpu.memref_slice %arg12[%add3A_16, %dma_wait3A_60] : memref<10240x128xf32, #tpu.memory_space<vmem_shared>> -> memref<128x128xf32, #tpu.memory_space<vmem_shared>>
      tpu.wait_dma2 semaphore(%run_scoped3A : memref<!tpu.dma_semaphore, #tpu.memory_space<semaphore_mem>>) src(%arg8 : memref<128x128xf32, #tpu.memory_space<vmem>>) dst(%dma_wait3A_61 : memref<128x128xf32, #tpu.memory_space<vmem_shared>>)
      tpu.yield
    }) : () -> ()
    %add3A_17 = arith.constant 384 : i32
    %add3A_18 = arith.addi %mul3A_2, %add3A_17 : i32
    "tpu.region"() ({
      %run_scoped3A = tpu.sem_alloc : memref<!tpu.dma_semaphore, #tpu.memory_space<semaphore_mem>>
      %dma_start3A_55 = arith.constant 0 : i32
      %dma_start3A_56 = tpu.memref_slice %arg12[%add3A_18, %dma_start3A_55] : memref<10240x128xf32, #tpu.memory_space<vmem_shared>> -> memref<128x128xf32, #tpu.memory_space<vmem_shared>>
      %dma_start3A_57 = arith.constant 0 : i32
      %dma_start3A_58 = tpu.memref_slice %arg12[%add3A_18, %dma_start3A_57] : memref<10240x128xf32, #tpu.memory_space<vmem_shared>> -> memref<128x128xf32, #tpu.memory_space<vmem_shared>>
      tpu.enqueue_dma source(%arg8 : memref<128x128xf32, #tpu.memory_space<vmem>>) target(%dma_start3A_58 : memref<128x128xf32, #tpu.memory_space<vmem_shared>>) target_semaphore(%run_scoped3A : memref<!tpu.dma_semaphore, #tpu.memory_space<semaphore_mem>>)
      %dma_wait3A = arith.constant 0 : i32
      %dma_wait3A_59 = tpu.memref_slice %arg12[%add3A_18, %dma_wait3A] : memref<10240x128xf32, #tpu.memory_space<vmem_shared>> -> memref<128x128xf32, #tpu.memory_space<vmem_shared>>
      %dma_wait3A_60 = arith.constant 0 : i32
      %dma_wait3A_61 = tpu.memref_slice %arg12[%add3A_18, %dma_wait3A_60] : memref<10240x128xf32, #tpu.memory_space<vmem_shared>> -> memref<128x128xf32, #tpu.memory_space<vmem_shared>>
      tpu.wait_dma2 semaphore(%run_scoped3A : memref<!tpu.dma_semaphore, #tpu.memory_space<semaphore_mem>>) src(%arg8 : memref<128x128xf32, #tpu.memory_space<vmem>>) dst(%dma_wait3A_61 : memref<128x128xf32, #tpu.memory_space<vmem_shared>>)
      tpu.yield
    }) : () -> ()
    %add3A_19 = arith.constant 512 : i32
    %add3A_20 = arith.addi %mul3A_2, %add3A_19 : i32
    "tpu.region"() ({
      %run_scoped3A = tpu.sem_alloc : memref<!tpu.dma_semaphore, #tpu.memory_space<semaphore_mem>>
      %dma_start3A_55 = arith.constant 0 : i32
      %dma_start3A_56 = tpu.memref_slice %arg12[%add3A_20, %dma_start3A_55] : memref<10240x128xf32, #tpu.memory_space<vmem_shared>> -> memref<128x128xf32, #tpu.memory_space<vmem_shared>>
      %dma_start3A_57 = arith.constant 0 : i32
      %dma_start3A_58 = tpu.memref_slice %arg12[%add3A_20, %dma_start3A_57] : memref<10240x128xf32, #tpu.memory_space<vmem_shared>> -> memref<128x128xf32, #tpu.memory_space<vmem_shared>>
      tpu.enqueue_dma source(%arg8 : memref<128x128xf32, #tpu.memory_space<vmem>>) target(%dma_start3A_58 : memref<128x128xf32, #tpu.memory_space<vmem_shared>>) target_semaphore(%run_scoped3A : memref<!tpu.dma_semaphore, #tpu.memory_space<semaphore_mem>>)
      %dma_wait3A = arith.constant 0 : i32
      %dma_wait3A_59 = tpu.memref_slice %arg12[%add3A_20, %dma_wait3A] : memref<10240x128xf32, #tpu.memory_space<vmem_shared>> -> memref<128x128xf32, #tpu.memory_space<vmem_shared>>
      %dma_wait3A_60 = arith.constant 0 : i32
      %dma_wait3A_61 = tpu.memref_slice %arg12[%add3A_20, %dma_wait3A_60] : memref<10240x128xf32, #tpu.memory_space<vmem_shared>> -> memref<128x128xf32, #tpu.memory_space<vmem_shared>>
      tpu.wait_dma2 semaphore(%run_scoped3A : memref<!tpu.dma_semaphore, #tpu.memory_space<semaphore_mem>>) src(%arg8 : memref<128x128xf32, #tpu.memory_space<vmem>>) dst(%dma_wait3A_61 : memref<128x128xf32, #tpu.memory_space<vmem_shared>>)
      tpu.yield
    }) : () -> ()
    %barrier3A = arith.constant 0 : index
    tpu.barrier barrier_id(%barrier3A)
    %add3A_21 = arith.constant 0 : i32
    %add3A_22 = arith.addi %mul3A_4, %add3A_21 : i32
    "tpu.region"() ({
      %run_scoped3A = tpu.sem_alloc : memref<!tpu.dma_semaphore, #tpu.memory_space<semaphore_mem>>
      %dma_start3A_55 = arith.constant 0 : i32
      %dma_start3A_56 = tpu.memref_slice %arg2[%add3A_22, %dma_start3A_55] : memref<2560x128xi32, #tpu.memory_space<hbm>> -> memref<40x128xi32, #tpu.memory_space<hbm>>
      %dma_start3A_57 = arith.constant 0 : i32
      %dma_start3A_58 = tpu.memref_slice %arg2[%add3A_22, %dma_start3A_57] : memref<2560x128xi32, #tpu.memory_space<hbm>> -> memref<40x128xi32, #tpu.memory_space<hbm>>
      tpu.enqueue_dma source(%dma_start3A_58 : memref<40x128xi32, #tpu.memory_space<hbm>>) target(%arg6 : memref<40x128xi32, #tpu.memory_space<vmem>>) target_semaphore(%run_scoped3A : memref<!tpu.dma_semaphore, #tpu.memory_space<semaphore_mem>>)
      %dma_wait3A = arith.constant 0 : i32
      %dma_wait3A_59 = tpu.memref_slice %arg2[%add3A_22, %dma_wait3A] : memref<2560x128xi32, #tpu.memory_space<hbm>> -> memref<40x128xi32, #tpu.memory_space<hbm>>
      %dma_wait3A_60 = arith.constant 0 : i32
      %dma_wait3A_61 = tpu.memref_slice %arg2[%add3A_22, %dma_wait3A_60] : memref<2560x128xi32, #tpu.memory_space<hbm>> -> memref<40x128xi32, #tpu.memory_space<hbm>>
      tpu.wait_dma2 semaphore(%run_scoped3A : memref<!tpu.dma_semaphore, #tpu.memory_space<semaphore_mem>>) src(%dma_wait3A_61 : memref<40x128xi32, #tpu.memory_space<hbm>>) dst(%arg6 : memref<40x128xi32, #tpu.memory_space<vmem>>)
      tpu.yield
    }) : () -> ()
    %add3A_23 = arith.constant 0 : i32
    %add3A_24 = arith.addi %mul3A_4, %add3A_23 : i32
    "tpu.region"() ({
      %run_scoped3A = tpu.sem_alloc : memref<!tpu.dma_semaphore, #tpu.memory_space<semaphore_mem>>
      %dma_start3A_55 = arith.constant 0 : i32
      %dma_start3A_56 = tpu.memref_slice %arg3[%add3A_24, %dma_start3A_55] : memref<2560x128xi32, #tpu.memory_space<hbm>> -> memref<40x128xi32, #tpu.memory_space<hbm>>
      %dma_start3A_57 = arith.constant 0 : i32
      %dma_start3A_58 = tpu.memref_slice %arg3[%add3A_24, %dma_start3A_57] : memref<2560x128xi32, #tpu.memory_space<hbm>> -> memref<40x128xi32, #tpu.memory_space<hbm>>
      tpu.enqueue_dma source(%dma_start3A_58 : memref<40x128xi32, #tpu.memory_space<hbm>>) target(%arg7 : memref<40x128xi32, #tpu.memory_space<vmem>>) target_semaphore(%run_scoped3A : memref<!tpu.dma_semaphore, #tpu.memory_space<semaphore_mem>>)
      %dma_wait3A = arith.constant 0 : i32
      %dma_wait3A_59 = tpu.memref_slice %arg3[%add3A_24, %dma_wait3A] : memref<2560x128xi32, #tpu.memory_space<hbm>> -> memref<40x128xi32, #tpu.memory_space<hbm>>
      %dma_wait3A_60 = arith.constant 0 : i32
      %dma_wait3A_61 = tpu.memref_slice %arg3[%add3A_24, %dma_wait3A_60] : memref<2560x128xi32, #tpu.memory_space<hbm>> -> memref<40x128xi32, #tpu.memory_space<hbm>>
      tpu.wait_dma2 semaphore(%run_scoped3A : memref<!tpu.dma_semaphore, #tpu.memory_space<semaphore_mem>>) src(%dma_wait3A_61 : memref<40x128xi32, #tpu.memory_space<hbm>>) dst(%arg7 : memref<40x128xi32, #tpu.memory_space<vmem>>)
      tpu.yield
    }) : () -> ()
    %dma_start3A = arith.constant 0 : i32
    %dma_start3A_25 = arith.constant 0 : i32
    %dma_start3A_26 = tpu.memref_slice %arg6[%dma_start3A, %dma_start3A_25] : memref<40x128xi32, #tpu.memory_space<vmem>> -> memref<1x128xi32, #tpu.memory_space<vmem>>
    %dma_start3A_27 = tpu.memref_squeeze %dma_start3A_26 : memref<1x128xi32, #tpu.memory_space<vmem>> -> memref<128xi32, #tpu.memory_space<vmem>>
    %dma_start3A_28 = arith.constant 0 : i32
    %dma_start3A_29 = arith.constant 0 : i32
    %dma_start3A_30 = tpu.memref_slice %arg4[%dma_start3A_28, %dma_start3A_29] : memref<10000x128xf32, #tpu.memory_space<hbm>> -> memref<10000x128xf32, #tpu.memory_space<hbm>>
    tpu.enqueue_indirect_dma source(%dma_start3A_30 : memref<10000x128xf32, #tpu.memory_space<hbm>>) target(%arg8 : memref<128x128xf32, #tpu.memory_space<vmem>>) offsets(%dma_start3A_27 : memref<128xi32, #tpu.memory_space<vmem>>) semaphore(%arg10 : memref<!tpu.dma_semaphore, #tpu.memory_space<semaphore_mem>>)
    %scan3A_31 = arith.constant 0 : i32
    %scan3A_32 = arith.constant 0 : i32
    %scan3A_33 = arith.constant 20 : i32
    %scan3A_34 = arith.addi %scan3A_32, %scan3A_33 : i32
    %scan3A_35 = arith.constant 1 : i32
    scf.for %scan3A_55 = %scan3A_32 to %scan3A_34 step %scan3A_35  : i32 {
      %mul3A_56 = arith.constant 2 : i32
      %mul3A_57 = arith.muli %mul3A_56, %scan3A_55 : i32
      %add3A_58 = arith.constant 1 : i32
      %add3A_59 = arith.addi %mul3A_57, %add3A_58 : i32
      %dma_start3A_60 = arith.constant 0 : i32
      %dma_start3A_61 = tpu.memref_slice %arg6[%add3A_59, %dma_start3A_60] : memref<40x128xi32, #tpu.memory_space<vmem>> -> memref<1x128xi32, #tpu.memory_space<vmem>>
      %dma_start3A_62 = tpu.memref_squeeze %dma_start3A_61 : memref<1x128xi32, #tpu.memory_space<vmem>> -> memref<128xi32, #tpu.memory_space<vmem>>
      %dma_start3A_63 = arith.constant 0 : i32
      %dma_start3A_64 = arith.constant 0 : i32
      %dma_start3A_65 = tpu.memref_slice %arg4[%dma_start3A_63, %dma_start3A_64] : memref<10000x128xf32, #tpu.memory_space<hbm>> -> memref<10000x128xf32, #tpu.memory_space<hbm>>
      tpu.enqueue_indirect_dma source(%dma_start3A_65 : memref<10000x128xf32, #tpu.memory_space<hbm>>) target(%arg9 : memref<128x128xf32, #tpu.memory_space<vmem>>) offsets(%dma_start3A_62 : memref<128xi32, #tpu.memory_space<vmem>>) semaphore(%arg11 : memref<!tpu.dma_semaphore, #tpu.memory_space<semaphore_mem>>)
      %dma_wait3A = arith.constant 0 : i32
      %dma_wait3A_66 = tpu.memref_slice %arg6[%mul3A_57, %dma_wait3A] : memref<40x128xi32, #tpu.memory_space<vmem>> -> memref<1x128xi32, #tpu.memory_space<vmem>>
      %dma_wait3A_67 = tpu.memref_squeeze %dma_wait3A_66 : memref<1x128xi32, #tpu.memory_space<vmem>> -> memref<128xi32, #tpu.memory_space<vmem>>
      %dma_wait3A_68 = arith.constant 0 : i32
      %dma_wait3A_69 = arith.constant 0 : i32
      %dma_wait3A_70 = tpu.memref_slice %arg4[%dma_wait3A_68, %dma_wait3A_69] : memref<10000x128xf32, #tpu.memory_space<hbm>> -> memref<10000x128xf32, #tpu.memory_space<hbm>>
      tpu.wait_indirect_dma semaphore(%arg10 : memref<!tpu.dma_semaphore, #tpu.memory_space<semaphore_mem>>) src(%dma_wait3A_70 : memref<10000x128xf32, #tpu.memory_space<hbm>>) dst(%arg8 : memref<128x128xf32, #tpu.memory_space<vmem>>)
      "tpu.region"() ({
        %run_scoped3A = tpu.sem_alloc : memref<!tpu.dma_semaphore, #tpu.memory_space<semaphore_mem>>
        %dma_start3A_85 = arith.constant 0 : i32
        %dma_start3A_86 = tpu.memref_slice %arg7[%mul3A_57, %dma_start3A_85] : memref<40x128xi32, #tpu.memory_space<vmem>> -> memref<1x128xi32, #tpu.memory_space<vmem>>
        %dma_start3A_87 = tpu.memref_squeeze %dma_start3A_86 : memref<1x128xi32, #tpu.memory_space<vmem>> -> memref<128xi32, #tpu.memory_space<vmem>>
        %dma_start3A_88 = arith.constant 0 : i32
        %dma_start3A_89 = arith.constant 0 : i32
        %dma_start3A_90 = tpu.memref_slice %arg12[%dma_start3A_88, %dma_start3A_89] : memref<10240x128xf32, #tpu.memory_space<vmem_shared>> -> memref<10240x128xf32, #tpu.memory_space<vmem_shared>>
        tpu.enqueue_indirect_dma source(%arg8 : memref<128x128xf32, #tpu.memory_space<vmem>>) target(%dma_start3A_90 : memref<10240x128xf32, #tpu.memory_space<vmem_shared>>) offsets(%dma_start3A_87 : memref<128xi32, #tpu.memory_space<vmem>>) semaphore(%run_scoped3A : memref<!tpu.dma_semaphore, #tpu.memory_space<semaphore_mem>>) {add = true}
        %dma_wait3A_91 = arith.constant 0 : i32
        %dma_wait3A_92 = tpu.memref_slice %arg7[%mul3A_57, %dma_wait3A_91] : memref<40x128xi32, #tpu.memory_space<vmem>> -> memref<1x128xi32, #tpu.memory_space<vmem>>
        %dma_wait3A_93 = tpu.memref_squeeze %dma_wait3A_92 : memref<1x128xi32, #tpu.memory_space<vmem>> -> memref<128xi32, #tpu.memory_space<vmem>>
        %dma_wait3A_94 = arith.constant 0 : i32
        %dma_wait3A_95 = arith.constant 0 : i32
        %dma_wait3A_96 = tpu.memref_slice %arg12[%dma_wait3A_94, %dma_wait3A_95] : memref<10240x128xf32, #tpu.memory_space<vmem_shared>> -> memref<10240x128xf32, #tpu.memory_space<vmem_shared>>
        tpu.wait_indirect_dma semaphore(%run_scoped3A : memref<!tpu.dma_semaphore, #tpu.memory_space<semaphore_mem>>) src(%arg8 : memref<128x128xf32, #tpu.memory_space<vmem>>) dst(%dma_wait3A_96 : memref<10240x128xf32, #tpu.memory_space<vmem_shared>>)
        tpu.yield
      }) : () -> ()
      %add3A_71 = arith.constant 2 : i32
      %add3A_72 = arith.addi %mul3A_57, %add3A_71 : i32
      %lt3A = arith.constant 40 : i32
      %lt3A_73 = arith.cmpi slt, %add3A_72, %lt3A : i32
      %convert_element_type3A = arith.extui %lt3A_73 : i1 to i32
      %cond3A = arith.constant 0 : i32
      %cond3A_74 = arith.cmpi ne, %convert_element_type3A, %cond3A : i32
      scf.if %cond3A_74 {
        %add3A_85 = arith.constant 2 : i32
        %add3A_86 = arith.addi %mul3A_57, %add3A_85 : i32
        %dma_start3A_87 = arith.constant 0 : i32
        %dma_start3A_88 = tpu.memref_slice %arg6[%add3A_86, %dma_start3A_87] : memref<40x128xi32, #tpu.memory_space<vmem>> -> memref<1x128xi32, #tpu.memory_space<vmem>>
        %dma_start3A_89 = tpu.memref_squeeze %dma_start3A_88 : memref<1x128xi32, #tpu.memory_space<vmem>> -> memref<128xi32, #tpu.memory_space<vmem>>
        %dma_start3A_90 = arith.constant 0 : i32
        %dma_start3A_91 = arith.constant 0 : i32
        %dma_start3A_92 = tpu.memref_slice %arg4[%dma_start3A_90, %dma_start3A_91] : memref<10000x128xf32, #tpu.memory_space<hbm>> -> memref<10000x128xf32, #tpu.memory_space<hbm>>
        tpu.enqueue_indirect_dma source(%dma_start3A_92 : memref<10000x128xf32, #tpu.memory_space<hbm>>) target(%arg8 : memref<128x128xf32, #tpu.memory_space<vmem>>) offsets(%dma_start3A_89 : memref<128xi32, #tpu.memory_space<vmem>>) semaphore(%arg10 : memref<!tpu.dma_semaphore, #tpu.memory_space<semaphore_mem>>)
      } else {
      }
      %add3A_75 = arith.constant 1 : i32
      %add3A_76 = arith.addi %mul3A_57, %add3A_75 : i32
      %dma_wait3A_77 = arith.constant 0 : i32
      %dma_wait3A_78 = tpu.memref_slice %arg6[%add3A_76, %dma_wait3A_77] : memref<40x128xi32, #tpu.memory_space<vmem>> -> memref<1x128xi32, #tpu.memory_space<vmem>>
      %dma_wait3A_79 = tpu.memref_squeeze %dma_wait3A_78 : memref<1x128xi32, #tpu.memory_space<vmem>> -> memref<128xi32, #tpu.memory_space<vmem>>
      %dma_wait3A_80 = arith.constant 0 : i32
      %dma_wait3A_81 = arith.constant 0 : i32
      %dma_wait3A_82 = tpu.memref_slice %arg4[%dma_wait3A_80, %dma_wait3A_81] : memref<10000x128xf32, #tpu.memory_space<hbm>> -> memref<10000x128xf32, #tpu.memory_space<hbm>>
      tpu.wait_indirect_dma semaphore(%arg11 : memref<!tpu.dma_semaphore, #tpu.memory_space<semaphore_mem>>) src(%dma_wait3A_82 : memref<10000x128xf32, #tpu.memory_space<hbm>>) dst(%arg9 : memref<128x128xf32, #tpu.memory_space<vmem>>)
      %add3A_83 = arith.constant 1 : i32
      %add3A_84 = arith.addi %mul3A_57, %add3A_83 : i32
      "tpu.region"() ({
        %run_scoped3A = tpu.sem_alloc : memref<!tpu.dma_semaphore, #tpu.memory_space<semaphore_mem>>
        %dma_start3A_85 = arith.constant 0 : i32
        %dma_start3A_86 = tpu.memref_slice %arg7[%add3A_84, %dma_start3A_85] : memref<40x128xi32, #tpu.memory_space<vmem>> -> memref<1x128xi32, #tpu.memory_space<vmem>>
        %dma_start3A_87 = tpu.memref_squeeze %dma_start3A_86 : memref<1x128xi32, #tpu.memory_space<vmem>> -> memref<128xi32, #tpu.memory_space<vmem>>
        %dma_start3A_88 = arith.constant 0 : i32
        %dma_start3A_89 = arith.constant 0 : i32
        %dma_start3A_90 = tpu.memref_slice %arg12[%dma_start3A_88, %dma_start3A_89] : memref<10240x128xf32, #tpu.memory_space<vmem_shared>> -> memref<10240x128xf32, #tpu.memory_space<vmem_shared>>
        tpu.enqueue_indirect_dma source(%arg9 : memref<128x128xf32, #tpu.memory_space<vmem>>) target(%dma_start3A_90 : memref<10240x128xf32, #tpu.memory_space<vmem_shared>>) offsets(%dma_start3A_87 : memref<128xi32, #tpu.memory_space<vmem>>) semaphore(%run_scoped3A : memref<!tpu.dma_semaphore, #tpu.memory_space<semaphore_mem>>) {add = true}
        %dma_wait3A_91 = arith.constant 0 : i32
        %dma_wait3A_92 = tpu.memref_slice %arg7[%add3A_84, %dma_wait3A_91] : memref<40x128xi32, #tpu.memory_space<vmem>> -> memref<1x128xi32, #tpu.memory_space<vmem>>
        %dma_wait3A_93 = tpu.memref_squeeze %dma_wait3A_92 : memref<1x128xi32, #tpu.memory_space<vmem>> -> memref<128xi32, #tpu.memory_space<vmem>>
        %dma_wait3A_94 = arith.constant 0 : i32
        %dma_wait3A_95 = arith.constant 0 : i32
        %dma_wait3A_96 = tpu.memref_slice %arg12[%dma_wait3A_94, %dma_wait3A_95] : memref<10240x128xf32, #tpu.memory_space<vmem_shared>> -> memref<10240x128xf32, #tpu.memory_space<vmem_shared>>
        tpu.wait_indirect_dma semaphore(%run_scoped3A : memref<!tpu.dma_semaphore, #tpu.memory_space<semaphore_mem>>) src(%arg9 : memref<128x128xf32, #tpu.memory_space<vmem>>) dst(%dma_wait3A_96 : memref<10240x128xf32, #tpu.memory_space<vmem_shared>>)
        tpu.yield
      }) : () -> ()
    }
    %scan3A_36 = arith.constant 20 : i32
    %add3A_37 = arith.constant 40 : i32
    %add3A_38 = arith.addi %mul3A_4, %add3A_37 : i32
    "tpu.region"() ({
      %run_scoped3A = tpu.sem_alloc : memref<!tpu.dma_semaphore, #tpu.memory_space<semaphore_mem>>
      %dma_start3A_55 = arith.constant 0 : i32
      %dma_start3A_56 = tpu.memref_slice %arg2[%add3A_38, %dma_start3A_55] : memref<2560x128xi32, #tpu.memory_space<hbm>> -> memref<40x128xi32, #tpu.memory_space<hbm>>
      %dma_start3A_57 = arith.constant 0 : i32
      %dma_start3A_58 = tpu.memref_slice %arg2[%add3A_38, %dma_start3A_57] : memref<2560x128xi32, #tpu.memory_space<hbm>> -> memref<40x128xi32, #tpu.memory_space<hbm>>
      tpu.enqueue_dma source(%dma_start3A_58 : memref<40x128xi32, #tpu.memory_space<hbm>>) target(%arg6 : memref<40x128xi32, #tpu.memory_space<vmem>>) target_semaphore(%run_scoped3A : memref<!tpu.dma_semaphore, #tpu.memory_space<semaphore_mem>>)
      %dma_wait3A = arith.constant 0 : i32
      %dma_wait3A_59 = tpu.memref_slice %arg2[%add3A_38, %dma_wait3A] : memref<2560x128xi32, #tpu.memory_space<hbm>> -> memref<40x128xi32, #tpu.memory_space<hbm>>
      %dma_wait3A_60 = arith.constant 0 : i32
      %dma_wait3A_61 = tpu.memref_slice %arg2[%add3A_38, %dma_wait3A_60] : memref<2560x128xi32, #tpu.memory_space<hbm>> -> memref<40x128xi32, #tpu.memory_space<hbm>>
      tpu.wait_dma2 semaphore(%run_scoped3A : memref<!tpu.dma_semaphore, #tpu.memory_space<semaphore_mem>>) src(%dma_wait3A_61 : memref<40x128xi32, #tpu.memory_space<hbm>>) dst(%arg6 : memref<40x128xi32, #tpu.memory_space<vmem>>)
      tpu.yield
    }) : () -> ()
    %add3A_39 = arith.constant 40 : i32
    %add3A_40 = arith.addi %mul3A_4, %add3A_39 : i32
    "tpu.region"() ({
      %run_scoped3A = tpu.sem_alloc : memref<!tpu.dma_semaphore, #tpu.memory_space<semaphore_mem>>
      %dma_start3A_55 = arith.constant 0 : i32
      %dma_start3A_56 = tpu.memref_slice %arg3[%add3A_40, %dma_start3A_55] : memref<2560x128xi32, #tpu.memory_space<hbm>> -> memref<40x128xi32, #tpu.memory_space<hbm>>
      %dma_start3A_57 = arith.constant 0 : i32
      %dma_start3A_58 = tpu.memref_slice %arg3[%add3A_40, %dma_start3A_57] : memref<2560x128xi32, #tpu.memory_space<hbm>> -> memref<40x128xi32, #tpu.memory_space<hbm>>
      tpu.enqueue_dma source(%dma_start3A_58 : memref<40x128xi32, #tpu.memory_space<hbm>>) target(%arg7 : memref<40x128xi32, #tpu.memory_space<vmem>>) target_semaphore(%run_scoped3A : memref<!tpu.dma_semaphore, #tpu.memory_space<semaphore_mem>>)
      %dma_wait3A = arith.constant 0 : i32
      %dma_wait3A_59 = tpu.memref_slice %arg3[%add3A_40, %dma_wait3A] : memref<2560x128xi32, #tpu.memory_space<hbm>> -> memref<40x128xi32, #tpu.memory_space<hbm>>
      %dma_wait3A_60 = arith.constant 0 : i32
      %dma_wait3A_61 = tpu.memref_slice %arg3[%add3A_40, %dma_wait3A_60] : memref<2560x128xi32, #tpu.memory_space<hbm>> -> memref<40x128xi32, #tpu.memory_space<hbm>>
      tpu.wait_dma2 semaphore(%run_scoped3A : memref<!tpu.dma_semaphore, #tpu.memory_space<semaphore_mem>>) src(%dma_wait3A_61 : memref<40x128xi32, #tpu.memory_space<hbm>>) dst(%arg7 : memref<40x128xi32, #tpu.memory_space<vmem>>)
      tpu.yield
    }) : () -> ()
    %dma_start3A_41 = arith.constant 0 : i32
    %dma_start3A_42 = arith.constant 0 : i32
    %dma_start3A_43 = tpu.memref_slice %arg6[%dma_start3A_41, %dma_start3A_42] : memref<40x128xi32, #tpu.memory_space<vmem>> -> memref<1x128xi32, #tpu.memory_space<vmem>>
    %dma_start3A_44 = tpu.memref_squeeze %dma_start3A_43 : memref<1x128xi32, #tpu.memory_space<vmem>> -> memref<128xi32, #tpu.memory_space<vmem>>
    %dma_start3A_45 = arith.constant 0 : i32
    %dma_start3A_46 = arith.constant 0 : i32
    %dma_start3A_47 = tpu.memref_slice %arg4[%dma_start3A_45, %dma_start3A_46] : memref<10000x128xf32, #tpu.memory_space<hbm>> -> memref<10000x128xf32, #tpu.memory_space<hbm>>
    tpu.enqueue_indirect_dma source(%dma_start3A_47 : memref<10000x128xf32, #tpu.memory_space<hbm>>) target(%arg8 : memref<128x128xf32, #tpu.memory_space<vmem>>) offsets(%dma_start3A_44 : memref<128xi32, #tpu.memory_space<vmem>>) semaphore(%arg10 : memref<!tpu.dma_semaphore, #tpu.memory_space<semaphore_mem>>)
    %scan3A_48 = arith.constant 0 : i32
    %scan3A_49 = arith.constant 0 : i32
    %scan3A_50 = arith.constant 20 : i32
    %scan3A_51 = arith.addi %scan3A_49, %scan3A_50 : i32
    %scan3A_52 = arith.constant 1 : i32
    scf.for %scan3A_55 = %scan3A_49 to %scan3A_51 step %scan3A_52  : i32 {
      %mul3A_56 = arith.constant 2 : i32
      %mul3A_57 = arith.muli %mul3A_56, %scan3A_55 : i32
      %add3A_58 = arith.constant 1 : i32
      %add3A_59 = arith.addi %mul3A_57, %add3A_58 : i32
      %dma_start3A_60 = arith.constant 0 : i32
      %dma_start3A_61 = tpu.memref_slice %arg6[%add3A_59, %dma_start3A_60] : memref<40x128xi32, #tpu.memory_space<vmem>> -> memref<1x128xi32, #tpu.memory_space<vmem>>
      %dma_start3A_62 = tpu.memref_squeeze %dma_start3A_61 : memref<1x128xi32, #tpu.memory_space<vmem>> -> memref<128xi32, #tpu.memory_space<vmem>>
      %dma_start3A_63 = arith.constant 0 : i32
      %dma_start3A_64 = arith.constant 0 : i32
      %dma_start3A_65 = tpu.memref_slice %arg4[%dma_start3A_63, %dma_start3A_64] : memref<10000x128xf32, #tpu.memory_space<hbm>> -> memref<10000x128xf32, #tpu.memory_space<hbm>>
      tpu.enqueue_indirect_dma source(%dma_start3A_65 : memref<10000x128xf32, #tpu.memory_space<hbm>>) target(%arg9 : memref<128x128xf32, #tpu.memory_space<vmem>>) offsets(%dma_start3A_62 : memref<128xi32, #tpu.memory_space<vmem>>) semaphore(%arg11 : memref<!tpu.dma_semaphore, #tpu.memory_space<semaphore_mem>>)
      %dma_wait3A = arith.constant 0 : i32
      %dma_wait3A_66 = tpu.memref_slice %arg6[%mul3A_57, %dma_wait3A] : memref<40x128xi32, #tpu.memory_space<vmem>> -> memref<1x128xi32, #tpu.memory_space<vmem>>
      %dma_wait3A_67 = tpu.memref_squeeze %dma_wait3A_66 : memref<1x128xi32, #tpu.memory_space<vmem>> -> memref<128xi32, #tpu.memory_space<vmem>>
      %dma_wait3A_68 = arith.constant 0 : i32
      %dma_wait3A_69 = arith.constant 0 : i32
      %dma_wait3A_70 = tpu.memref_slice %arg4[%dma_wait3A_68, %dma_wait3A_69] : memref<10000x128xf32, #tpu.memory_space<hbm>> -> memref<10000x128xf32, #tpu.memory_space<hbm>>
      tpu.wait_indirect_dma semaphore(%arg10 : memref<!tpu.dma_semaphore, #tpu.memory_space<semaphore_mem>>) src(%dma_wait3A_70 : memref<10000x128xf32, #tpu.memory_space<hbm>>) dst(%arg8 : memref<128x128xf32, #tpu.memory_space<vmem>>)
      "tpu.region"() ({
        %run_scoped3A = tpu.sem_alloc : memref<!tpu.dma_semaphore, #tpu.memory_space<semaphore_mem>>
        %dma_start3A_85 = arith.constant 0 : i32
        %dma_start3A_86 = tpu.memref_slice %arg7[%mul3A_57, %dma_start3A_85] : memref<40x128xi32, #tpu.memory_space<vmem>> -> memref<1x128xi32, #tpu.memory_space<vmem>>
        %dma_start3A_87 = tpu.memref_squeeze %dma_start3A_86 : memref<1x128xi32, #tpu.memory_space<vmem>> -> memref<128xi32, #tpu.memory_space<vmem>>
        %dma_start3A_88 = arith.constant 0 : i32
        %dma_start3A_89 = arith.constant 0 : i32
        %dma_start3A_90 = tpu.memref_slice %arg12[%dma_start3A_88, %dma_start3A_89] : memref<10240x128xf32, #tpu.memory_space<vmem_shared>> -> memref<10240x128xf32, #tpu.memory_space<vmem_shared>>
        tpu.enqueue_indirect_dma source(%arg8 : memref<128x128xf32, #tpu.memory_space<vmem>>) target(%dma_start3A_90 : memref<10240x128xf32, #tpu.memory_space<vmem_shared>>) offsets(%dma_start3A_87 : memref<128xi32, #tpu.memory_space<vmem>>) semaphore(%run_scoped3A : memref<!tpu.dma_semaphore, #tpu.memory_space<semaphore_mem>>) {add = true}
        %dma_wait3A_91 = arith.constant 0 : i32
        %dma_wait3A_92 = tpu.memref_slice %arg7[%mul3A_57, %dma_wait3A_91] : memref<40x128xi32, #tpu.memory_space<vmem>> -> memref<1x128xi32, #tpu.memory_space<vmem>>
        %dma_wait3A_93 = tpu.memref_squeeze %dma_wait3A_92 : memref<1x128xi32, #tpu.memory_space<vmem>> -> memref<128xi32, #tpu.memory_space<vmem>>
        %dma_wait3A_94 = arith.constant 0 : i32
        %dma_wait3A_95 = arith.constant 0 : i32
        %dma_wait3A_96 = tpu.memref_slice %arg12[%dma_wait3A_94, %dma_wait3A_95] : memref<10240x128xf32, #tpu.memory_space<vmem_shared>> -> memref<10240x128xf32, #tpu.memory_space<vmem_shared>>
        tpu.wait_indirect_dma semaphore(%run_scoped3A : memref<!tpu.dma_semaphore, #tpu.memory_space<semaphore_mem>>) src(%arg8 : memref<128x128xf32, #tpu.memory_space<vmem>>) dst(%dma_wait3A_96 : memref<10240x128xf32, #tpu.memory_space<vmem_shared>>)
        tpu.yield
      }) : () -> ()
      %add3A_71 = arith.constant 2 : i32
      %add3A_72 = arith.addi %mul3A_57, %add3A_71 : i32
      %lt3A = arith.constant 40 : i32
      %lt3A_73 = arith.cmpi slt, %add3A_72, %lt3A : i32
      %convert_element_type3A = arith.extui %lt3A_73 : i1 to i32
      %cond3A = arith.constant 0 : i32
      %cond3A_74 = arith.cmpi ne, %convert_element_type3A, %cond3A : i32
      scf.if %cond3A_74 {
        %add3A_85 = arith.constant 2 : i32
        %add3A_86 = arith.addi %mul3A_57, %add3A_85 : i32
        %dma_start3A_87 = arith.constant 0 : i32
        %dma_start3A_88 = tpu.memref_slice %arg6[%add3A_86, %dma_start3A_87] : memref<40x128xi32, #tpu.memory_space<vmem>> -> memref<1x128xi32, #tpu.memory_space<vmem>>
        %dma_start3A_89 = tpu.memref_squeeze %dma_start3A_88 : memref<1x128xi32, #tpu.memory_space<vmem>> -> memref<128xi32, #tpu.memory_space<vmem>>
        %dma_start3A_90 = arith.constant 0 : i32
        %dma_start3A_91 = arith.constant 0 : i32
        %dma_start3A_92 = tpu.memref_slice %arg4[%dma_start3A_90, %dma_start3A_91] : memref<10000x128xf32, #tpu.memory_space<hbm>> -> memref<10000x128xf32, #tpu.memory_space<hbm>>
        tpu.enqueue_indirect_dma source(%dma_start3A_92 : memref<10000x128xf32, #tpu.memory_space<hbm>>) target(%arg8 : memref<128x128xf32, #tpu.memory_space<vmem>>) offsets(%dma_start3A_89 : memref<128xi32, #tpu.memory_space<vmem>>) semaphore(%arg10 : memref<!tpu.dma_semaphore, #tpu.memory_space<semaphore_mem>>)
      } else {
      }
      %add3A_75 = arith.constant 1 : i32
      %add3A_76 = arith.addi %mul3A_57, %add3A_75 : i32
      %dma_wait3A_77 = arith.constant 0 : i32
      %dma_wait3A_78 = tpu.memref_slice %arg6[%add3A_76, %dma_wait3A_77] : memref<40x128xi32, #tpu.memory_space<vmem>> -> memref<1x128xi32, #tpu.memory_space<vmem>>
      %dma_wait3A_79 = tpu.memref_squeeze %dma_wait3A_78 : memref<1x128xi32, #tpu.memory_space<vmem>> -> memref<128xi32, #tpu.memory_space<vmem>>
      %dma_wait3A_80 = arith.constant 0 : i32
      %dma_wait3A_81 = arith.constant 0 : i32
      %dma_wait3A_82 = tpu.memref_slice %arg4[%dma_wait3A_80, %dma_wait3A_81] : memref<10000x128xf32, #tpu.memory_space<hbm>> -> memref<10000x128xf32, #tpu.memory_space<hbm>>
      tpu.wait_indirect_dma semaphore(%arg11 : memref<!tpu.dma_semaphore, #tpu.memory_space<semaphore_mem>>) src(%dma_wait3A_82 : memref<10000x128xf32, #tpu.memory_space<hbm>>) dst(%arg9 : memref<128x128xf32, #tpu.memory_space<vmem>>)
      %add3A_83 = arith.constant 1 : i32
      %add3A_84 = arith.addi %mul3A_57, %add3A_83 : i32
      "tpu.region"() ({
        %run_scoped3A = tpu.sem_alloc : memref<!tpu.dma_semaphore, #tpu.memory_space<semaphore_mem>>
        %dma_start3A_85 = arith.constant 0 : i32
        %dma_start3A_86 = tpu.memref_slice %arg7[%add3A_84, %dma_start3A_85] : memref<40x128xi32, #tpu.memory_space<vmem>> -> memref<1x128xi32, #tpu.memory_space<vmem>>
        %dma_start3A_87 = tpu.memref_squeeze %dma_start3A_86 : memref<1x128xi32, #tpu.memory_space<vmem>> -> memref<128xi32, #tpu.memory_space<vmem>>
        %dma_start3A_88 = arith.constant 0 : i32
        %dma_start3A_89 = arith.constant 0 : i32
        %dma_start3A_90 = tpu.memref_slice %arg12[%dma_start3A_88, %dma_start3A_89] : memref<10240x128xf32, #tpu.memory_space<vmem_shared>> -> memref<10240x128xf32, #tpu.memory_space<vmem_shared>>
        tpu.enqueue_indirect_dma source(%arg9 : memref<128x128xf32, #tpu.memory_space<vmem>>) target(%dma_start3A_90 : memref<10240x128xf32, #tpu.memory_space<vmem_shared>>) offsets(%dma_start3A_87 : memref<128xi32, #tpu.memory_space<vmem>>) semaphore(%run_scoped3A : memref<!tpu.dma_semaphore, #tpu.memory_space<semaphore_mem>>) {add = true}
        %dma_wait3A_91 = arith.constant 0 : i32
        %dma_wait3A_92 = tpu.memref_slice %arg7[%add3A_84, %dma_wait3A_91] : memref<40x128xi32, #tpu.memory_space<vmem>> -> memref<1x128xi32, #tpu.memory_space<vmem>>
        %dma_wait3A_93 = tpu.memref_squeeze %dma_wait3A_92 : memref<1x128xi32, #tpu.memory_space<vmem>> -> memref<128xi32, #tpu.memory_space<vmem>>
        %dma_wait3A_94 = arith.constant 0 : i32
        %dma_wait3A_95 = arith.constant 0 : i32
        %dma_wait3A_96 = tpu.memref_slice %arg12[%dma_wait3A_94, %dma_wait3A_95] : memref<10240x128xf32, #tpu.memory_space<vmem_shared>> -> memref<10240x128xf32, #tpu.memory_space<vmem_shared>>
        tpu.wait_indirect_dma semaphore(%run_scoped3A : memref<!tpu.dma_semaphore, #tpu.memory_space<semaphore_mem>>) src(%arg9 : memref<128x128xf32, #tpu.memory_space<vmem>>) dst(%dma_wait3A_96 : memref<10240x128xf32, #tpu.memory_space<vmem_shared>>)
        tpu.yield
      }) : () -> ()
    }
    %scan3A_53 = arith.constant 20 : i32
    %barrier3A_54 = arith.constant 0 : index
    tpu.barrier barrier_id(%barrier3A_54)
    "tpu.region"() ({
      %run_scoped3A = tpu.sem_alloc : memref<!tpu.dma_semaphore, #tpu.memory_space<semaphore_mem>>
      %dma_start3A_55 = arith.constant 0 : i32
      %dma_start3A_56 = tpu.memref_slice %arg5[%arg0, %mul3A_2, %dma_start3A_55] : memref<2x10240x128xf32, #tpu.memory_space<hbm>> -> memref<1x640x128xf32, #tpu.memory_space<hbm>>
      %dma_start3A_57 = tpu.memref_squeeze %dma_start3A_56 : memref<1x640x128xf32, #tpu.memory_space<hbm>> -> memref<640x128xf32, #tpu.memory_space<hbm>>
      %dma_start3A_58 = arith.constant 0 : i32
      %dma_start3A_59 = tpu.memref_slice %arg12[%mul3A_2, %dma_start3A_58] : memref<10240x128xf32, #tpu.memory_space<vmem_shared>> -> memref<640x128xf32, #tpu.memory_space<vmem_shared>>
      tpu.enqueue_dma source(%dma_start3A_59 : memref<640x128xf32, #tpu.memory_space<vmem_shared>>) target(%dma_start3A_57 : memref<640x128xf32, #tpu.memory_space<hbm>>) target_semaphore(%run_scoped3A : memref<!tpu.dma_semaphore, #tpu.memory_space<semaphore_mem>>)
      %dma_wait3A = arith.constant 0 : i32
      %dma_wait3A_60 = tpu.memref_slice %arg5[%arg0, %mul3A_2, %dma_wait3A] : memref<2x10240x128xf32, #tpu.memory_space<hbm>> -> memref<1x640x128xf32, #tpu.memory_space<hbm>>
      %dma_wait3A_61 = tpu.memref_squeeze %dma_wait3A_60 : memref<1x640x128xf32, #tpu.memory_space<hbm>> -> memref<640x128xf32, #tpu.memory_space<hbm>>
      %dma_wait3A_62 = arith.constant 0 : i32
      %dma_wait3A_63 = tpu.memref_slice %arg12[%mul3A_2, %dma_wait3A_62] : memref<10240x128xf32, #tpu.memory_space<vmem_shared>> -> memref<640x128xf32, #tpu.memory_space<vmem_shared>>
      tpu.wait_dma2 semaphore(%run_scoped3A : memref<!tpu.dma_semaphore, #tpu.memory_space<semaphore_mem>>) src(%dma_wait3A_63 : memref<640x128xf32, #tpu.memory_space<vmem_shared>>) dst(%dma_wait3A_61 : memref<640x128xf32, #tpu.memory_space<hbm>>)
      tpu.yield
    }) : () -> ()
    return
  }
}

module attributes {stable_mosaic.version = 14 : i64} {
  func.func @body(%arg0: i32, %arg1: memref<1000x128xf32, #tpu.memory_space<vmem>>, %arg2: memref<128x128xf32, #tpu.memory_space<vmem>>, %arg3: memref<2x1000x8xf32, #tpu.memory_space<vmem>>, %arg4: memref<1000x128xf32, #tpu.memory_space<vmem>>) attributes {dimension_semantics = [#tpu.dimension_semantics<arbitrary>], iteration_bounds = array<i64: 10>, scalar_prefetch = 0 : i64, scratch_operands = 0 : i64, tpu.core_type = #tpu.core_type<tc>, window_params = [{transform_indices = @transform_0, window_bounds = array<i64: 1000, 128>}, {pipeline_mode = #tpu.pipeline_mode<synchronous>, transform_indices = @transform_1, window_bounds = array<i64: 128, 128>}, {transform_indices = @transform_2, window_bounds = array<i64: 2, 1000, 8>}, {transform_indices = @transform_3, window_bounds = array<i64: 1000, 128>}]} {
    %get3A = arith.constant 0 : index
    %get3A_0 = arith.constant 0 : index
    %get3A_1 = vector.load %arg1[%get3A, %get3A_0] : memref<1000x128xf32, #tpu.memory_space<vmem>>, vector<1000x128xf32>
    %get3A_2 = arith.constant 0 : index
    %get3A_3 = arith.constant 0 : index
    %get3A_4 = vector.load %arg2[%get3A_2, %get3A_3] : memref<128x128xf32, #tpu.memory_space<vmem>>, vector<128x128xf32>
    %dot_general3A = arith.constant dense<0.000000e+00> : vector<1000x128xf32>
    %dot_general3A_5 = tpu.matmul %get3A_1, %get3A_4, %dot_general3A {dimension_numbers = #tpu.dot_dimension_numbers<[1], [0], [0], [1], [0, 0, 1, 1], [], []>, transpose_lhs_hint = false} : vector<1000x128xf32>, vector<128x128xf32>, vector<1000x128xf32> -> vector<1000x128xf32>
    %get3A_6 = arith.constant 0 : index
    %get3A_7 = arith.constant 0 : index
    %get3A_8 = arith.constant 0 : index
    %get3A_9 = vector.load %arg3[%get3A_6, %get3A_7, %get3A_8] : memref<2x1000x8xf32, #tpu.memory_space<vmem>>, vector<1x1000x1xf32>
    %get3A_10 = vector.shape_cast %get3A_9 : vector<1x1000x1xf32> to vector<1000x1xf32>
    %get3A_11 = arith.constant 1 : index
    %get3A_12 = arith.constant 0 : index
    %get3A_13 = arith.constant 0 : index
    %get3A_14 = vector.load %arg3[%get3A_11, %get3A_12, %get3A_13] : memref<2x1000x8xf32, #tpu.memory_space<vmem>>, vector<1x1000x1xf32>
    %get3A_15 = vector.shape_cast %get3A_14 : vector<1x1000x1xf32> to vector<1000x1xf32>
    %add3A = arith.addf %get3A_10, %get3A_15 : vector<1000x1xf32>
    %add3A_16 = arith.constant 1.000000e+00 : f32
    %add3A_17 = vector.broadcast %add3A_16 : f32 to vector<1000x1xf32>
    %add3A_18 = arith.addf %add3A, %add3A_17 : vector<1000x1xf32>
    %rsqrt3A = math.rsqrt %add3A_18 : vector<1000x1xf32>
    %mul3A = vector.broadcast %rsqrt3A : vector<1000x1xf32> to vector<1000x128xf32>
    %mul3A_19 = arith.mulf %dot_general3A_5, %mul3A : vector<1000x128xf32>
    %swap3A = arith.constant 0 : index
    %swap3A_20 = arith.constant 0 : index
    %swap3A_21 = vector.load %arg4[%swap3A, %swap3A_20] : memref<1000x128xf32, #tpu.memory_space<vmem>>, vector<1000x128xf32>
    tpu.vector_store %arg4[%swap3A, %swap3A_20], %mul3A_19 {strides = array<i32>} : memref<1000x128xf32, #tpu.memory_space<vmem>>, vector<1000x128xf32>,
    return
  }
  func.func @transform_0(%arg0: i32) -> (i32, i32) {
    %c0_i32 = arith.constant 0 : i32
    %c0_i32_0 = arith.constant 0 : i32
    return %arg0, %c0_i32 : i32, i32
  }
  func.func @transform_1(%arg0: i32) -> (i32, i32) {
    %c0_i32 = arith.constant 0 : i32
    %c0_i32_0 = arith.constant 0 : i32
    %c0_i32_1 = arith.constant 0 : i32
    return %c0_i32, %c0_i32_0 : i32, i32
  }
  func.func @transform_2(%arg0: i32) -> (i32, i32, i32) {
    %c0_i32 = arith.constant 0 : i32
    %c0_i32_0 = arith.constant 0 : i32
    %c0_i32_1 = arith.constant 0 : i32
    return %c0_i32, %arg0, %c0_i32_0 : i32, i32, i32
  }
  func.func @transform_3(%arg0: i32) -> (i32, i32) {
    %c0_i32 = arith.constant 0 : i32
    %c0_i32_0 = arith.constant 0 : i32
    return %arg0, %c0_i32 : i32, i32
  }
}

module attributes {stable_mosaic.version = 14 : i64} {
  func.func @body(%arg0: i32, %arg1: memref<2x1000x128xf32, #tpu.memory_space<vmem>>, %arg2: memref<1000x128xf32, #tpu.memory_space<vmem>>, %arg3: memref<2x1000x8xf32, #tpu.memory_space<vmem>>, %arg4: memref<1000x128xf32, #tpu.memory_space<vmem>>, %arg5: memref<128xf32, #tpu.memory_space<vmem>>, %arg6: memref<128x64xf32, #tpu.memory_space<vmem>>, %arg7: memref<1000x128xf32, #tpu.memory_space<vmem>>) attributes {dimension_semantics = [#tpu.dimension_semantics<arbitrary>], iteration_bounds = array<i64: 10>, scalar_prefetch = 0 : i64, scratch_operands = 0 : i64, tpu.core_type = #tpu.core_type<tc>, window_params = [{transform_indices = @transform_0, window_bounds = array<i64: 2, 1000, 128>}, {transform_indices = @transform_1, window_bounds = array<i64: 1000, 128>}, {transform_indices = @transform_2, window_bounds = array<i64: 2, 1000, 8>}, {transform_indices = @transform_3, window_bounds = array<i64: 1000, 128>}, {pipeline_mode = #tpu.pipeline_mode<synchronous>, transform_indices = @transform_4, window_bounds = array<i64: 128>}, {pipeline_mode = #tpu.pipeline_mode<synchronous>, transform_indices = @transform_5, window_bounds = array<i64: 128, 64>}, {transform_indices = @transform_6, window_bounds = array<i64: 1000, 128>}]} {
    %get3A = arith.constant 0 : index
    %get3A_0 = arith.constant 0 : index
    %get3A_1 = arith.constant 0 : index
    %get3A_2 = vector.load %arg3[%get3A, %get3A_0, %get3A_1] : memref<2x1000x8xf32, #tpu.memory_space<vmem>>, vector<1x1000x1xf32>
    %get3A_3 = vector.shape_cast %get3A_2 : vector<1x1000x1xf32> to vector<1000x1xf32>
    %get3A_4 = arith.constant 1 : index
    %get3A_5 = arith.constant 0 : index
    %get3A_6 = arith.constant 0 : index
    %get3A_7 = vector.load %arg3[%get3A_4, %get3A_5, %get3A_6] : memref<2x1000x8xf32, #tpu.memory_space<vmem>>, vector<1x1000x1xf32>
    %get3A_8 = vector.shape_cast %get3A_7 : vector<1x1000x1xf32> to vector<1000x1xf32>
    %add3A = arith.addf %get3A_3, %get3A_8 : vector<1000x1xf32>
    %add3A_9 = arith.constant 1.000000e+00 : f32
    %add3A_10 = vector.broadcast %add3A_9 : f32 to vector<1000x1xf32>
    %add3A_11 = arith.addf %add3A, %add3A_10 : vector<1000x1xf32>
    %rsqrt3A = math.rsqrt %add3A_11 : vector<1000x1xf32>
    %get3A_12 = arith.constant 0 : index
    %get3A_13 = arith.constant 0 : index
    %get3A_14 = arith.constant 0 : index
    %get3A_15 = vector.load %arg1[%get3A_12, %get3A_13, %get3A_14] : memref<2x1000x128xf32, #tpu.memory_space<vmem>>, vector<1x1000x128xf32>
    %get3A_16 = vector.shape_cast %get3A_15 : vector<1x1000x128xf32> to vector<1000x128xf32>
    %get3A_17 = arith.constant 1 : index
    %get3A_18 = arith.constant 0 : index
    %get3A_19 = arith.constant 0 : index
    %get3A_20 = vector.load %arg1[%get3A_17, %get3A_18, %get3A_19] : memref<2x1000x128xf32, #tpu.memory_space<vmem>>, vector<1x1000x128xf32>
    %get3A_21 = vector.shape_cast %get3A_20 : vector<1x1000x128xf32> to vector<1000x128xf32>
    %add3A_22 = arith.addf %get3A_16, %get3A_21 : vector<1000x128xf32>
    %get3A_23 = arith.constant 0 : index
    %get3A_24 = arith.constant 0 : index
    %get3A_25 = vector.load %arg2[%get3A_23, %get3A_24] : memref<1000x128xf32, #tpu.memory_space<vmem>>, vector<1000x128xf32>
    %add3A_26 = arith.addf %add3A_22, %get3A_25 : vector<1000x128xf32>
    %mul3A = vector.broadcast %rsqrt3A : vector<1000x1xf32> to vector<1000x128xf32>
    %mul3A_27 = arith.mulf %add3A_26, %mul3A : vector<1000x128xf32>
    %get3A_28 = arith.constant 0 : index
    %get3A_29 = vector.load %arg5[%get3A_28] : memref<128xf32, #tpu.memory_space<vmem>>, vector<128xf32>
    %broadcast_in_dim3A = vector.shape_cast %get3A_29 : vector<128xf32> to vector<1x128xf32>
    %add3A_30 = vector.broadcast %broadcast_in_dim3A : vector<1x128xf32> to vector<1000x128xf32>
    %add3A_31 = arith.addf %mul3A_27, %add3A_30 : vector<1000x128xf32>
    %max3A = arith.constant 0.000000e+00 : f32
    %max3A_32 = vector.broadcast %max3A : f32 to vector<1000x128xf32>
    %max3A_33 = arith.maximumf %add3A_31, %max3A_32 : vector<1000x128xf32>
    %get3A_34 = arith.constant 0 : index
    %get3A_35 = arith.constant 0 : index
    %get3A_36 = vector.load %arg4[%get3A_34, %get3A_35] : memref<1000x128xf32, #tpu.memory_space<vmem>>, vector<1000x128xf32>
    %add3A_37 = arith.addf %max3A_33, %get3A_36 : vector<1000x128xf32>
    %get3A_38 = arith.constant 0 : index
    %get3A_39 = arith.constant 0 : index
    %get3A_40 = vector.load %arg6[%get3A_38, %get3A_39] : memref<128x64xf32, #tpu.memory_space<vmem>>, vector<128x64xf32>
    %dot_general3A = arith.constant dense<0.000000e+00> : vector<1000x64xf32>
    %dot_general3A_41 = tpu.matmul %add3A_37, %get3A_40, %dot_general3A {dimension_numbers = #tpu.dot_dimension_numbers<[1], [0], [0], [1], [0, 0, 1, 1], [], []>, transpose_lhs_hint = false} : vector<1000x128xf32>, vector<128x64xf32>, vector<1000x64xf32> -> vector<1000x64xf32>
    %mul3A_42 = vector.broadcast %rsqrt3A : vector<1000x1xf32> to vector<1000x64xf32>
    %mul3A_43 = arith.mulf %dot_general3A_41, %mul3A_42 : vector<1000x64xf32>
    %broadcast_in_dim3A_44 = arith.constant 0.000000e+00 : f32
    %broadcast_in_dim3A_45 = vector.broadcast %broadcast_in_dim3A_44 : f32 to vector<1000x64xf32>
    %concatenate3A = tpu.concatenate %mul3A_43, %broadcast_in_dim3A_45 in 1 : vector<1000x64xf32>, vector<1000x64xf32> -> vector<1000x128xf32>
    %swap3A = arith.constant 0 : index
    %swap3A_46 = arith.constant 0 : index
    %swap3A_47 = vector.load %arg7[%swap3A, %swap3A_46] : memref<1000x128xf32, #tpu.memory_space<vmem>>, vector<1000x128xf32>
    tpu.vector_store %arg7[%swap3A, %swap3A_46], %concatenate3A {strides = array<i32>} : memref<1000x128xf32, #tpu.memory_space<vmem>>, vector<1000x128xf32>,
    return
  }
  func.func @transform_0(%arg0: i32) -> (i32, i32, i32) {
    %c0_i32 = arith.constant 0 : i32
    %c0_i32_0 = arith.constant 0 : i32
    %c0_i32_1 = arith.constant 0 : i32
    return %c0_i32, %arg0, %c0_i32_0 : i32, i32, i32
  }
  func.func @transform_1(%arg0: i32) -> (i32, i32) {
    %c0_i32 = arith.constant 0 : i32
    %c0_i32_0 = arith.constant 0 : i32
    return %arg0, %c0_i32 : i32, i32
  }
  func.func @transform_2(%arg0: i32) -> (i32, i32, i32) {
    %c0_i32 = arith.constant 0 : i32
    %c0_i32_0 = arith.constant 0 : i32
    %c0_i32_1 = arith.constant 0 : i32
    return %c0_i32, %arg0, %c0_i32_0 : i32, i32, i32
  }
  func.func @transform_3(%arg0: i32) -> (i32, i32) {
    %c0_i32 = arith.constant 0 : i32
    %c0_i32_0 = arith.constant 0 : i32
    return %arg0, %c0_i32 : i32, i32
  }
  func.func @transform_4(%arg0: i32) -> i32 {
    %c0_i32 = arith.constant 0 : i32
    %c0_i32_0 = arith.constant 0 : i32
    return %c0_i32 : i32
  }
  func.func @transform_5(%arg0: i32) -> (i32, i32) {
    %c0_i32 = arith.constant 0 : i32
    %c0_i32_0 = arith.constant 0 : i32
    %c0_i32_1 = arith.constant 0 : i32
    return %c0_i32, %c0_i32_0 : i32, i32
  }
  func.func @transform_6(%arg0: i32) -> (i32, i32) {
    %c0_i32 = arith.constant 0 : i32
    %c0_i32_0 = arith.constant 0 : i32
    return %arg0, %c0_i32 : i32, i32
  }
}

module attributes {stable_mosaic.version = 14 : i64} {
  func.func @body(%arg0: i32, %arg1: memref<2x1000x128xf32, #tpu.memory_space<vmem>>, %arg2: memref<1000x128xf32, #tpu.memory_space<vmem>>, %arg3: memref<2x1000x8xf32, #tpu.memory_space<vmem>>, %arg4: memref<64xf32, #tpu.memory_space<vmem>>, %arg5: memref<1000x64xf32, #tpu.memory_space<vmem>>) attributes {dimension_semantics = [#tpu.dimension_semantics<arbitrary>], iteration_bounds = array<i64: 10>, scalar_prefetch = 0 : i64, scratch_operands = 0 : i64, tpu.core_type = #tpu.core_type<tc>, window_params = [{transform_indices = @transform_0, window_bounds = array<i64: 2, 1000, 128>}, {transform_indices = @transform_1, window_bounds = array<i64: 1000, 128>}, {transform_indices = @transform_2, window_bounds = array<i64: 2, 1000, 8>}, {pipeline_mode = #tpu.pipeline_mode<synchronous>, transform_indices = @transform_3, window_bounds = array<i64: 64>}, {transform_indices = @transform_4, window_bounds = array<i64: 1000, 64>}]} {
    %get3A = arith.constant 0 : index
    %get3A_0 = arith.constant 0 : index
    %get3A_1 = arith.constant 0 : index
    %get3A_2 = vector.load %arg3[%get3A, %get3A_0, %get3A_1] : memref<2x1000x8xf32, #tpu.memory_space<vmem>>, vector<1x1000x1xf32>
    %get3A_3 = vector.shape_cast %get3A_2 : vector<1x1000x1xf32> to vector<1000x1xf32>
    %get3A_4 = arith.constant 1 : index
    %get3A_5 = arith.constant 0 : index
    %get3A_6 = arith.constant 0 : index
    %get3A_7 = vector.load %arg3[%get3A_4, %get3A_5, %get3A_6] : memref<2x1000x8xf32, #tpu.memory_space<vmem>>, vector<1x1000x1xf32>
    %get3A_8 = vector.shape_cast %get3A_7 : vector<1x1000x1xf32> to vector<1000x1xf32>
    %add3A = arith.addf %get3A_3, %get3A_8 : vector<1000x1xf32>
    %add3A_9 = arith.constant 1.000000e+00 : f32
    %add3A_10 = vector.broadcast %add3A_9 : f32 to vector<1000x1xf32>
    %add3A_11 = arith.addf %add3A, %add3A_10 : vector<1000x1xf32>
    %rsqrt3A = math.rsqrt %add3A_11 : vector<1000x1xf32>
    %get3A_12 = arith.constant 0 : index
    %get3A_13 = arith.constant 0 : index
    %get3A_14 = arith.constant 0 : index
    %get3A_15 = vector.load %arg1[%get3A_12, %get3A_13, %get3A_14] : memref<2x1000x128xf32, #tpu.memory_space<vmem>>, vector<1x1000x64xf32>
    %get3A_16 = vector.shape_cast %get3A_15 : vector<1x1000x64xf32> to vector<1000x64xf32>
    %get3A_17 = arith.constant 1 : index
    %get3A_18 = arith.constant 0 : index
    %get3A_19 = arith.constant 0 : index
    %get3A_20 = vector.load %arg1[%get3A_17, %get3A_18, %get3A_19] : memref<2x1000x128xf32, #tpu.memory_space<vmem>>, vector<1x1000x64xf32>
    %get3A_21 = vector.shape_cast %get3A_20 : vector<1x1000x64xf32> to vector<1000x64xf32>
    %add3A_22 = arith.addf %get3A_16, %get3A_21 : vector<1000x64xf32>
    %get3A_23 = arith.constant 0 : index
    %get3A_24 = arith.constant 0 : index
    %get3A_25 = vector.load %arg2[%get3A_23, %get3A_24] : memref<1000x128xf32, #tpu.memory_space<vmem>>, vector<1000x64xf32>
    %add3A_26 = arith.addf %add3A_22, %get3A_25 : vector<1000x64xf32>
    %mul3A = vector.broadcast %rsqrt3A : vector<1000x1xf32> to vector<1000x64xf32>
    %mul3A_27 = arith.mulf %add3A_26, %mul3A : vector<1000x64xf32>
    %get3A_28 = arith.constant 0 : index
    %get3A_29 = vector.load %arg4[%get3A_28] : memref<64xf32, #tpu.memory_space<vmem>>, vector<64xf32>
    %broadcast_in_dim3A = vector.shape_cast %get3A_29 : vector<64xf32> to vector<1x64xf32>
    %add3A_30 = vector.broadcast %broadcast_in_dim3A : vector<1x64xf32> to vector<1000x64xf32>
    %add3A_31 = arith.addf %mul3A_27, %add3A_30 : vector<1000x64xf32>
    %swap3A = arith.constant 0 : index
    %swap3A_32 = arith.constant 0 : index
    %swap3A_33 = vector.load %arg5[%swap3A, %swap3A_32] : memref<1000x64xf32, #tpu.memory_space<vmem>>, vector<1000x64xf32>
    tpu.vector_store %arg5[%swap3A, %swap3A_32], %add3A_31 {strides = array<i32>} : memref<1000x64xf32, #tpu.memory_space<vmem>>, vector<1000x64xf32>,
    return
  }
  func.func @transform_0(%arg0: i32) -> (i32, i32, i32) {
    %c0_i32 = arith.constant 0 : i32
    %c0_i32_0 = arith.constant 0 : i32
    %c0_i32_1 = arith.constant 0 : i32
    return %c0_i32, %arg0, %c0_i32_0 : i32, i32, i32
  }
  func.func @transform_1(%arg0: i32) -> (i32, i32) {
    %c0_i32 = arith.constant 0 : i32
    %c0_i32_0 = arith.constant 0 : i32
    return %arg0, %c0_i32 : i32, i32
  }
  func.func @transform_2(%arg0: i32) -> (i32, i32, i32) {
    %c0_i32 = arith.constant 0 : i32
    %c0_i32_0 = arith.constant 0 : i32
    %c0_i32_1 = arith.constant 0 : i32
    return %c0_i32, %arg0, %c0_i32_0 : i32, i32, i32
  }
  func.func @transform_3(%arg0: i32) -> i32 {
    %c0_i32 = arith.constant 0 : i32
    %c0_i32_0 = arith.constant 0 : i32
    return %c0_i32 : i32
  }
  func.func @transform_4(%arg0: i32) -> (i32, i32) {
    %c0_i32 = arith.constant 0 : i32
    %c0_i32_0 = arith.constant 0 : i32
    return %arg0, %c0_i32 : i32, i32
  }
}

</mosaic_0001>

<sc_bundles>
// kernel: kernel.11.cloned.1.call-start
scs
__scs_entry_jumppad:
0x0: {  	(pc) =	sbr.rel $0x88, $3  }
0x1: {  	(tag) =	ssettag $0x0;
	lr =	simm.s32 $0x1  }
0x2: {  	[smem:$0x3F9B] =	sst lr;
	_ =	strace $0xD0000000  }
0x3: {  	_ = 	snop  }
0x4: {  	_ = 	snop  }
0x5: {  	_ = 	snop  }
0x6: {  	_ = 	snop  }
0x7: {  	_ = 	snop  }
__scs_overlays_trampoline_lowered:
0x8: {  	[smem:$0x3FAA] =	sst s0  }
0x9: {  	[smem:$0x3FAB] =	sst s1  }
0xa: {  	[smem:$0x3FAC] =	sst s2  }
0xb: {  	[smem:$0x3FAD] =	sst s3  }
0xc: {  	[smem:$0x3FAE] =	sst s4  }
0xd: {  	[smem:$0x3FAF] =	sst s5  }
0xe: {  	[smem:$0x3FB0] =	sst s6  }
0xf: {  	[smem:$0x3FB1] =	sst s7  }
0x10: {  	[smem:$0x3FB2] =	sst s8  }
0x11: {  	[smem:$0x3FB3] =	sst s9;
	s0 =	simm.s32 @!p0 $0x0  }
0x12: {  	s1 =	sld [smem:$0x3F99];
	s0 =	simm.s32 @p0 $0x1  }
0x13: {  	[smem:$0x3FB4] =	sst s0;
	s0 =	simm.s32 @!p1 $0x0  }
0x14: {  	s2 =	sld [smem:$0x3F98];
	s0 =	simm.s32 @p1 $0x1  }
0x15: {  	[smem:$0x3FB5] =	sst s0;
	s0 =	simm.s32 @!p2 $0x0  }
0x16: {  	s3 =	sld [smem:$0x3FDB];
	s0 =	simm.s32 @p2 $0x1  }
0x17: {  	s4 =	simm.s32 $0x1BF5;
	[smem:$0x3FB7] =	sst s0  }
0x18: {  	s0 =	sld [smem:$0x3F9A];
	_ =	swait.ge [sflag:s4], $0x0  }
0x19: {  	s7 =	sld [smem:$0x3F9B]  }
0x1a: {  	s8 =	sadd.s32 $0xFFFFE003, lr  }
0x1b: {  	s9 =	sadd.s32 $0xFFFFFEF7, lr;
	s5 =	simm.s32 $0xFFFFFFFF;
	p2 =	slt.u32 s8, $0xFFFFF086  }
0x1c: {  	p1 =	slt.u32 s9, $0xF7A;
	s5 =	simm.s32 @!p2 $0x0  }
0x1d: {  	s5 =	simm.s32 @p1 $0x1;
	p0 =	seq.s32 s7, s2  }
0x1e: {  	s7 =	smul.u32 @!p0 $0xF7A, s2;
	p2 =	seq.s32 @!p0 s5, $0x0  }
0x1f: {  	s9 =	smul.u32 $0xF7A, s1;
	s8 =	simm.s32 @!p0 $0x1BF5;
	p2 =	por !p2, p0  }
0x20: {  	[sflag:s8] =	ssyncset.s32 @!p0 $0xFFFFF086;
	s6 =	sadd.s32 @!p0 s3, s7;
	s7 =	simm.s32 @!p0 $0x108  }
0x21: {  	s3 =	sadd.s32 s3, s9;
	s6 =	sadd.s32 @!p0 $0x88, s6;
	s7 =	simm.s32 @p2 $0x1082  }
0x22: {  	[simem:s7], [sflag:s8] =	dma.local @!p0 [hbm:s6], $0xF7A  }
0x23: {  	s9 =	sor.u32 $0xD0000000, s2;
	s6 =	simm.s32 $0x108;
	_ =	swait.ge @!p0 [sflag:s8], $0x0  }
0x24: {  	s3 =	sadd.s32 $0x88, s3;
	s6 =	simm.s32 @!p1 $0x1082;
	[sflag:s4] =	ssyncset.s32 $0xFFFFF086  }
0x25: {  	[simem:s6], [sflag:s4] =	dma.local [hbm:s3], $0xF7A  }
0x26: {  	[smem:$0x3F9B] =	sst s1;
	(tag) =	ssettag s2;
	_ =	strace s9  }
0x27: {  	s1 =	sld [smem:$0x3FAB]  }
0x28: {  	s2 =	sld [smem:$0x3FAC]  }
0x29: {  	s4 =	sld [smem:$0x3FAE]  }
0x2a: {  	p0 =	seq.s32 s5, $0x0;
	s5 =	sld [smem:$0x3FAF]  }
0x2b: {  	s6 =	sld [smem:$0x3FB0]  }
0x2c: {  	s7 =	sld [smem:$0x3FB1]  }
0x2d: {  	s3 =	simm.s32 $0x108;
	s8 =	sld [smem:$0x3FB2]  }
0x2e: {  	s3 =	simm.s32 @!p0 $0x1082;
	s9 =	sld [smem:$0x3FB3]  }
0x2f: {  	lr =	sadd.s32 s0, s3;
	s0 =	sld [smem:$0x3FAA]  }
0x30: {  	s3 =	sld [smem:$0x3FAD]  }
0x31: {  	[smem:$0x3FB6] =	sst s10  }
0x32: {  	s10 =	sld [smem:$0x3FB4];
	_ =	sdelay $0x3  }
0x33: {  	p0 =	seq.s32 s10, $0x1;
	s10 =	sld [smem:$0x3FB6];
	_ =	sdelay $0x3  }
0x34: {  	[smem:$0x3FB6] =	sst s10  }
0x35: {  	s10 =	sld [smem:$0x3FB5];
	_ =	sdelay $0x3  }
0x36: {  	p1 =	seq.s32 s10, $0x1;
	s10 =	sld [smem:$0x3FB6];
	_ =	sdelay $0x3  }
0x37: {  	[smem:$0x3FB6] =	sst s10  }
0x38: {  	s10 =	sld [smem:$0x3FB7]  }
0x39: {  	_ = 	snop;
	(pc) =	sbr.ind lr, $3  }
0x3a: {  	_ = 	snop  }
0x3b: {  	_ = 	snop  }
0x3c: {  	p2 =	seq.s32 s10, $0x1;
	s10 =	sld [smem:$0x3FB6]  }
0x3d: {  	_ =	shalt  }
0x3e: {  	_ =	shalt  }
0x3f: {  	_ =	shalt  }
0x40: {  	_ =	shalt  }
0x41: {  	_ =	shalt  }
0x42: {  	_ =	shalt  }
0x43: {  	_ =	shalt  }
0x44: {  	_ =	shalt  }
0x45: {  	_ =	shalt  }
0x46: {  	_ =	shalt  }
0x47: {  	_ =	shalt  }
0x48: {  	_ =	shalt  }
0x49: {  	_ =	shalt  }
0x4a: {  	_ =	shalt  }
0x4b: {  	_ =	shalt  }
0x4c: {  	_ =	shalt  }
0x4d: {  	_ =	shalt  }
0x4e: {  	_ =	shalt  }
0x4f: {  	_ =	shalt  }
0x50: {  	_ =	shalt  }
0x51: {  	_ =	shalt  }
0x52: {  	_ =	shalt  }
0x53: {  	_ =	shalt  }
0x54: {  	_ =	shalt  }
0x55: {  	_ =	shalt  }
0x56: {  	_ =	shalt  }
0x57: {  	_ =	shalt  }
0x58: {  	_ =	shalt  }
0x59: {  	_ =	shalt  }
0x5a: {  	_ =	shalt  }
0x5b: {  	_ =	shalt  }
0x5c: {  	_ =	shalt  }
0x5d: {  	_ =	shalt  }
0x5e: {  	_ =	shalt  }
0x5f: {  	_ =	shalt  }
0x60: {  	_ =	shalt  }
0x61: {  	_ =	shalt  }
0x62: {  	_ =	shalt  }
0x63: {  	_ =	shalt  }
0x64: {  	_ =	shalt  }
0x65: {  	_ =	shalt  }
0x66: {  	_ =	shalt  }
0x67: {  	_ =	shalt  }
0x68: {  	_ =	shalt  }
0x69: {  	_ =	shalt  }
0x6a: {  	_ =	shalt  }
0x6b: {  	_ =	shalt  }
0x6c: {  	_ =	shalt  }
0x6d: {  	_ =	shalt  }
0x6e: {  	_ =	shalt  }
0x6f: {  	_ =	shalt  }
0x70: {  	_ =	shalt  }
0x71: {  	_ =	shalt  }
0x72: {  	_ =	shalt  }
0x73: {  	_ =	shalt  }
0x74: {  	_ =	shalt  }
0x75: {  	_ =	shalt  }
0x76: {  	_ =	shalt  }
0x77: {  	_ =	shalt  }
0x78: {  	_ =	shalt  }
0x79: {  	_ =	shalt  }
0x7a: {  	_ =	shalt  }
0x7b: {  	_ =	shalt  }
0x7c: {  	_ =	shalt  }
0x7d: {  	_ =	shalt  }
0x7e: {  	_ =	shalt  }
0x7f: {  	_ =	shalt  }
0x80: {  	_ =	shalt  }
0x81: {  	_ =	shalt  }
0x82: {  	_ =	shalt  }
0x83: {  	_ =	shalt  }
0x84: {  	_ =	shalt  }
0x85: {  	_ =	shalt  }
0x86: {  	_ =	shalt  }
0x87: {  	_ =	shalt  }
.Lfunc_end0:
.L_simem_size_0:
called_computation.1_lowered:
.L_overlay_start_0:
0x88: {  	s2 =	sld [smem:$0x3FD9]  }
0x89: {  	s3 =	sld [smem:$0x3FFE];
	_ =	sdelay $0x1  }
0x8a: {  	s1 =	srdreg.scid  }
0x8b: {  	s0 =	sand.u32 $0x1, s1  }
0x8c: {  	s17 =	sshll.u32 s0, $0xA;
	s2 =	sadd.s32 s3, s2  }
0x8d: {  	s2 =	sadd.s32 s2, s17  }
0x8e: {  	[smem:$0x3FC2] =	sst s2  }
0x8f: {  	_ = 	snop  }
0x90: {  	s2 =	sld [smem:$0x3FD0];
	(tm) =	ssettm $0x1  }
0x91: {  	s18 =	sld [smem:$0x3FFB];
	_ =	sdelay $0x3  }
0x92: {  	_ =	strace s18  }
0x93: {  	s3 =	sld [smem:$0x3FFC];
	_ =	sdelay $0x3  }
0x94: {  	_ =	strace s3  }
0x95: {  	s3 =	sld [smem:$0x3FFD];
	_ =	sdelay $0x3  }
0x96: {  	_ =	strace s3  }
0x97: {  	_ =	strace $0x8FFFFFFF  }
0x98: {  	s19 =	sld [smem:$0x3FDB];
	_ =	sdelay $0x1  }
0x99: {  	s4 =	simm.s32 $_scs_section_size  }
0x9a: {  	s5 =	simm.s32 $_size__tile_overlayer_lowered;
	s6 =	simm.s32 $_tile_overlayer_lowered  }
0x9b: {  	s22 =	simm.s32 $0x1BFF;
	s21 =	sshll.u32 s6, $0x1;
	s3 =	sadd.s32 s4, s19  }
0x9c: {  	s7 =	simm.s32 $0x0;
	s20 =	sshll.u32 s5, $0x1;
	s5 =	sadd.s32 s21, s3  }
0x9d: {  	[timem:s7], [sflag:s22] =	dma.local [hbm:s5], s20  }
0x9e: {  	_ =	swait.ge [sflag:s22], s20  }
0x9f: {  	s4 =	ssub.s32 $0x0, s20;
	[sflag:s22] =	ssyncset.done $0x0  }
0xa0: {  	[sflag:s22] =	ssyncadd.s32 s4;
	_ =	sdelay $0x1  }
0xa1: {  	s23 =	simm.s32 $0x1B8B  }
0xa2: {  	_ =	swait.ge [sflag:s23], $0x1  }
0xa3: {  	[sflag:s23] =	ssyncset.done $0x0  }
0xa4: {  	s25 =	simm.s32 $0x1B8E;
	s24 =	sld [smem:$0x3FFE];
	[sflag:s23] =	ssyncadd.s32 $0xFFFFFFFF  }
0xa5: {  	s26 =	simm.s32 $execute0_lowered;
	[smem:$0x3FD2] =	sst s25  }
0xa6: {  	s5 =	sshll.u32 s26, $0x1;
	_ =	strace $0x80000049;
	[dreg:$0x1] =	wrdreg $0xFFFFFFFF  }
0xa7: {  	s28 =	simm.s32 $_size_execute0_lowered;
	s3 =	sadd.s32 s3, s5;
	[dreg:$0x0] =	wrdreg $0x0  }
0xa8: {  	s5 =	sshll.u32 s28, $0x1;
	[dreg:$0x2] =	wrdreg s3  }
0xa9: {  	[dreg:$0x3] =	wrdreg s5  }
0xaa: {  	[dreg:$0x4] =	wrdreg $0xC0  }
0xab: {  	_ =	task [dreg:s7], $0x5FFFF  }
0xac: {  	[dreg:$0x1] =	wrdreg $0xFFFFFFFF  }
0xad: {  	[dreg:$0x0] =	wrdreg $0x60  }
0xae: {  	[dreg:$0x2] =	wrdreg s2  }
0xaf: {  	[dreg:$0x3] =	wrdreg s24  }
0xb0: {  	[dreg:$0x4] =	wrdreg $0xA8000  }
0xb1: {  	[dreg:$0x5] =	wrdreg $0x9  }
0xb2: {  	_ =	task.clear_ibuf [dreg:s7], $0x6FFFF;
	_ =	strace $0x90000049  }
0xb3: {  	s29 =	simm.s32 $0x9;
	_ =	strace $0x8000004B  }
0xb4: {  	_ =	swait.ge [sflag:s29], $0x1  }
0xb5: {  	[sflag:s29] =	ssyncadd.s32 $0xFFFFFFFF  }
0xb6: {  	_ =	strace $0x9000004B  }
0xb7: {  	_ =	sfence  }
0xb8: {  	s30 =	sld [smem:$0x0];
	_ =	sdelay $0x2  }
0xb9: {  	s31 =	sshll.u32 s1, $0xD;
	s1 =	sshrl.u32 s1, $0x2  }
0xba: {  	s3 =	sand.u32 $0x4000, s31;
	s1 =	sadd.s32 s1, s30  }
0xbb: {  	s0 =	sor.u32 s3, s0;
	s1 =	sshll.u32 s1, $0x11  }
0xbc: {  	s0 =	sor.u32 s1, s0  }
0xbd: {  	s0 =	sadd.s32 $0x8F2B, s0  }
0xbe: {  	[sflag:s0] =	ssyncadd.remote.s32 $0x1  }
0xbf: {  	_ =	sfence.sel $0xFFFF  }
0xc0: {  	[dreg:$0x0] =	wrdreg $0xFFFFFFFF;
	(pc) =	sbr.abs _section_cstart, $3  }
0xc1: {  	[dreg:$0x1] =	wrdreg $0xFFFFFFFF  }
0xc2: {  	_ =	task.clear_ibuf [dreg:s7], $0x2FFFF;
	_ =	strace $0x9FFFFFFF  }
0xc3: {  	(tm) =	ssettm $0x7FFFFFFF  }
tec
execute0_lowered:
.L_overlay_start_1:
0x0: {  	(tag) =	ssettag $0x1  }
0x1: {  	s12 =	rddreg [dreg:$0x0]  }
0x2: {  	s5 =	rddreg [dreg:$0x1]  }
0x3: {  	s0 =	srdreg.scid;
	s2 =	rddreg [dreg:$0x2]  }
0x4: {  	s1 =	stileid.u32;
	s3 =	simm.s32 $0x0;
	s17 =	simm.s32 $0x3  }
0x5: {  	s18 =	simm.s32 $0x1400;
	s19 =	simm.s32 $0x80;
	s20 =	simm.s32 $0x6800  }
0x6: {  	s21 =	simm.s32 $0x1;
	s22 =	simm.s32 $0x2;
	s23 =	simm.s32 $0x1380  }
0x7: {  	s24 =	simm.s32 $0x2700;
	s6 =	sand.u32 $0x1, s0;
	s0 =	rddreg [dreg:$0x3]  }
0x8: {  	s25 =	simm.s32 $0x2780;
	s7 =	smul.u32 $0x14000, s1;
	[smem:$0x7FF] =	sst s3  }
0x9: {  	s13 =	sadd.s32 $0x2800, s5;
	s8 =	smul.u32 $0x50000, s1;
	s28 =	sshll.u32 s1, $0x1  }
0xa: {  	s4 =	smul.u32 $0x140000, s6;
	_ =	strace $0x8000004A;
	s9 =	sor.u32 s6, s28  }
0xb: {  	s29 =	ssub.s32 $0x2, s6;
	s30 =	sshrl.u32 s8, $0x2;
	s10 =	smul.u32 $0x2800, s9  }
0xc: {  	s31 =	sshrl.u32 s29, $0x1;
	s11 =	smul.u32 $0x500, s9;
	s4 =	sadd.s32 s7, s4  }
0xd: {  	s15 =	ssub.s32 s29, s31;
	s7 =	sshrl.u32 s4, $0x3;
	s4 =	sadd.s32 $0x5C800, s5  }
0xe: {  	s16 =	sshrl.u32 s10, $0x3;
	s10 =	sadd.s32 s12, s11;
	s11 =	sadd.s32 s13, s11  }
0xf: {  	s15 =	smax.u32 s15, $0x1;
	s14 =	sadd.s32 s7, s5;
	s5 =	sadd.s32 s30, s2  }
0x10: {  	s16 =	sadd.s32 $0x280, s16;
	s6 =	sadd.s32 $0x4000, s5;
	s7 =	sadd.s32 $0x8000, s5  }
0x11: {  	s8 =	sadd.s32 $0xC000, s5;
	s9 =	sadd.s32 $0x10000, s5;
	s12 =	sadd.s32 s12, s16  }
0x12: {  	v0 =	vimm.f32 $0.0e+00;
	s13 =	sadd.s32 s13, s16;
	s14 =	sadd.s32 $0x83A00, s14;
	s16 =	simm.s32 $0x2800  }
.LBB2_1:
0x13: {  	s26 =	simm.s32 $0x0;
	s28 =	simm.s32 $0x200  }
.LBB2_2:
0x14: {  	p0 =	sne.s32 s28, $0xFE00;
	[tilespmem:s26+$0x2870] =	vst v0  }
0x15: {  	[tilespmem:s26+$0x2800] =	vst v0  }
0x16: {  	[tilespmem:s26+$0x2810] =	vst v0  }
.Ltmp0:
0x17: {  	[tilespmem:s26+$0x2820] =	vst v0;
	(pc) =	sbr.rel @p0 .LBB2_2-.Ltmp0, $4  }
0x18: {  	[tilespmem:s26+$0x2830] =	vst v0  }
0x19: {  	[tilespmem:s26+$0x2840] =	vst v0  }
0x1a: {  	[tilespmem:s26+$0x2850] =	vst v0  }
0x1b: {  	[tilespmem:s26+$0x2860] =	vst v0;
	s26 =	sshra.s32 s28, $0x2;
	s28 =	sadd.s32 $0x200, s28  }
0x1c: {  	[tilespmem:s26+$0x2870] =	vst v0  }
0x1d: {  	[tilespmem:s26+$0x2800] =	vst v0  }
0x1e: {  	[tilespmem:s26+$0x2810] =	vst v0  }
0x1f: {  	[tilespmem:s26+$0x2820] =	vst v0  }
0x20: {  	[tilespmem:s26+$0x2830] =	vst v0  }
0x21: {  	[tilespmem:s26+$0x2840] =	vst v0  }
0x22: {  	[tilespmem:s26+$0x2850] =	vst v0  }
0x23: {  	[tilespmem:s26+$0x2860] =	vst v0  }
0x24: {  	[spmem:s5] =	stream.linear.scatter [tilespmem:s16], [sflag:$0x3], $0x4000, $0x38;
	[tilespmem:$0x1E800] =	vst v63  }
0x25: {  	_ =	swait.ge [sflag:s17], $0x4000  }
0x26: {  	[sflag:s17] =	ssyncset.done $0x0  }
0x27: {  	[sflag:s17] =	ssyncadd.s32 $0xFFFFC000  }
0x28: {  	[spmem:s6] =	stream.linear.scatter [tilespmem:s16], [sflag:$0x3], $0x4000, $0x38;
	[tilespmem:$0x1E800] =	vst v63  }
0x29: {  	_ =	swait.ge [sflag:s17], $0x4000  }
0x2a: {  	[sflag:s17] =	ssyncset.done $0x0  }
0x2b: {  	[sflag:s17] =	ssyncadd.s32 $0xFFFFC000  }
0x2c: {  	[spmem:s7] =	stream.linear.scatter [tilespmem:s16], [sflag:$0x3], $0x4000, $0x38;
	[tilespmem:$0x1E800] =	vst v63  }
0x2d: {  	_ =	swait.ge [sflag:s17], $0x4000  }
0x2e: {  	[sflag:s17] =	ssyncset.done $0x0  }
0x2f: {  	[sflag:s17] =	ssyncadd.s32 $0xFFFFC000  }
0x30: {  	[spmem:s8] =	stream.linear.scatter [tilespmem:s16], [sflag:$0x3], $0x4000, $0x38;
	[tilespmem:$0x1E800] =	vst v63  }
0x31: {  	_ =	swait.ge [sflag:s17], $0x4000  }
0x32: {  	[sflag:s17] =	ssyncset.done $0x0  }
0x33: {  	[sflag:s17] =	ssyncadd.s32 $0xFFFFC000  }
0x34: {  	[spmem:s9] =	stream.linear.scatter [tilespmem:s16], [sflag:$0x3], $0x4000, $0x38;
	[tilespmem:$0x1E800] =	vst v63  }
0x35: {  	_ =	swait.ge [sflag:s17], $0x4000  }
0x36: {  	[sflag:s17] =	ssyncset.done $0x0  }
0x37: {  	[sflag:s17] =	ssyncadd.s32 $0xFFFFC000  }
0x38: {  	s30 =	simm.s32 $0x0;
	[bflag:$0x0] =	sbarrier.arrive $0xFFFF  }
0x39: {  	[tilespmem:s30], [sflag:$0x3] =	stream.linear.gather [hbm4b:s10+s30], $0x1400, $0x38;
	[tilespmem:$0x1E800] =	vst v63  }
0x3a: {  	_ =	swait.ge [sflag:s17], $0x1400  }
0x3b: {  	[sflag:s17] =	ssyncset.done $0x0  }
0x3c: {  	[sflag:s17] =	ssyncadd.s32 $0xFFFFEC00  }
0x3d: {  	[tilespmem:s18], [sflag:$0x3] =	stream.linear.gather [hbm4b:s11+s30], $0x1400, $0x38;
	[tilespmem:$0x1E800] =	vst v63  }
0x3e: {  	_ =	swait.ge [sflag:s17], $0x1400  }
0x3f: {  	[sflag:s17] =	ssyncset.done $0x0  }
0x40: {  	[sflag:s17] =	ssyncadd.s32 $0xFFFFEC00  }
0x41: {  	[tilespmem:s16], [sflag:$0x1] =	stream.indirect.gather [hbm4b:s4+s19], $0x80, s30, s19, $0xb8;
	[tilespmem:$0x1E800] =	vst v63  }
0x42: {  	s31 =	simm.s32 $0x80  }
0x43: {  	[tilespmem:s20], [sflag:$0x2] =	stream.indirect.gather [hbm4b:s4+s19], $0x80, s31, s19, $0xb8;
	[tilespmem:$0x1E800] =	vst v63  }
0x44: {  	_ =	swait.ge [sflag:s21], $0x4000  }
0x45: {  	[sflag:s21] =	ssyncset.done $0x0  }
0x46: {  	s29 =	simm.s32 $0x1400;
	[sflag:s21] =	ssyncadd.s32 $0xFFFFC000  }
0x47: {  	[spmem:s2] =	stream.indirect.scatter.add.f32 [tilespmem:s16], [sflag:$0x3], $0x80, s29, s19, $0xb8;
	[tilespmem:$0x1E800] =	vst v63  }
0x48: {  	_ =	swait.ge [sflag:s17], $0x4000  }
0x49: {  	[sflag:s17] =	ssyncset.done $0x0  }
0x4a: {  	s30 =	simm.s32 $0x100;
	[sflag:s17] =	ssyncadd.s32 $0xFFFFC000  }
0x4b: {  	[tilespmem:s16], [sflag:$0x1] =	stream.indirect.gather [hbm4b:s4+s19], $0x80, s30, s19, $0xb8;
	[tilespmem:$0x1E800] =	vst v63  }
0x4c: {  	_ =	swait.ge [sflag:s22], $0x4000  }
0x4d: {  	[sflag:s22] =	ssyncset.done $0x0  }
0x4e: {  	s31 =	simm.s32 $0x1480;
	[sflag:s22] =	ssyncadd.s32 $0xFFFFC000  }
0x4f: {  	[spmem:s2] =	stream.indirect.scatter.add.f32 [tilespmem:s20], [sflag:$0x3], $0x80, s31, s19, $0xb8;
	[tilespmem:$0x1E800] =	vst v63  }
0x50: {  	_ =	swait.ge [sflag:s17], $0x4000  }
0x51: {  	s28 =	simm.s32 $0x800;
	s26 =	simm.s32 $0x100;
	[sflag:s17] =	ssyncset.done $0x0  }
.LBB2_4:
0x52: {  	s29 =	sadd.s32 $0x80, s26  }
0x53: {  	[sflag:s17] =	ssyncadd.s32 $0xFFFFC000;
	s30 =	smov.u32 s28;
	s31 =	sadd.s32 $0x400, s28  }
0x54: {  	[tilespmem:s20], [sflag:$0x2] =	stream.indirect.gather [hbm4b:s4+s19], $0x80, s29, s19, $0xb8;
	[tilespmem:$0x1E800] =	vst v63  }
0x55: {  	p0 =	sne.s32 s28, $0x4800;
	_ =	swait.ge [sflag:s21], $0x4000  }
0x56: {  	[sflag:s21] =	ssyncset.done $0x0  }
0x57: {  	s28 =	sadd.s32 $0x1400, s26;
	[sflag:s21] =	ssyncadd.s32 $0xFFFFC000  }
0x58: {  	[spmem:s2] =	stream.indirect.scatter.add.f32 [tilespmem:s16], [sflag:$0x3], $0x80, s28, s19, $0xb8;
	[tilespmem:$0x1E800] =	vst v63  }
0x59: {  	_ =	swait.ge [sflag:s17], $0x4000  }
0x5a: {  	[sflag:s17] =	ssyncset.done $0x0  }
0x5b: {  	s28 =	sadd.s32 $0x100, s26;
	[sflag:s17] =	ssyncadd.s32 $0xFFFFC000  }
0x5c: {  	[tilespmem:s16], [sflag:$0x1] =	stream.indirect.gather [hbm4b:s4+s19], $0x80, s28, s19, $0xb8;
	[tilespmem:$0x1E800] =	vst v63  }
0x5d: {  	_ =	swait.ge [sflag:s22], $0x4000  }
.Ltmp1:
0x5e: {  	[sflag:s22] =	ssyncset.done $0x0;
	(pc) =	sbr.rel @p0 .LBB2_4-.Ltmp1, $4  }
0x5f: {  	s26 =	sadd.s32 $0x1480, s26;
	[sflag:s22] =	ssyncadd.s32 $0xFFFFC000  }
0x60: {  	[spmem:s2] =	stream.indirect.scatter.add.f32 [tilespmem:s20], [sflag:$0x3], $0x80, s26, s19, $0xb8;
	[tilespmem:$0x1E800] =	vst v63  }
0x61: {  	_ =	swait.ge [sflag:s17], $0x4000  }
0x62: {  	s28 =	smov.u32 s31;
	s26 =	sshra.s32 s30, $0x2;
	[sflag:s17] =	ssyncset.done $0x0  }
0x63: {  	s28 =	sadd.s32 $0x80, s26;
	[sflag:s17] =	ssyncadd.s32 $0xFFFFC000  }
0x64: {  	[tilespmem:s20], [sflag:$0x2] =	stream.indirect.gather [hbm4b:s4+s19], $0x80, s28, s19, $0xb8;
	[tilespmem:$0x1E800] =	vst v63  }
0x65: {  	_ =	swait.ge [sflag:s21], $0x4000  }
0x66: {  	[sflag:s21] =	ssyncset.done $0x0  }
0x67: {  	s28 =	sadd.s32 $0x1400, s26;
	[sflag:s21] =	ssyncadd.s32 $0xFFFFC000  }
0x68: {  	[spmem:s2] =	stream.indirect.scatter.add.f32 [tilespmem:s16], [sflag:$0x3], $0x80, s28, s19, $0xb8;
	[tilespmem:$0x1E800] =	vst v63  }
0x69: {  	_ =	swait.ge [sflag:s17], $0x4000  }
0x6a: {  	[sflag:s17] =	ssyncset.done $0x0  }
0x6b: {  	s28 =	sadd.s32 $0x100, s26;
	[sflag:s17] =	ssyncadd.s32 $0xFFFFC000  }
0x6c: {  	[tilespmem:s16], [sflag:$0x1] =	stream.indirect.gather [hbm4b:s4+s19], $0x80, s28, s19, $0xb8;
	[tilespmem:$0x1E800] =	vst v63  }
0x6d: {  	_ =	swait.ge [sflag:s22], $0x4000  }
0x6e: {  	[sflag:s22] =	ssyncset.done $0x0  }
0x6f: {  	s29 =	sadd.s32 $0x1480, s26;
	[sflag:s22] =	ssyncadd.s32 $0xFFFFC000  }
0x70: {  	[spmem:s2] =	stream.indirect.scatter.add.f32 [tilespmem:s20], [sflag:$0x3], $0x80, s29, s19, $0xb8;
	[tilespmem:$0x1E800] =	vst v63  }
0x71: {  	_ =	swait.ge [sflag:s17], $0x4000  }
0x72: {  	[sflag:s17] =	ssyncset.done $0x0  }
0x73: {  	[sflag:s17] =	ssyncadd.s32 $0xFFFFC000  }
0x74: {  	[tilespmem:s20], [sflag:$0x2] =	stream.indirect.gather [hbm4b:s4+s19], $0x80, s23, s19, $0xb8;
	[tilespmem:$0x1E800] =	vst v63  }
0x75: {  	_ =	swait.ge [sflag:s21], $0x4000  }
0x76: {  	[sflag:s21] =	ssyncset.done $0x0  }
0x77: {  	[sflag:s21] =	ssyncadd.s32 $0xFFFFC000  }
0x78: {  	[spmem:s2] =	stream.indirect.scatter.add.f32 [tilespmem:s16], [sflag:$0x3], $0x80, s24, s19, $0xb8;
	[tilespmem:$0x1E800] =	vst v63  }
0x79: {  	_ =	swait.ge [sflag:s17], $0x4000  }
0x7a: {  	[sflag:s17] =	ssyncset.done $0x0  }
0x7b: {  	[sflag:s17] =	ssyncadd.s32 $0xFFFFC000  }
0x7c: {  	_ =	swait.ge [sflag:s22], $0x4000  }
0x7d: {  	[sflag:s22] =	ssyncset.done $0x0  }
0x7e: {  	[sflag:s22] =	ssyncadd.s32 $0xFFFFC000  }
0x7f: {  	[spmem:s2] =	stream.indirect.scatter.add.f32 [tilespmem:s20], [sflag:$0x3], $0x80, s25, s19, $0xb8;
	[tilespmem:$0x1E800] =	vst v63  }
0x80: {  	_ =	swait.ge [sflag:s17], $0x4000  }
0x81: {  	[sflag:s17] =	ssyncset.done $0x0  }
0x82: {  	s30 =	simm.s32 $0x0;
	[sflag:s17] =	ssyncadd.s32 $0xFFFFC000  }
0x83: {  	[tilespmem:s30], [sflag:$0x3] =	stream.linear.gather [hbm4b:s12+s30], $0x1400, $0x38;
	[tilespmem:$0x1E800] =	vst v63  }
0x84: {  	_ =	swait.ge [sflag:s17], $0x1400  }
0x85: {  	[sflag:s17] =	ssyncset.done $0x0  }
0x86: {  	[sflag:s17] =	ssyncadd.s32 $0xFFFFEC00  }
0x87: {  	[tilespmem:s18], [sflag:$0x3] =	stream.linear.gather [hbm4b:s13+s30], $0x1400, $0x38;
	[tilespmem:$0x1E800] =	vst v63  }
0x88: {  	_ =	swait.ge [sflag:s17], $0x1400  }
0x89: {  	[sflag:s17] =	ssyncset.done $0x0  }
0x8a: {  	[sflag:s17] =	ssyncadd.s32 $0xFFFFEC00  }
0x8b: {  	[tilespmem:s16], [sflag:$0x1] =	stream.indirect.gather [hbm4b:s4+s19], $0x80, s30, s19, $0xb8;
	[tilespmem:$0x1E800] =	vst v63  }
0x8c: {  	s31 =	simm.s32 $0x80  }
0x8d: {  	[tilespmem:s20], [sflag:$0x2] =	stream.indirect.gather [hbm4b:s4+s19], $0x80, s31, s19, $0xb8;
	[tilespmem:$0x1E800] =	vst v63  }
0x8e: {  	_ =	swait.ge [sflag:s21], $0x4000  }
0x8f: {  	[sflag:s21] =	ssyncset.done $0x0  }
0x90: {  	s29 =	simm.s32 $0x1400;
	[sflag:s21] =	ssyncadd.s32 $0xFFFFC000  }
0x91: {  	[spmem:s2] =	stream.indirect.scatter.add.f32 [tilespmem:s16], [sflag:$0x3], $0x80, s29, s19, $0xb8;
	[tilespmem:$0x1E800] =	vst v63  }
0x92: {  	_ =	swait.ge [sflag:s17], $0x4000  }
0x93: {  	[sflag:s17] =	ssyncset.done $0x0  }
0x94: {  	s30 =	simm.s32 $0x100;
	[sflag:s17] =	ssyncadd.s32 $0xFFFFC000  }
0x95: {  	[tilespmem:s16], [sflag:$0x1] =	stream.indirect.gather [hbm4b:s4+s19], $0x80, s30, s19, $0xb8;
	[tilespmem:$0x1E800] =	vst v63  }
0x96: {  	_ =	swait.ge [sflag:s22], $0x4000  }
0x97: {  	[sflag:s22] =	ssyncset.done $0x0  }
0x98: {  	s31 =	simm.s32 $0x1480;
	[sflag:s22] =	ssyncadd.s32 $0xFFFFC000  }
0x99: {  	[spmem:s2] =	stream.indirect.scatter.add.f32 [tilespmem:s20], [sflag:$0x3], $0x80, s31, s19, $0xb8;
	[tilespmem:$0x1E800] =	vst v63  }
0x9a: {  	_ =	swait.ge [sflag:s17], $0x4000  }
0x9b: {  	s26 =	simm.s32 $0x100;
	s28 =	simm.s32 $0x800;
	[sflag:s17] =	ssyncset.done $0x0  }
.LBB2_6:
0x9c: {  	s29 =	sadd.s32 $0x80, s26  }
0x9d: {  	[sflag:s17] =	ssyncadd.s32 $0xFFFFC000;
	s30 =	smov.u32 s28;
	s31 =	sadd.s32 $0x400, s28  }
0x9e: {  	[tilespmem:s20], [sflag:$0x2] =	stream.indirect.gather [hbm4b:s4+s19], $0x80, s29, s19, $0xb8;
	[tilespmem:$0x1E800] =	vst v63  }
0x9f: {  	p0 =	sne.s32 s28, $0x4800;
	_ =	swait.ge [sflag:s21], $0x4000  }
0xa0: {  	[sflag:s21] =	ssyncset.done $0x0  }
0xa1: {  	s28 =	sadd.s32 $0x1400, s26;
	[sflag:s21] =	ssyncadd.s32 $0xFFFFC000  }
0xa2: {  	[spmem:s2] =	stream.indirect.scatter.add.f32 [tilespmem:s16], [sflag:$0x3], $0x80, s28, s19, $0xb8;
	[tilespmem:$0x1E800] =	vst v63  }
0xa3: {  	_ =	swait.ge [sflag:s17], $0x4000  }
0xa4: {  	[sflag:s17] =	ssyncset.done $0x0  }
0xa5: {  	s28 =	sadd.s32 $0x100, s26;
	[sflag:s17] =	ssyncadd.s32 $0xFFFFC000  }
0xa6: {  	[tilespmem:s16], [sflag:$0x1] =	stream.indirect.gather [hbm4b:s4+s19], $0x80, s28, s19, $0xb8;
	[tilespmem:$0x1E800] =	vst v63  }
0xa7: {  	_ =	swait.ge [sflag:s22], $0x4000  }
.Ltmp2:
0xa8: {  	[sflag:s22] =	ssyncset.done $0x0;
	(pc) =	sbr.rel @p0 .LBB2_6-.Ltmp2, $4  }
0xa9: {  	s26 =	sadd.s32 $0x1480, s26;
	[sflag:s22] =	ssyncadd.s32 $0xFFFFC000  }
0xaa: {  	[spmem:s2] =	stream.indirect.scatter.add.f32 [tilespmem:s20], [sflag:$0x3], $0x80, s26, s19, $0xb8;
	[tilespmem:$0x1E800] =	vst v63  }
0xab: {  	_ =	swait.ge [sflag:s17], $0x4000  }
0xac: {  	s28 =	smov.u32 s31;
	s26 =	sshra.s32 s30, $0x2;
	[sflag:s17] =	ssyncset.done $0x0  }
0xad: {  	s28 =	sadd.s32 $0x80, s26;
	[sflag:s17] =	ssyncadd.s32 $0xFFFFC000  }
0xae: {  	[tilespmem:s20], [sflag:$0x2] =	stream.indirect.gather [hbm4b:s4+s19], $0x80, s28, s19, $0xb8;
	[tilespmem:$0x1E800] =	vst v63  }
0xaf: {  	_ =	swait.ge [sflag:s21], $0x4000  }
0xb0: {  	[sflag:s21] =	ssyncset.done $0x0  }
0xb1: {  	s30 =	sadd.s32 $0x1400, s26;
	[sflag:s21] =	ssyncadd.s32 $0xFFFFC000  }
0xb2: {  	[spmem:s2] =	stream.indirect.scatter.add.f32 [tilespmem:s16], [sflag:$0x3], $0x80, s30, s19, $0xb8;
	[tilespmem:$0x1E800] =	vst v63  }
0xb3: {  	_ =	swait.ge [sflag:s17], $0x4000  }
0xb4: {  	[sflag:s17] =	ssyncset.done $0x0  }
0xb5: {  	s31 =	sadd.s32 $0x100, s26;
	[sflag:s17] =	ssyncadd.s32 $0xFFFFC000  }
0xb6: {  	[tilespmem:s16], [sflag:$0x1] =	stream.indirect.gather [hbm4b:s4+s19], $0x80, s31, s19, $0xb8;
	[tilespmem:$0x1E800] =	vst v63  }
0xb7: {  	_ =	swait.ge [sflag:s22], $0x4000  }
0xb8: {  	[sflag:s22] =	ssyncset.done $0x0  }
0xb9: {  	s29 =	sadd.s32 $0x1480, s26;
	[sflag:s22] =	ssyncadd.s32 $0xFFFFC000  }
0xba: {  	[spmem:s2] =	stream.indirect.scatter.add.f32 [tilespmem:s20], [sflag:$0x3], $0x80, s29, s19, $0xb8;
	[tilespmem:$0x1E800] =	vst v63  }
0xbb: {  	_ =	swait.ge [sflag:s17], $0x4000  }
0xbc: {  	[sflag:s17] =	ssyncset.done $0x0  }
0xbd: {  	[sflag:s17] =	ssyncadd.s32 $0xFFFFC000  }
0xbe: {  	[tilespmem:s20], [sflag:$0x2] =	stream.indirect.gather [hbm4b:s4+s19], $0x80, s23, s19, $0xb8;
	[tilespmem:$0x1E800] =	vst v63  }
0xbf: {  	_ =	swait.ge [sflag:s21], $0x4000  }
0xc0: {  	[sflag:s21] =	ssyncset.done $0x0  }
0xc1: {  	[sflag:s21] =	ssyncadd.s32 $0xFFFFC000  }
0xc2: {  	[spmem:s2] =	stream.indirect.scatter.add.f32 [tilespmem:s16], [sflag:$0x3], $0x80, s24, s19, $0xb8;
	[tilespmem:$0x1E800] =	vst v63  }
0xc3: {  	_ =	swait.ge [sflag:s17], $0x4000  }
0xc4: {  	[sflag:s17] =	ssyncset.done $0x0  }
0xc5: {  	[sflag:s17] =	ssyncadd.s32 $0xFFFFC000  }
0xc6: {  	_ =	swait.ge [sflag:s22], $0x4000  }
0xc7: {  	[sflag:s22] =	ssyncset.done $0x0  }
0xc8: {  	[sflag:s22] =	ssyncadd.s32 $0xFFFFC000  }
0xc9: {  	[spmem:s2] =	stream.indirect.scatter.add.f32 [tilespmem:s20], [sflag:$0x3], $0x80, s25, s19, $0xb8;
	[tilespmem:$0x1E800] =	vst v63  }
0xca: {  	_ =	swait.ge [sflag:s17], $0x4000  }
0xcb: {  	s3 =	sadd.s32 $0x1, s3;
	s30 =	sshll.u32 s1, $0x6;
	[sflag:s17] =	ssyncset.done $0x0  }
0xcc: {  	p0 =	sne.s32 s3, s15;
	s26 =	sor.u32 $0x1C03, s30;
	[sflag:s17] =	ssyncadd.s32 $0xFFFFC000  }
.Ltmp3:
0xcd: {  	s31 =	sshrl.u32 s5, $0x3;
	[bflag:$0x0] =	sbarrier.arrive $0xFFFF;
	(pc) =	sbr.rel @p0 .LBB2_1-.Ltmp3, $4  }
0xce: {  	[hbm:s14], [sflag:s26] =	dma.local [spmem:s31], $0x2800  }
0xcf: {  	_ =	swait.ge [sflag:s17], $0x2800  }
0xd0: {  	[sflag:s17] =	ssyncset.done $0x0  }
0xd1: {  	[sflag:s17] =	ssyncadd.s32 $0xFFFFD800  }
0xd2: {  	_ =	sfence.sel $0x180000  }
0xd3: {  	[bflag:$0x0] =	sbarrier.arrive $0xFFFF  }
0xd4: {  	p0 =	sne.s32 s1, $0x0;
	_ =	strace $0x9000004A  }
0xd5: {  	s0 =	sadd.s32 @!p0 $0x100000, s0;
	[bflag:$0x2] =	sbarrier.arrive $0xFFFF  }
0xd6: {  	[sflag:s0] =	ssyncadd.tile.s32 @!p0 $0x1;
	_ =	shalt  }
.Lfunc_end2:
_tile_overlayer_lowered:
.L_overlay_start_2:
0xd7: {  	(tag) =	ssettag $0x2  }
0xd8: {  	s0 =	rddreg [dreg:$0x0];
	s2 =	stileid.u32  }
0xd9: {  	s1 =	rddreg [dreg:$0x1];
	p0 =	sne.s32 s2, $0x0  }
0xda: {  	s3 =	rddreg [dreg:$0x2];
	[bflag:$0x3] =	sbarrier.arrive $0xFFFF;
	s2 =	simm.s32 @!p0 $0x1C03  }
0xdb: {  	[timem:s3], [sflag:s2] =	dma.local @!p0 [hbm:s0], s1  }
0xdc: {  	s0 =	simm.s32 @!p0 $0x3  }
0xdd: {  	_ =	swait.ge @!p0 [sflag:s0], s1  }
0xde: {  	s1 =	ssub.s32 @!p0 $0x0, s1;
	[sflag:s0] =	ssyncset.done @!p0 $0x0  }
0xdf: {  	[sflag:s0] =	ssyncadd.s32 @!p0 s1  }
0xe0: {  	[bflag:$0x3] =	sbarrier.arrive $0xFFFF  }
0xe1: {  	_ =	shalt  }

// kernel: kernel.14.cloned.1.call-start
scs
__scs_entry_jumppad:
0x0: {  	(pc) =	sbr.rel $0x88, $3  }
0x1: {  	(tag) =	ssettag $0x0;
	lr =	simm.s32 $0x1  }
0x2: {  	[smem:$0x3F9B] =	sst lr;
	_ =	strace $0xD0000000  }
0x3: {  	_ = 	snop  }
0x4: {  	_ = 	snop  }
0x5: {  	_ = 	snop  }
0x6: {  	_ = 	snop  }
0x7: {  	_ = 	snop  }
__scs_overlays_trampoline_lowered:
0x8: {  	[smem:$0x3FAA] =	sst s0  }
0x9: {  	[smem:$0x3FAB] =	sst s1  }
0xa: {  	[smem:$0x3FAC] =	sst s2  }
0xb: {  	[smem:$0x3FAD] =	sst s3  }
0xc: {  	[smem:$0x3FAE] =	sst s4  }
0xd: {  	[smem:$0x3FAF] =	sst s5  }
0xe: {  	[smem:$0x3FB0] =	sst s6  }
0xf: {  	[smem:$0x3FB1] =	sst s7  }
0x10: {  	[smem:$0x3FB2] =	sst s8  }
0x11: {  	[smem:$0x3FB3] =	sst s9;
	s0 =	simm.s32 @!p0 $0x0  }
0x12: {  	s1 =	sld [smem:$0x3F99];
	s0 =	simm.s32 @p0 $0x1  }
0x13: {  	[smem:$0x3FB4] =	sst s0;
	s0 =	simm.s32 @!p1 $0x0  }
0x14: {  	s2 =	sld [smem:$0x3F98];
	s0 =	simm.s32 @p1 $0x1  }
0x15: {  	[smem:$0x3FB5] =	sst s0;
	s0 =	simm.s32 @!p2 $0x0  }
0x16: {  	s3 =	sld [smem:$0x3FDB];
	s0 =	simm.s32 @p2 $0x1  }
0x17: {  	s4 =	simm.s32 $0x1BF5;
	[smem:$0x3FB7] =	sst s0  }
0x18: {  	s0 =	sld [smem:$0x3F9A];
	_ =	swait.ge [sflag:s4], $0x0  }
0x19: {  	s7 =	sld [smem:$0x3F9B]  }
0x1a: {  	s8 =	sadd.s32 $0xFFFFE003, lr  }
0x1b: {  	s9 =	sadd.s32 $0xFFFFFEF7, lr;
	s5 =	simm.s32 $0xFFFFFFFF;
	p2 =	slt.u32 s8, $0xFFFFF086  }
0x1c: {  	p1 =	slt.u32 s9, $0xF7A;
	s5 =	simm.s32 @!p2 $0x0  }
0x1d: {  	s5 =	simm.s32 @p1 $0x1;
	p0 =	seq.s32 s7, s2  }
0x1e: {  	s7 =	smul.u32 @!p0 $0xF7A, s2;
	p2 =	seq.s32 @!p0 s5, $0x0  }
0x1f: {  	s9 =	smul.u32 $0xF7A, s1;
	s8 =	simm.s32 @!p0 $0x1BF5;
	p2 =	por !p2, p0  }
0x20: {  	[sflag:s8] =	ssyncset.s32 @!p0 $0xFFFFF086;
	s6 =	sadd.s32 @!p0 s3, s7;
	s7 =	simm.s32 @!p0 $0x108  }
0x21: {  	s3 =	sadd.s32 s3, s9;
	s6 =	sadd.s32 @!p0 $0x88, s6;
	s7 =	simm.s32 @p2 $0x1082  }
0x22: {  	[simem:s7], [sflag:s8] =	dma.local @!p0 [hbm:s6], $0xF7A  }
0x23: {  	s9 =	sor.u32 $0xD0000000, s2;
	s6 =	simm.s32 $0x108;
	_ =	swait.ge @!p0 [sflag:s8], $0x0  }
0x24: {  	s3 =	sadd.s32 $0x88, s3;
	s6 =	simm.s32 @!p1 $0x1082;
	[sflag:s4] =	ssyncset.s32 $0xFFFFF086  }
0x25: {  	[simem:s6], [sflag:s4] =	dma.local [hbm:s3], $0xF7A  }
0x26: {  	[smem:$0x3F9B] =	sst s1;
	(tag) =	ssettag s2;
	_ =	strace s9  }
0x27: {  	s1 =	sld [smem:$0x3FAB]  }
0x28: {  	s2 =	sld [smem:$0x3FAC]  }
0x29: {  	s4 =	sld [smem:$0x3FAE]  }
0x2a: {  	p0 =	seq.s32 s5, $0x0;
	s5 =	sld [smem:$0x3FAF]  }
0x2b: {  	s6 =	sld [smem:$0x3FB0]  }
0x2c: {  	s7 =	sld [smem:$0x3FB1]  }
0x2d: {  	s3 =	simm.s32 $0x108;
	s8 =	sld [smem:$0x3FB2]  }
0x2e: {  	s3 =	simm.s32 @!p0 $0x1082;
	s9 =	sld [smem:$0x3FB3]  }
0x2f: {  	lr =	sadd.s32 s0, s3;
	s0 =	sld [smem:$0x3FAA]  }
0x30: {  	s3 =	sld [smem:$0x3FAD]  }
0x31: {  	[smem:$0x3FB6] =	sst s10  }
0x32: {  	s10 =	sld [smem:$0x3FB4];
	_ =	sdelay $0x3  }
0x33: {  	p0 =	seq.s32 s10, $0x1;
	s10 =	sld [smem:$0x3FB6];
	_ =	sdelay $0x3  }
0x34: {  	[smem:$0x3FB6] =	sst s10  }
0x35: {  	s10 =	sld [smem:$0x3FB5];
	_ =	sdelay $0x3  }
0x36: {  	p1 =	seq.s32 s10, $0x1;
	s10 =	sld [smem:$0x3FB6];
	_ =	sdelay $0x3  }
0x37: {  	[smem:$0x3FB6] =	sst s10  }
0x38: {  	s10 =	sld [smem:$0x3FB7]  }
0x39: {  	_ = 	snop;
	(pc) =	sbr.ind lr, $3  }
0x3a: {  	_ = 	snop  }
0x3b: {  	_ = 	snop  }
0x3c: {  	p2 =	seq.s32 s10, $0x1;
	s10 =	sld [smem:$0x3FB6]  }
0x3d: {  	_ =	shalt  }
0x3e: {  	_ =	shalt  }
0x3f: {  	_ =	shalt  }
0x40: {  	_ =	shalt  }
0x41: {  	_ =	shalt  }
0x42: {  	_ =	shalt  }
0x43: {  	_ =	shalt  }
0x44: {  	_ =	shalt  }
0x45: {  	_ =	shalt  }
0x46: {  	_ =	shalt  }
0x47: {  	_ =	shalt  }
0x48: {  	_ =	shalt  }
0x49: {  	_ =	shalt  }
0x4a: {  	_ =	shalt  }
0x4b: {  	_ =	shalt  }
0x4c: {  	_ =	shalt  }
0x4d: {  	_ =	shalt  }
0x4e: {  	_ =	shalt  }
0x4f: {  	_ =	shalt  }
0x50: {  	_ =	shalt  }
0x51: {  	_ =	shalt  }
0x52: {  	_ =	shalt  }
0x53: {  	_ =	shalt  }
0x54: {  	_ =	shalt  }
0x55: {  	_ =	shalt  }
0x56: {  	_ =	shalt  }
0x57: {  	_ =	shalt  }
0x58: {  	_ =	shalt  }
0x59: {  	_ =	shalt  }
0x5a: {  	_ =	shalt  }
0x5b: {  	_ =	shalt  }
0x5c: {  	_ =	shalt  }
0x5d: {  	_ =	shalt  }
0x5e: {  	_ =	shalt  }
0x5f: {  	_ =	shalt  }
0x60: {  	_ =	shalt  }
0x61: {  	_ =	shalt  }
0x62: {  	_ =	shalt  }
0x63: {  	_ =	shalt  }
0x64: {  	_ =	shalt  }
0x65: {  	_ =	shalt  }
0x66: {  	_ =	shalt  }
0x67: {  	_ =	shalt  }
0x68: {  	_ =	shalt  }
0x69: {  	_ =	shalt  }
0x6a: {  	_ =	shalt  }
0x6b: {  	_ =	shalt  }
0x6c: {  	_ =	shalt  }
0x6d: {  	_ =	shalt  }
0x6e: {  	_ =	shalt  }
0x6f: {  	_ =	shalt  }
0x70: {  	_ =	shalt  }
0x71: {  	_ =	shalt  }
0x72: {  	_ =	shalt  }
0x73: {  	_ =	shalt  }
0x74: {  	_ =	shalt  }
0x75: {  	_ =	shalt  }
0x76: {  	_ =	shalt  }
0x77: {  	_ =	shalt  }
0x78: {  	_ =	shalt  }
0x79: {  	_ =	shalt  }
0x7a: {  	_ =	shalt  }
0x7b: {  	_ =	shalt  }
0x7c: {  	_ =	shalt  }
0x7d: {  	_ =	shalt  }
0x7e: {  	_ =	shalt  }
0x7f: {  	_ =	shalt  }
0x80: {  	_ =	shalt  }
0x81: {  	_ =	shalt  }
0x82: {  	_ =	shalt  }
0x83: {  	_ =	shalt  }
0x84: {  	_ =	shalt  }
0x85: {  	_ =	shalt  }
0x86: {  	_ =	shalt  }
0x87: {  	_ =	shalt  }
.Lfunc_end0:
.L_simem_size_0:
called_computation.2_lowered:
.L_overlay_start_0:
0x88: {  	s2 =	sld [smem:$0x3FD9]  }
0x89: {  	s3 =	sld [smem:$0x3FFE];
	_ =	sdelay $0x1  }
0x8a: {  	s1 =	srdreg.scid  }
0x8b: {  	s0 =	sand.u32 $0x1, s1  }
0x8c: {  	s17 =	sshll.u32 s0, $0xA;
	s2 =	sadd.s32 s3, s2  }
0x8d: {  	s2 =	sadd.s32 s2, s17  }
0x8e: {  	[smem:$0x3FC2] =	sst s2  }
0x8f: {  	_ = 	snop  }
0x90: {  	s2 =	sld [smem:$0x3FD0];
	(tm) =	ssettm $0x1  }
0x91: {  	s18 =	sld [smem:$0x3FFB];
	_ =	sdelay $0x3  }
0x92: {  	_ =	strace s18  }
0x93: {  	s3 =	sld [smem:$0x3FFC];
	_ =	sdelay $0x3  }
0x94: {  	_ =	strace s3  }
0x95: {  	s3 =	sld [smem:$0x3FFD];
	_ =	sdelay $0x3  }
0x96: {  	_ =	strace s3  }
0x97: {  	_ =	strace $0x8FFFFFFF  }
0x98: {  	s19 =	sld [smem:$0x3FDB];
	_ =	sdelay $0x1  }
0x99: {  	s4 =	simm.s32 $_scs_section_size  }
0x9a: {  	s5 =	simm.s32 $_size__tile_overlayer_lowered;
	s6 =	simm.s32 $_tile_overlayer_lowered  }
0x9b: {  	s22 =	simm.s32 $0x1BFF;
	s21 =	sshll.u32 s6, $0x1;
	s3 =	sadd.s32 s4, s19  }
0x9c: {  	s7 =	simm.s32 $0x0;
	s20 =	sshll.u32 s5, $0x1;
	s5 =	sadd.s32 s21, s3  }
0x9d: {  	[timem:s7], [sflag:s22] =	dma.local [hbm:s5], s20  }
0x9e: {  	_ =	swait.ge [sflag:s22], s20  }
0x9f: {  	s4 =	ssub.s32 $0x0, s20;
	[sflag:s22] =	ssyncset.done $0x0  }
0xa0: {  	[sflag:s22] =	ssyncadd.s32 s4;
	_ =	sdelay $0x1  }
0xa1: {  	s23 =	simm.s32 $0x1B8B  }
0xa2: {  	_ =	swait.ge [sflag:s23], $0x1  }
0xa3: {  	[sflag:s23] =	ssyncset.done $0x0  }
0xa4: {  	s25 =	simm.s32 $0x1B8E;
	s24 =	sld [smem:$0x3FFE];
	[sflag:s23] =	ssyncadd.s32 $0xFFFFFFFF  }
0xa5: {  	s26 =	simm.s32 $execute0_lowered;
	[smem:$0x3FD2] =	sst s25  }
0xa6: {  	s5 =	sshll.u32 s26, $0x1;
	_ =	strace $0x8000004C;
	[dreg:$0x1] =	wrdreg $0xFFFFFFFF  }
0xa7: {  	s28 =	simm.s32 $_size_execute0_lowered;
	s3 =	sadd.s32 s3, s5;
	[dreg:$0x0] =	wrdreg $0x0  }
0xa8: {  	s5 =	sshll.u32 s28, $0x1;
	[dreg:$0x2] =	wrdreg s3  }
0xa9: {  	[dreg:$0x3] =	wrdreg s5  }
0xaa: {  	[dreg:$0x4] =	wrdreg $0xC0  }
0xab: {  	_ =	task [dreg:s7], $0x5FFFF  }
0xac: {  	[dreg:$0x1] =	wrdreg $0xFFFFFFFF  }
0xad: {  	[dreg:$0x0] =	wrdreg $0x60  }
0xae: {  	[dreg:$0x2] =	wrdreg s2  }
0xaf: {  	[dreg:$0x3] =	wrdreg s24  }
0xb0: {  	[dreg:$0x4] =	wrdreg $0xA8000  }
0xb1: {  	[dreg:$0x5] =	wrdreg $0x9  }
0xb2: {  	_ =	task.clear_ibuf [dreg:s7], $0x6FFFF;
	_ =	strace $0x9000004C  }
0xb3: {  	s29 =	simm.s32 $0x9;
	_ =	strace $0x8000004E  }
0xb4: {  	_ =	swait.ge [sflag:s29], $0x1  }
0xb5: {  	[sflag:s29] =	ssyncadd.s32 $0xFFFFFFFF  }
0xb6: {  	_ =	strace $0x9000004E  }
0xb7: {  	_ =	sfence  }
0xb8: {  	s30 =	sld [smem:$0x0];
	_ =	sdelay $0x2  }
0xb9: {  	s31 =	sshll.u32 s1, $0xD;
	s1 =	sshrl.u32 s1, $0x2  }
0xba: {  	s3 =	sand.u32 $0x4000, s31;
	s1 =	sadd.s32 s1, s30  }
0xbb: {  	s0 =	sor.u32 s3, s0;
	s1 =	sshll.u32 s1, $0x11  }
0xbc: {  	s0 =	sor.u32 s1, s0  }
0xbd: {  	s0 =	sadd.s32 $0x8F2B, s0  }
0xbe: {  	[sflag:s0] =	ssyncadd.remote.s32 $0x1  }
0xbf: {  	_ =	sfence.sel $0xFFFF  }
0xc0: {  	[dreg:$0x0] =	wrdreg $0xFFFFFFFF;
	(pc) =	sbr.abs _section_cstart, $3  }
0xc1: {  	[dreg:$0x1] =	wrdreg $0xFFFFFFFF  }
0xc2: {  	_ =	task.clear_ibuf [dreg:s7], $0x2FFFF;
	_ =	strace $0x9FFFFFFF  }
0xc3: {  	(tm) =	ssettm $0x7FFFFFFF  }
tec
execute0_lowered:
.L_overlay_start_1:
0x0: {  	(tag) =	ssettag $0x1  }
0x1: {  	s12 =	rddreg [dreg:$0x0]  }
0x2: {  	s5 =	rddreg [dreg:$0x1]  }
0x3: {  	s0 =	srdreg.scid;
	s2 =	rddreg [dreg:$0x2]  }
0x4: {  	s1 =	stileid.u32;
	s3 =	simm.s32 $0x0;
	s17 =	simm.s32 $0x3  }
0x5: {  	s18 =	simm.s32 $0x1400;
	s19 =	simm.s32 $0x80;
	s20 =	simm.s32 $0x6800  }
0x6: {  	s21 =	simm.s32 $0x1;
	s22 =	simm.s32 $0x2;
	s23 =	simm.s32 $0x1380  }
0x7: {  	s24 =	simm.s32 $0x2700;
	s6 =	sand.u32 $0x1, s0;
	s0 =	rddreg [dreg:$0x3]  }
0x8: {  	s25 =	simm.s32 $0x2780;
	s7 =	smul.u32 $0x14000, s1;
	[smem:$0x7FF] =	sst s3  }
0x9: {  	s13 =	sadd.s32 $0x2800, s5;
	s8 =	smul.u32 $0x50000, s1;
	s28 =	sshll.u32 s1, $0x1  }
0xa: {  	s4 =	smul.u32 $0x140000, s6;
	_ =	strace $0x8000004D;
	s9 =	sor.u32 s6, s28  }
0xb: {  	s29 =	ssub.s32 $0x2, s6;
	s30 =	sshrl.u32 s8, $0x2;
	s10 =	smul.u32 $0x2800, s9  }
0xc: {  	s31 =	sshrl.u32 s29, $0x1;
	s11 =	smul.u32 $0x500, s9;
	s4 =	sadd.s32 s7, s4  }
0xd: {  	s15 =	ssub.s32 s29, s31;
	s7 =	sshrl.u32 s4, $0x3;
	s4 =	sadd.s32 $0x5C800, s5  }
0xe: {  	s16 =	sshrl.u32 s10, $0x3;
	s10 =	sadd.s32 s12, s11;
	s11 =	sadd.s32 s13, s11  }
0xf: {  	s15 =	smax.u32 s15, $0x1;
	s14 =	sadd.s32 s7, s5;
	s5 =	sadd.s32 s30, s2  }
0x10: {  	s16 =	sadd.s32 $0x280, s16;
	s6 =	sadd.s32 $0x4000, s5;
	s7 =	sadd.s32 $0x8000, s5  }
0x11: {  	s8 =	sadd.s32 $0xC000, s5;
	s9 =	sadd.s32 $0x10000, s5;
	s12 =	sadd.s32 s12, s16  }
0x12: {  	v0 =	vimm.f32 $0.0e+00;
	s13 =	sadd.s32 s13, s16;
	s14 =	sadd.s32 $0x83A00, s14;
	s16 =	simm.s32 $0x2800  }
.LBB2_1:
0x13: {  	s26 =	simm.s32 $0x0;
	s28 =	simm.s32 $0x200  }
.LBB2_2:
0x14: {  	p0 =	sne.s32 s28, $0xFE00;
	[tilespmem:s26+$0x2870] =	vst v0  }
0x15: {  	[tilespmem:s26+$0x2800] =	vst v0  }
0x16: {  	[tilespmem:s26+$0x2810] =	vst v0  }
.Ltmp0:
0x17: {  	[tilespmem:s26+$0x2820] =	vst v0;
	(pc) =	sbr.rel @p0 .LBB2_2-.Ltmp0, $4  }
0x18: {  	[tilespmem:s26+$0x2830] =	vst v0  }
0x19: {  	[tilespmem:s26+$0x2840] =	vst v0  }
0x1a: {  	[tilespmem:s26+$0x2850] =	vst v0  }
0x1b: {  	[tilespmem:s26+$0x2860] =	vst v0;
	s26 =	sshra.s32 s28, $0x2;
	s28 =	sadd.s32 $0x200, s28  }
0x1c: {  	[tilespmem:s26+$0x2870] =	vst v0  }
0x1d: {  	[tilespmem:s26+$0x2800] =	vst v0  }
0x1e: {  	[tilespmem:s26+$0x2810] =	vst v0  }
0x1f: {  	[tilespmem:s26+$0x2820] =	vst v0  }
0x20: {  	[tilespmem:s26+$0x2830] =	vst v0  }
0x21: {  	[tilespmem:s26+$0x2840] =	vst v0  }
0x22: {  	[tilespmem:s26+$0x2850] =	vst v0  }
0x23: {  	[tilespmem:s26+$0x2860] =	vst v0  }
0x24: {  	[spmem:s5] =	stream.linear.scatter [tilespmem:s16], [sflag:$0x3], $0x4000, $0x38;
	[tilespmem:$0x1E800] =	vst v63  }
0x25: {  	_ =	swait.ge [sflag:s17], $0x4000  }
0x26: {  	[sflag:s17] =	ssyncset.done $0x0  }
0x27: {  	[sflag:s17] =	ssyncadd.s32 $0xFFFFC000  }
0x28: {  	[spmem:s6] =	stream.linear.scatter [tilespmem:s16], [sflag:$0x3], $0x4000, $0x38;
	[tilespmem:$0x1E800] =	vst v63  }
0x29: {  	_ =	swait.ge [sflag:s17], $0x4000  }
0x2a: {  	[sflag:s17] =	ssyncset.done $0x0  }
0x2b: {  	[sflag:s17] =	ssyncadd.s32 $0xFFFFC000  }
0x2c: {  	[spmem:s7] =	stream.linear.scatter [tilespmem:s16], [sflag:$0x3], $0x4000, $0x38;
	[tilespmem:$0x1E800] =	vst v63  }
0x2d: {  	_ =	swait.ge [sflag:s17], $0x4000  }
0x2e: {  	[sflag:s17] =	ssyncset.done $0x0  }
0x2f: {  	[sflag:s17] =	ssyncadd.s32 $0xFFFFC000  }
0x30: {  	[spmem:s8] =	stream.linear.scatter [tilespmem:s16], [sflag:$0x3], $0x4000, $0x38;
	[tilespmem:$0x1E800] =	vst v63  }
0x31: {  	_ =	swait.ge [sflag:s17], $0x4000  }
0x32: {  	[sflag:s17] =	ssyncset.done $0x0  }
0x33: {  	[sflag:s17] =	ssyncadd.s32 $0xFFFFC000  }
0x34: {  	[spmem:s9] =	stream.linear.scatter [tilespmem:s16], [sflag:$0x3], $0x4000, $0x38;
	[tilespmem:$0x1E800] =	vst v63  }
0x35: {  	_ =	swait.ge [sflag:s17], $0x4000  }
0x36: {  	[sflag:s17] =	ssyncset.done $0x0  }
0x37: {  	[sflag:s17] =	ssyncadd.s32 $0xFFFFC000  }
0x38: {  	s30 =	simm.s32 $0x0;
	[bflag:$0x0] =	sbarrier.arrive $0xFFFF  }
0x39: {  	[tilespmem:s30], [sflag:$0x3] =	stream.linear.gather [hbm4b:s10+s30], $0x1400, $0x38;
	[tilespmem:$0x1E800] =	vst v63  }
0x3a: {  	_ =	swait.ge [sflag:s17], $0x1400  }
0x3b: {  	[sflag:s17] =	ssyncset.done $0x0  }
0x3c: {  	[sflag:s17] =	ssyncadd.s32 $0xFFFFEC00  }
0x3d: {  	[tilespmem:s18], [sflag:$0x3] =	stream.linear.gather [hbm4b:s11+s30], $0x1400, $0x38;
	[tilespmem:$0x1E800] =	vst v63  }
0x3e: {  	_ =	swait.ge [sflag:s17], $0x1400  }
0x3f: {  	[sflag:s17] =	ssyncset.done $0x0  }
0x40: {  	[sflag:s17] =	ssyncadd.s32 $0xFFFFEC00  }
0x41: {  	[tilespmem:s16], [sflag:$0x1] =	stream.indirect.gather [hbm4b:s4+s19], $0x80, s30, s19, $0xb8;
	[tilespmem:$0x1E800] =	vst v63  }
0x42: {  	s31 =	simm.s32 $0x80  }
0x43: {  	[tilespmem:s20], [sflag:$0x2] =	stream.indirect.gather [hbm4b:s4+s19], $0x80, s31, s19, $0xb8;
	[tilespmem:$0x1E800] =	vst v63  }
0x44: {  	_ =	swait.ge [sflag:s21], $0x4000  }
0x45: {  	[sflag:s21] =	ssyncset.done $0x0  }
0x46: {  	s29 =	simm.s32 $0x1400;
	[sflag:s21] =	ssyncadd.s32 $0xFFFFC000  }
0x47: {  	[spmem:s2] =	stream.indirect.scatter.add.f32 [tilespmem:s16], [sflag:$0x3], $0x80, s29, s19, $0xb8;
	[tilespmem:$0x1E800] =	vst v63  }
0x48: {  	_ =	swait.ge [sflag:s17], $0x4000  }
0x49: {  	[sflag:s17] =	ssyncset.done $0x0  }
0x4a: {  	s30 =	simm.s32 $0x100;
	[sflag:s17] =	ssyncadd.s32 $0xFFFFC000  }
0x4b: {  	[tilespmem:s16], [sflag:$0x1] =	stream.indirect.gather [hbm4b:s4+s19], $0x80, s30, s19, $0xb8;
	[tilespmem:$0x1E800] =	vst v63  }
0x4c: {  	_ =	swait.ge [sflag:s22], $0x4000  }
0x4d: {  	[sflag:s22] =	ssyncset.done $0x0  }
0x4e: {  	s31 =	simm.s32 $0x1480;
	[sflag:s22] =	ssyncadd.s32 $0xFFFFC000  }
0x4f: {  	[spmem:s2] =	stream.indirect.scatter.add.f32 [tilespmem:s20], [sflag:$0x3], $0x80, s31, s19, $0xb8;
	[tilespmem:$0x1E800] =	vst v63  }
0x50: {  	_ =	swait.ge [sflag:s17], $0x4000  }
0x51: {  	s28 =	simm.s32 $0x800;
	s26 =	simm.s32 $0x100;
	[sflag:s17] =	ssyncset.done $0x0  }
.LBB2_4:
0x52: {  	s29 =	sadd.s32 $0x80, s26  }
0x53: {  	[sflag:s17] =	ssyncadd.s32 $0xFFFFC000;
	s30 =	smov.u32 s28;
	s31 =	sadd.s32 $0x400, s28  }
0x54: {  	[tilespmem:s20], [sflag:$0x2] =	stream.indirect.gather [hbm4b:s4+s19], $0x80, s29, s19, $0xb8;
	[tilespmem:$0x1E800] =	vst v63  }
0x55: {  	p0 =	sne.s32 s28, $0x4800;
	_ =	swait.ge [sflag:s21], $0x4000  }
0x56: {  	[sflag:s21] =	ssyncset.done $0x0  }
0x57: {  	s28 =	sadd.s32 $0x1400, s26;
	[sflag:s21] =	ssyncadd.s32 $0xFFFFC000  }
0x58: {  	[spmem:s2] =	stream.indirect.scatter.add.f32 [tilespmem:s16], [sflag:$0x3], $0x80, s28, s19, $0xb8;
	[tilespmem:$0x1E800] =	vst v63  }
0x59: {  	_ =	swait.ge [sflag:s17], $0x4000  }
0x5a: {  	[sflag:s17] =	ssyncset.done $0x0  }
0x5b: {  	s28 =	sadd.s32 $0x100, s26;
	[sflag:s17] =	ssyncadd.s32 $0xFFFFC000  }
0x5c: {  	[tilespmem:s16], [sflag:$0x1] =	stream.indirect.gather [hbm4b:s4+s19], $0x80, s28, s19, $0xb8;
	[tilespmem:$0x1E800] =	vst v63  }
0x5d: {  	_ =	swait.ge [sflag:s22], $0x4000  }
.Ltmp1:
0x5e: {  	[sflag:s22] =	ssyncset.done $0x0;
	(pc) =	sbr.rel @p0 .LBB2_4-.Ltmp1, $4  }
0x5f: {  	s26 =	sadd.s32 $0x1480, s26;
	[sflag:s22] =	ssyncadd.s32 $0xFFFFC000  }
0x60: {  	[spmem:s2] =	stream.indirect.scatter.add.f32 [tilespmem:s20], [sflag:$0x3], $0x80, s26, s19, $0xb8;
	[tilespmem:$0x1E800] =	vst v63  }
0x61: {  	_ =	swait.ge [sflag:s17], $0x4000  }
0x62: {  	s28 =	smov.u32 s31;
	s26 =	sshra.s32 s30, $0x2;
	[sflag:s17] =	ssyncset.done $0x0  }
0x63: {  	s28 =	sadd.s32 $0x80, s26;
	[sflag:s17] =	ssyncadd.s32 $0xFFFFC000  }
0x64: {  	[tilespmem:s20], [sflag:$0x2] =	stream.indirect.gather [hbm4b:s4+s19], $0x80, s28, s19, $0xb8;
	[tilespmem:$0x1E800] =	vst v63  }
0x65: {  	_ =	swait.ge [sflag:s21], $0x4000  }
0x66: {  	[sflag:s21] =	ssyncset.done $0x0  }
0x67: {  	s28 =	sadd.s32 $0x1400, s26;
	[sflag:s21] =	ssyncadd.s32 $0xFFFFC000  }
0x68: {  	[spmem:s2] =	stream.indirect.scatter.add.f32 [tilespmem:s16], [sflag:$0x3], $0x80, s28, s19, $0xb8;
	[tilespmem:$0x1E800] =	vst v63  }
0x69: {  	_ =	swait.ge [sflag:s17], $0x4000  }
0x6a: {  	[sflag:s17] =	ssyncset.done $0x0  }
0x6b: {  	s28 =	sadd.s32 $0x100, s26;
	[sflag:s17] =	ssyncadd.s32 $0xFFFFC000  }
0x6c: {  	[tilespmem:s16], [sflag:$0x1] =	stream.indirect.gather [hbm4b:s4+s19], $0x80, s28, s19, $0xb8;
	[tilespmem:$0x1E800] =	vst v63  }
0x6d: {  	_ =	swait.ge [sflag:s22], $0x4000  }
0x6e: {  	[sflag:s22] =	ssyncset.done $0x0  }
0x6f: {  	s29 =	sadd.s32 $0x1480, s26;
	[sflag:s22] =	ssyncadd.s32 $0xFFFFC000  }
0x70: {  	[spmem:s2] =	stream.indirect.scatter.add.f32 [tilespmem:s20], [sflag:$0x3], $0x80, s29, s19, $0xb8;
	[tilespmem:$0x1E800] =	vst v63  }
0x71: {  	_ =	swait.ge [sflag:s17], $0x4000  }
0x72: {  	[sflag:s17] =	ssyncset.done $0x0  }
0x73: {  	[sflag:s17] =	ssyncadd.s32 $0xFFFFC000  }
0x74: {  	[tilespmem:s20], [sflag:$0x2] =	stream.indirect.gather [hbm4b:s4+s19], $0x80, s23, s19, $0xb8;
	[tilespmem:$0x1E800] =	vst v63  }
0x75: {  	_ =	swait.ge [sflag:s21], $0x4000  }
0x76: {  	[sflag:s21] =	ssyncset.done $0x0  }
0x77: {  	[sflag:s21] =	ssyncadd.s32 $0xFFFFC000  }
0x78: {  	[spmem:s2] =	stream.indirect.scatter.add.f32 [tilespmem:s16], [sflag:$0x3], $0x80, s24, s19, $0xb8;
	[tilespmem:$0x1E800] =	vst v63  }
0x79: {  	_ =	swait.ge [sflag:s17], $0x4000  }
0x7a: {  	[sflag:s17] =	ssyncset.done $0x0  }
0x7b: {  	[sflag:s17] =	ssyncadd.s32 $0xFFFFC000  }
0x7c: {  	_ =	swait.ge [sflag:s22], $0x4000  }
0x7d: {  	[sflag:s22] =	ssyncset.done $0x0  }
0x7e: {  	[sflag:s22] =	ssyncadd.s32 $0xFFFFC000  }
0x7f: {  	[spmem:s2] =	stream.indirect.scatter.add.f32 [tilespmem:s20], [sflag:$0x3], $0x80, s25, s19, $0xb8;
	[tilespmem:$0x1E800] =	vst v63  }
0x80: {  	_ =	swait.ge [sflag:s17], $0x4000  }
0x81: {  	[sflag:s17] =	ssyncset.done $0x0  }
0x82: {  	s30 =	simm.s32 $0x0;
	[sflag:s17] =	ssyncadd.s32 $0xFFFFC000  }
0x83: {  	[tilespmem:s30], [sflag:$0x3] =	stream.linear.gather [hbm4b:s12+s30], $0x1400, $0x38;
	[tilespmem:$0x1E800] =	vst v63  }
0x84: {  	_ =	swait.ge [sflag:s17], $0x1400  }
0x85: {  	[sflag:s17] =	ssyncset.done $0x0  }
0x86: {  	[sflag:s17] =	ssyncadd.s32 $0xFFFFEC00  }
0x87: {  	[tilespmem:s18], [sflag:$0x3] =	stream.linear.gather [hbm4b:s13+s30], $0x1400, $0x38;
	[tilespmem:$0x1E800] =	vst v63  }
0x88: {  	_ =	swait.ge [sflag:s17], $0x1400  }
0x89: {  	[sflag:s17] =	ssyncset.done $0x0  }
0x8a: {  	[sflag:s17] =	ssyncadd.s32 $0xFFFFEC00  }
0x8b: {  	[tilespmem:s16], [sflag:$0x1] =	stream.indirect.gather [hbm4b:s4+s19], $0x80, s30, s19, $0xb8;
	[tilespmem:$0x1E800] =	vst v63  }
0x8c: {  	s31 =	simm.s32 $0x80  }
0x8d: {  	[tilespmem:s20], [sflag:$0x2] =	stream.indirect.gather [hbm4b:s4+s19], $0x80, s31, s19, $0xb8;
	[tilespmem:$0x1E800] =	vst v63  }
0x8e: {  	_ =	swait.ge [sflag:s21], $0x4000  }
0x8f: {  	[sflag:s21] =	ssyncset.done $0x0  }
0x90: {  	s29 =	simm.s32 $0x1400;
	[sflag:s21] =	ssyncadd.s32 $0xFFFFC000  }
0x91: {  	[spmem:s2] =	stream.indirect.scatter.add.f32 [tilespmem:s16], [sflag:$0x3], $0x80, s29, s19, $0xb8;
	[tilespmem:$0x1E800] =	vst v63  }
0x92: {  	_ =	swait.ge [sflag:s17], $0x4000  }
0x93: {  	[sflag:s17] =	ssyncset.done $0x0  }
0x94: {  	s30 =	simm.s32 $0x100;
	[sflag:s17] =	ssyncadd.s32 $0xFFFFC000  }
0x95: {  	[tilespmem:s16], [sflag:$0x1] =	stream.indirect.gather [hbm4b:s4+s19], $0x80, s30, s19, $0xb8;
	[tilespmem:$0x1E800] =	vst v63  }
0x96: {  	_ =	swait.ge [sflag:s22], $0x4000  }
0x97: {  	[sflag:s22] =	ssyncset.done $0x0  }
0x98: {  	s31 =	simm.s32 $0x1480;
	[sflag:s22] =	ssyncadd.s32 $0xFFFFC000  }
0x99: {  	[spmem:s2] =	stream.indirect.scatter.add.f32 [tilespmem:s20], [sflag:$0x3], $0x80, s31, s19, $0xb8;
	[tilespmem:$0x1E800] =	vst v63  }
0x9a: {  	_ =	swait.ge [sflag:s17], $0x4000  }
0x9b: {  	s26 =	simm.s32 $0x100;
	s28 =	simm.s32 $0x800;
	[sflag:s17] =	ssyncset.done $0x0  }
.LBB2_6:
0x9c: {  	s29 =	sadd.s32 $0x80, s26  }
0x9d: {  	[sflag:s17] =	ssyncadd.s32 $0xFFFFC000;
	s30 =	smov.u32 s28;
	s31 =	sadd.s32 $0x400, s28  }
0x9e: {  	[tilespmem:s20], [sflag:$0x2] =	stream.indirect.gather [hbm4b:s4+s19], $0x80, s29, s19, $0xb8;
	[tilespmem:$0x1E800] =	vst v63  }
0x9f: {  	p0 =	sne.s32 s28, $0x4800;
	_ =	swait.ge [sflag:s21], $0x4000  }
0xa0: {  	[sflag:s21] =	ssyncset.done $0x0  }
0xa1: {  	s28 =	sadd.s32 $0x1400, s26;
	[sflag:s21] =	ssyncadd.s32 $0xFFFFC000  }
0xa2: {  	[spmem:s2] =	stream.indirect.scatter.add.f32 [tilespmem:s16], [sflag:$0x3], $0x80, s28, s19, $0xb8;
	[tilespmem:$0x1E800] =	vst v63  }
0xa3: {  	_ =	swait.ge [sflag:s17], $0x4000  }
0xa4: {  	[sflag:s17] =	ssyncset.done $0x0  }
0xa5: {  	s28 =	sadd.s32 $0x100, s26;
	[sflag:s17] =	ssyncadd.s32 $0xFFFFC000  }
0xa6: {  	[tilespmem:s16], [sflag:$0x1] =	stream.indirect.gather [hbm4b:s4+s19], $0x80, s28, s19, $0xb8;
	[tilespmem:$0x1E800] =	vst v63  }
0xa7: {  	_ =	swait.ge [sflag:s22], $0x4000  }
.Ltmp2:
0xa8: {  	[sflag:s22] =	ssyncset.done $0x0;
	(pc) =	sbr.rel @p0 .LBB2_6-.Ltmp2, $4  }
0xa9: {  	s26 =	sadd.s32 $0x1480, s26;
	[sflag:s22] =	ssyncadd.s32 $0xFFFFC000  }
0xaa: {  	[spmem:s2] =	stream.indirect.scatter.add.f32 [tilespmem:s20], [sflag:$0x3], $0x80, s26, s19, $0xb8;
	[tilespmem:$0x1E800] =	vst v63  }
0xab: {  	_ =	swait.ge [sflag:s17], $0x4000  }
0xac: {  	s28 =	smov.u32 s31;
	s26 =	sshra.s32 s30, $0x2;
	[sflag:s17] =	ssyncset.done $0x0  }
0xad: {  	s28 =	sadd.s32 $0x80, s26;
	[sflag:s17] =	ssyncadd.s32 $0xFFFFC000  }
0xae: {  	[tilespmem:s20], [sflag:$0x2] =	stream.indirect.gather [hbm4b:s4+s19], $0x80, s28, s19, $0xb8;
	[tilespmem:$0x1E800] =	vst v63  }
0xaf: {  	_ =	swait.ge [sflag:s21], $0x4000  }
0xb0: {  	[sflag:s21] =	ssyncset.done $0x0  }
0xb1: {  	s30 =	sadd.s32 $0x1400, s26;
	[sflag:s21] =	ssyncadd.s32 $0xFFFFC000  }
0xb2: {  	[spmem:s2] =	stream.indirect.scatter.add.f32 [tilespmem:s16], [sflag:$0x3], $0x80, s30, s19, $0xb8;
	[tilespmem:$0x1E800] =	vst v63  }
0xb3: {  	_ =	swait.ge [sflag:s17], $0x4000  }
0xb4: {  	[sflag:s17] =	ssyncset.done $0x0  }
0xb5: {  	s31 =	sadd.s32 $0x100, s26;
	[sflag:s17] =	ssyncadd.s32 $0xFFFFC000  }
0xb6: {  	[tilespmem:s16], [sflag:$0x1] =	stream.indirect.gather [hbm4b:s4+s19], $0x80, s31, s19, $0xb8;
	[tilespmem:$0x1E800] =	vst v63  }
0xb7: {  	_ =	swait.ge [sflag:s22], $0x4000  }
0xb8: {  	[sflag:s22] =	ssyncset.done $0x0  }
0xb9: {  	s29 =	sadd.s32 $0x1480, s26;
	[sflag:s22] =	ssyncadd.s32 $0xFFFFC000  }
0xba: {  	[spmem:s2] =	stream.indirect.scatter.add.f32 [tilespmem:s20], [sflag:$0x3], $0x80, s29, s19, $0xb8;
	[tilespmem:$0x1E800] =	vst v63  }
0xbb: {  	_ =	swait.ge [sflag:s17], $0x4000  }
0xbc: {  	[sflag:s17] =	ssyncset.done $0x0  }
0xbd: {  	[sflag:s17] =	ssyncadd.s32 $0xFFFFC000  }
0xbe: {  	[tilespmem:s20], [sflag:$0x2] =	stream.indirect.gather [hbm4b:s4+s19], $0x80, s23, s19, $0xb8;
	[tilespmem:$0x1E800] =	vst v63  }
0xbf: {  	_ =	swait.ge [sflag:s21], $0x4000  }
0xc0: {  	[sflag:s21] =	ssyncset.done $0x0  }
0xc1: {  	[sflag:s21] =	ssyncadd.s32 $0xFFFFC000  }
0xc2: {  	[spmem:s2] =	stream.indirect.scatter.add.f32 [tilespmem:s16], [sflag:$0x3], $0x80, s24, s19, $0xb8;
	[tilespmem:$0x1E800] =	vst v63  }
0xc3: {  	_ =	swait.ge [sflag:s17], $0x4000  }
0xc4: {  	[sflag:s17] =	ssyncset.done $0x0  }
0xc5: {  	[sflag:s17] =	ssyncadd.s32 $0xFFFFC000  }
0xc6: {  	_ =	swait.ge [sflag:s22], $0x4000  }
0xc7: {  	[sflag:s22] =	ssyncset.done $0x0  }
0xc8: {  	[sflag:s22] =	ssyncadd.s32 $0xFFFFC000  }
0xc9: {  	[spmem:s2] =	stream.indirect.scatter.add.f32 [tilespmem:s20], [sflag:$0x3], $0x80, s25, s19, $0xb8;
	[tilespmem:$0x1E800] =	vst v63  }
0xca: {  	_ =	swait.ge [sflag:s17], $0x4000  }
0xcb: {  	s3 =	sadd.s32 $0x1, s3;
	s30 =	sshll.u32 s1, $0x6;
	[sflag:s17] =	ssyncset.done $0x0  }
0xcc: {  	p0 =	sne.s32 s3, s15;
	s26 =	sor.u32 $0x1C03, s30;
	[sflag:s17] =	ssyncadd.s32 $0xFFFFC000  }
.Ltmp3:
0xcd: {  	s31 =	sshrl.u32 s5, $0x3;
	[bflag:$0x0] =	sbarrier.arrive $0xFFFF;
	(pc) =	sbr.rel @p0 .LBB2_1-.Ltmp3, $4  }
0xce: {  	[hbm:s14], [sflag:s26] =	dma.local [spmem:s31], $0x2800  }
0xcf: {  	_ =	swait.ge [sflag:s17], $0x2800  }
0xd0: {  	[sflag:s17] =	ssyncset.done $0x0  }
0xd1: {  	[sflag:s17] =	ssyncadd.s32 $0xFFFFD800  }
0xd2: {  	_ =	sfence.sel $0x180000  }
0xd3: {  	[bflag:$0x0] =	sbarrier.arrive $0xFFFF  }
0xd4: {  	p0 =	sne.s32 s1, $0x0;
	_ =	strace $0x9000004D  }
0xd5: {  	s0 =	sadd.s32 @!p0 $0x100000, s0;
	[bflag:$0x2] =	sbarrier.arrive $0xFFFF  }
0xd6: {  	[sflag:s0] =	ssyncadd.tile.s32 @!p0 $0x1;
	_ =	shalt  }
.Lfunc_end2:
_tile_overlayer_lowered:
.L_overlay_start_2:
0xd7: {  	(tag) =	ssettag $0x2  }
0xd8: {  	s0 =	rddreg [dreg:$0x0];
	s2 =	stileid.u32  }
0xd9: {  	s1 =	rddreg [dreg:$0x1];
	p0 =	sne.s32 s2, $0x0  }
0xda: {  	s3 =	rddreg [dreg:$0x2];
	[bflag:$0x3] =	sbarrier.arrive $0xFFFF;
	s2 =	simm.s32 @!p0 $0x1C03  }
0xdb: {  	[timem:s3], [sflag:s2] =	dma.local @!p0 [hbm:s0], s1  }
0xdc: {  	s0 =	simm.s32 @!p0 $0x3  }
0xdd: {  	_ =	swait.ge @!p0 [sflag:s0], s1  }
0xde: {  	s1 =	ssub.s32 @!p0 $0x0, s1;
	[sflag:s0] =	ssyncset.done @!p0 $0x0  }
0xdf: {  	[sflag:s0] =	ssyncadd.s32 @!p0 s1  }
0xe0: {  	[bflag:$0x3] =	sbarrier.arrive $0xFFFF  }
0xe1: {  	_ =	shalt  }

// kernel: kernel.8.cloned.1.call-start
scs
__scs_entry_jumppad:
0x0: {  	(pc) =	sbr.rel $0x88, $3  }
0x1: {  	(tag) =	ssettag $0x0;
	lr =	simm.s32 $0x1  }
0x2: {  	[smem:$0x3F9B] =	sst lr;
	_ =	strace $0xD0000000  }
0x3: {  	_ = 	snop  }
0x4: {  	_ = 	snop  }
0x5: {  	_ = 	snop  }
0x6: {  	_ = 	snop  }
0x7: {  	_ = 	snop  }
__scs_overlays_trampoline_lowered:
0x8: {  	[smem:$0x3FAA] =	sst s0  }
0x9: {  	[smem:$0x3FAB] =	sst s1  }
0xa: {  	[smem:$0x3FAC] =	sst s2  }
0xb: {  	[smem:$0x3FAD] =	sst s3  }
0xc: {  	[smem:$0x3FAE] =	sst s4  }
0xd: {  	[smem:$0x3FAF] =	sst s5  }
0xe: {  	[smem:$0x3FB0] =	sst s6  }
0xf: {  	[smem:$0x3FB1] =	sst s7  }
0x10: {  	[smem:$0x3FB2] =	sst s8  }
0x11: {  	[smem:$0x3FB3] =	sst s9;
	s0 =	simm.s32 @!p0 $0x0  }
0x12: {  	s1 =	sld [smem:$0x3F99];
	s0 =	simm.s32 @p0 $0x1  }
0x13: {  	[smem:$0x3FB4] =	sst s0;
	s0 =	simm.s32 @!p1 $0x0  }
0x14: {  	s2 =	sld [smem:$0x3F98];
	s0 =	simm.s32 @p1 $0x1  }
0x15: {  	[smem:$0x3FB5] =	sst s0;
	s0 =	simm.s32 @!p2 $0x0  }
0x16: {  	s3 =	sld [smem:$0x3FDB];
	s0 =	simm.s32 @p2 $0x1  }
0x17: {  	s4 =	simm.s32 $0x1BF5;
	[smem:$0x3FB7] =	sst s0  }
0x18: {  	s0 =	sld [smem:$0x3F9A];
	_ =	swait.ge [sflag:s4], $0x0  }
0x19: {  	s7 =	sld [smem:$0x3F9B]  }
0x1a: {  	s8 =	sadd.s32 $0xFFFFE003, lr  }
0x1b: {  	s9 =	sadd.s32 $0xFFFFFEF7, lr;
	s5 =	simm.s32 $0xFFFFFFFF;
	p2 =	slt.u32 s8, $0xFFFFF086  }
0x1c: {  	p1 =	slt.u32 s9, $0xF7A;
	s5 =	simm.s32 @!p2 $0x0  }
0x1d: {  	s5 =	simm.s32 @p1 $0x1;
	p0 =	seq.s32 s7, s2  }
0x1e: {  	s7 =	smul.u32 @!p0 $0xF7A, s2;
	p2 =	seq.s32 @!p0 s5, $0x0  }
0x1f: {  	s9 =	smul.u32 $0xF7A, s1;
	s8 =	simm.s32 @!p0 $0x1BF5;
	p2 =	por !p2, p0  }
0x20: {  	[sflag:s8] =	ssyncset.s32 @!p0 $0xFFFFF086;
	s6 =	sadd.s32 @!p0 s3, s7;
	s7 =	simm.s32 @!p0 $0x108  }
0x21: {  	s3 =	sadd.s32 s3, s9;
	s6 =	sadd.s32 @!p0 $0x88, s6;
	s7 =	simm.s32 @p2 $0x1082  }
0x22: {  	[simem:s7], [sflag:s8] =	dma.local @!p0 [hbm:s6], $0xF7A  }
0x23: {  	s9 =	sor.u32 $0xD0000000, s2;
	s6 =	simm.s32 $0x108;
	_ =	swait.ge @!p0 [sflag:s8], $0x0  }
0x24: {  	s3 =	sadd.s32 $0x88, s3;
	s6 =	simm.s32 @!p1 $0x1082;
	[sflag:s4] =	ssyncset.s32 $0xFFFFF086  }
0x25: {  	[simem:s6], [sflag:s4] =	dma.local [hbm:s3], $0xF7A  }
0x26: {  	[smem:$0x3F9B] =	sst s1;
	(tag) =	ssettag s2;
	_ =	strace s9  }
0x27: {  	s1 =	sld [smem:$0x3FAB]  }
0x28: {  	s2 =	sld [smem:$0x3FAC]  }
0x29: {  	s4 =	sld [smem:$0x3FAE]  }
0x2a: {  	p0 =	seq.s32 s5, $0x0;
	s5 =	sld [smem:$0x3FAF]  }
0x2b: {  	s6 =	sld [smem:$0x3FB0]  }
0x2c: {  	s7 =	sld [smem:$0x3FB1]  }
0x2d: {  	s3 =	simm.s32 $0x108;
	s8 =	sld [smem:$0x3FB2]  }
0x2e: {  	s3 =	simm.s32 @!p0 $0x1082;
	s9 =	sld [smem:$0x3FB3]  }
0x2f: {  	lr =	sadd.s32 s0, s3;
	s0 =	sld [smem:$0x3FAA]  }
0x30: {  	s3 =	sld [smem:$0x3FAD]  }
0x31: {  	[smem:$0x3FB6] =	sst s10  }
0x32: {  	s10 =	sld [smem:$0x3FB4];
	_ =	sdelay $0x3  }
0x33: {  	p0 =	seq.s32 s10, $0x1;
	s10 =	sld [smem:$0x3FB6];
	_ =	sdelay $0x3  }
0x34: {  	[smem:$0x3FB6] =	sst s10  }
0x35: {  	s10 =	sld [smem:$0x3FB5];
	_ =	sdelay $0x3  }
0x36: {  	p1 =	seq.s32 s10, $0x1;
	s10 =	sld [smem:$0x3FB6];
	_ =	sdelay $0x3  }
0x37: {  	[smem:$0x3FB6] =	sst s10  }
0x38: {  	s10 =	sld [smem:$0x3FB7]  }
0x39: {  	_ = 	snop;
	(pc) =	sbr.ind lr, $3  }
0x3a: {  	_ = 	snop  }
0x3b: {  	_ = 	snop  }
0x3c: {  	p2 =	seq.s32 s10, $0x1;
	s10 =	sld [smem:$0x3FB6]  }
0x3d: {  	_ =	shalt  }
0x3e: {  	_ =	shalt  }
0x3f: {  	_ =	shalt  }
0x40: {  	_ =	shalt  }
0x41: {  	_ =	shalt  }
0x42: {  	_ =	shalt  }
0x43: {  	_ =	shalt  }
0x44: {  	_ =	shalt  }
0x45: {  	_ =	shalt  }
0x46: {  	_ =	shalt  }
0x47: {  	_ =	shalt  }
0x48: {  	_ =	shalt  }
0x49: {  	_ =	shalt  }
0x4a: {  	_ =	shalt  }
0x4b: {  	_ =	shalt  }
0x4c: {  	_ =	shalt  }
0x4d: {  	_ =	shalt  }
0x4e: {  	_ =	shalt  }
0x4f: {  	_ =	shalt  }
0x50: {  	_ =	shalt  }
0x51: {  	_ =	shalt  }
0x52: {  	_ =	shalt  }
0x53: {  	_ =	shalt  }
0x54: {  	_ =	shalt  }
0x55: {  	_ =	shalt  }
0x56: {  	_ =	shalt  }
0x57: {  	_ =	shalt  }
0x58: {  	_ =	shalt  }
0x59: {  	_ =	shalt  }
0x5a: {  	_ =	shalt  }
0x5b: {  	_ =	shalt  }
0x5c: {  	_ =	shalt  }
0x5d: {  	_ =	shalt  }
0x5e: {  	_ =	shalt  }
0x5f: {  	_ =	shalt  }
0x60: {  	_ =	shalt  }
0x61: {  	_ =	shalt  }
0x62: {  	_ =	shalt  }
0x63: {  	_ =	shalt  }
0x64: {  	_ =	shalt  }
0x65: {  	_ =	shalt  }
0x66: {  	_ =	shalt  }
0x67: {  	_ =	shalt  }
0x68: {  	_ =	shalt  }
0x69: {  	_ =	shalt  }
0x6a: {  	_ =	shalt  }
0x6b: {  	_ =	shalt  }
0x6c: {  	_ =	shalt  }
0x6d: {  	_ =	shalt  }
0x6e: {  	_ =	shalt  }
0x6f: {  	_ =	shalt  }
0x70: {  	_ =	shalt  }
0x71: {  	_ =	shalt  }
0x72: {  	_ =	shalt  }
0x73: {  	_ =	shalt  }
0x74: {  	_ =	shalt  }
0x75: {  	_ =	shalt  }
0x76: {  	_ =	shalt  }
0x77: {  	_ =	shalt  }
0x78: {  	_ =	shalt  }
0x79: {  	_ =	shalt  }
0x7a: {  	_ =	shalt  }
0x7b: {  	_ =	shalt  }
0x7c: {  	_ =	shalt  }
0x7d: {  	_ =	shalt  }
0x7e: {  	_ =	shalt  }
0x7f: {  	_ =	shalt  }
0x80: {  	_ =	shalt  }
0x81: {  	_ =	shalt  }
0x82: {  	_ =	shalt  }
0x83: {  	_ =	shalt  }
0x84: {  	_ =	shalt  }
0x85: {  	_ =	shalt  }
0x86: {  	_ =	shalt  }
0x87: {  	_ =	shalt  }
.Lfunc_end0:
.L_simem_size_0:
called_computation_lowered:
.L_overlay_start_0:
0x88: {  	s2 =	sld [smem:$0x3FD9]  }
0x89: {  	s3 =	sld [smem:$0x3FFE];
	_ =	sdelay $0x1  }
0x8a: {  	s1 =	srdreg.scid  }
0x8b: {  	s0 =	sand.u32 $0x1, s1  }
0x8c: {  	s16 =	sshll.u32 s0, $0xA;
	s2 =	sadd.s32 s3, s2  }
0x8d: {  	s2 =	sadd.s32 s2, s16  }
0x8e: {  	[smem:$0x3FC2] =	sst s2  }
0x8f: {  	_ = 	snop  }
0x90: {  	(tm) =	ssettm $0x1  }
0x91: {  	s17 =	sld [smem:$0x3FFB];
	_ =	sdelay $0x3  }
0x92: {  	_ =	strace s17  }
0x93: {  	s2 =	sld [smem:$0x3FFC];
	_ =	sdelay $0x3  }
0x94: {  	_ =	strace s2  }
0x95: {  	s2 =	sld [smem:$0x3FFD];
	_ =	sdelay $0x3  }
0x96: {  	_ =	strace s2  }
0x97: {  	_ =	strace $0x8FFFFFFF  }
0x98: {  	s18 =	sld [smem:$0x3FDB];
	_ =	sdelay $0x1  }
0x99: {  	s19 =	simm.s32 $_scs_section_size  }
0x9a: {  	s4 =	simm.s32 $_size__tile_overlayer_lowered;
	s5 =	simm.s32 $_tile_overlayer_lowered  }
0x9b: {  	s22 =	simm.s32 $0x1BFF;
	s21 =	sshll.u32 s5, $0x1;
	s2 =	sadd.s32 s19, s18  }
0x9c: {  	s6 =	simm.s32 $0x0;
	s20 =	sshll.u32 s4, $0x1;
	s4 =	sadd.s32 s21, s2  }
0x9d: {  	[timem:s6], [sflag:s22] =	dma.local [hbm:s4], s20  }
0x9e: {  	_ =	swait.ge [sflag:s22], s20  }
0x9f: {  	s3 =	ssub.s32 $0x0, s20;
	[sflag:s22] =	ssyncset.done $0x0  }
0xa0: {  	[sflag:s22] =	ssyncadd.s32 s3;
	_ =	sdelay $0x1  }
0xa1: {  	s23 =	simm.s32 $0x1B8B  }
0xa2: {  	_ =	swait.ge [sflag:s23], $0x1  }
0xa3: {  	[sflag:s23] =	ssyncset.done $0x0  }
0xa4: {  	s25 =	simm.s32 $0x1B8E;
	s24 =	sld [smem:$0x3FFE];
	[sflag:s23] =	ssyncadd.s32 $0xFFFFFFFF  }
0xa5: {  	s26 =	simm.s32 $execute0_lowered;
	[smem:$0x3FD2] =	sst s25  }
0xa6: {  	s4 =	sshll.u32 s26, $0x1;
	_ =	strace $0x80000046;
	[dreg:$0x1] =	wrdreg $0xFFFFFFFF  }
0xa7: {  	s28 =	simm.s32 $_size_execute0_lowered;
	s2 =	sadd.s32 s2, s4;
	[dreg:$0x0] =	wrdreg $0x0  }
0xa8: {  	s4 =	sshll.u32 s28, $0x1;
	[dreg:$0x2] =	wrdreg s2  }
0xa9: {  	[dreg:$0x3] =	wrdreg s4  }
0xaa: {  	[dreg:$0x4] =	wrdreg $0xC0  }
0xab: {  	_ =	task [dreg:s6], $0x5FFFF  }
0xac: {  	[dreg:$0x1] =	wrdreg $0xFFFFFFFF  }
0xad: {  	[dreg:$0x0] =	wrdreg $0x60  }
0xae: {  	[dreg:$0x2] =	wrdreg s24  }
0xaf: {  	[dreg:$0x3] =	wrdreg $0x94000  }
0xb0: {  	[dreg:$0x4] =	wrdreg $0x9  }
0xb1: {  	_ =	task.clear_ibuf [dreg:s6], $0x5FFFF;
	_ =	strace $0x90000046  }
0xb2: {  	s29 =	simm.s32 $0x9;
	_ =	strace $0x80000048  }
0xb3: {  	_ =	swait.ge [sflag:s29], $0x1  }
0xb4: {  	[sflag:s29] =	ssyncadd.s32 $0xFFFFFFFF  }
0xb5: {  	_ =	strace $0x90000048  }
0xb6: {  	_ =	sfence  }
0xb7: {  	s30 =	sld [smem:$0x0];
	_ =	sdelay $0x2  }
0xb8: {  	s31 =	sshll.u32 s1, $0xD;
	s1 =	sshrl.u32 s1, $0x2  }
0xb9: {  	s3 =	sand.u32 $0x4000, s31;
	s1 =	sadd.s32 s1, s30  }
0xba: {  	s0 =	sor.u32 s3, s0;
	s1 =	sshll.u32 s1, $0x11  }
0xbb: {  	s0 =	sor.u32 s1, s0  }
0xbc: {  	s0 =	sadd.s32 $0x8F2B, s0  }
0xbd: {  	[sflag:s0] =	ssyncadd.remote.s32 $0x1  }
0xbe: {  	_ =	sfence.sel $0xFFFF  }
0xbf: {  	[dreg:$0x0] =	wrdreg $0xFFFFFFFF;
	(pc) =	sbr.abs _section_cstart, $3  }
0xc0: {  	[dreg:$0x1] =	wrdreg $0xFFFFFFFF  }
0xc1: {  	_ =	task.clear_ibuf [dreg:s6], $0x2FFFF;
	_ =	strace $0x9FFFFFFF  }
0xc2: {  	(tm) =	ssettm $0x7FFFFFFF  }
0xc3: {  	_ =	shalt  }
tec
execute0_lowered:
.L_overlay_start_1:
0x0: {  	(tag) =	ssettag $0x1  }
0x1: {  	s4 =	rddreg [dreg:$0x0]  }
0x2: {  	s1 =	rddreg [dreg:$0x1];
	s2 =	srdreg.scid  }
0x3: {  	s0 =	rddreg [dreg:$0x2];
	s3 =	simm.s32 $0x0;
	s14 =	simm.s32 $0x3  }
0x4: {  	s15 =	simm.s32 $0x80;
	s16 =	simm.s32 $0x1400;
	s17 =	simm.s32 $0x1  }
0x5: {  	s18 =	simm.s32 $0x2;
	s5 =	sand.u32 $0x1, s2;
	s2 =	stileid.u32  }
0x6: {  	s19 =	simm.s32 $0x0;
	[smem:$0x7FF] =	sst s3;
	s6 =	smul.u32 $0x140000, s5  }
0x7: {  	s9 =	sadd.s32 $0x2800, s4;
	s7 =	smul.u32 $0x14000, s2;
	_ =	strace $0x80000047  }
0x8: {  	s28 =	sshll.u32 s2, $0x1;
	s8 =	smul.u32 $0x50000, s2;
	s10 =	ssub.s32 $0x2, s5  }
0x9: {  	s29 =	sshrl.u32 s10, $0x1;
	s6 =	sadd.s32 s7, s6;
	s7 =	sor.u32 s5, s28  }
0xa: {  	s8 =	sshrl.u32 s8, $0x2;
	s6 =	sshrl.u32 s6, $0x3;
	s11 =	smul.u32 $0x2800, s7  }
0xb: {  	s13 =	ssub.s32 s10, s29;
	s12 =	sadd.s32 s6, s4;
	s4 =	sadd.s32 s8, s1  }
0xc: {  	s30 =	smul.u32 $0x500, s7;
	s5 =	sadd.s32 $0x4000, s4;
	s31 =	sshrl.u32 s11, $0x3  }
0xd: {  	s6 =	sadd.s32 $0x8000, s4;
	s7 =	sadd.s32 $0xC000, s4;
	s11 =	sadd.s32 s9, s31  }
0xe: {  	s8 =	sadd.s32 $0x10000, s4;
	s9 =	sadd.s32 s9, s30;
	s10 =	sadd.s32 $0x280, s11  }
0xf: {  	v0 =	vimm.f32 $1.000000000e+00;
	v1 =	vimm.f32 $0.0e+00;
	s11 =	sadd.s32 $0xC800, s12;
	s12 =	smax.u32 s13, $0x1;
	s13 =	simm.s32 $0x5400  }
.LBB2_1:
0x10: {  	s20 =	simm.s32 $0x0;
	s21 =	simm.s32 $0x200  }
.LBB2_2:
0x11: {  	p0 =	sne.s32 s21, $0xFE00;
	[tilespmem:s20+$0x5470] =	vst v1  }
0x12: {  	[tilespmem:s20+$0x1400] =	vst v0  }
0x13: {  	[tilespmem:s20+$0x5400] =	vst v1  }
0x14: {  	[tilespmem:s20+$0x1410] =	vst v0  }
0x15: {  	[tilespmem:s20+$0x5410] =	vst v1  }
0x16: {  	[tilespmem:s20+$0x1420] =	vst v0  }
0x17: {  	[tilespmem:s20+$0x5420] =	vst v1  }
0x18: {  	[tilespmem:s20+$0x1430] =	vst v0  }
0x19: {  	[tilespmem:s20+$0x5430] =	vst v1  }
0x1a: {  	[tilespmem:s20+$0x1440] =	vst v0  }
0x1b: {  	[tilespmem:s20+$0x5440] =	vst v1  }
.Ltmp0:
0x1c: {  	[tilespmem:s20+$0x1450] =	vst v0;
	(pc) =	sbr.rel @p0 .LBB2_2-.Ltmp0, $4  }
0x1d: {  	[tilespmem:s20+$0x5450] =	vst v1  }
0x1e: {  	[tilespmem:s20+$0x1460] =	vst v0  }
0x1f: {  	[tilespmem:s20+$0x5460] =	vst v1  }
0x20: {  	[tilespmem:s20+$0x1470] =	vst v0;
	s20 =	sshra.s32 s21, $0x2;
	s21 =	sadd.s32 $0x200, s21  }
0x21: {  	[tilespmem:s20+$0x5470] =	vst v1  }
0x22: {  	[tilespmem:s20+$0x1400] =	vst v0  }
0x23: {  	[tilespmem:s20+$0x5400] =	vst v1  }
0x24: {  	[tilespmem:s20+$0x1410] =	vst v0  }
0x25: {  	[tilespmem:s20+$0x5410] =	vst v1  }
0x26: {  	[tilespmem:s20+$0x1420] =	vst v0  }
0x27: {  	[tilespmem:s20+$0x5420] =	vst v1  }
0x28: {  	[tilespmem:s20+$0x1430] =	vst v0  }
0x29: {  	[tilespmem:s20+$0x5430] =	vst v1  }
0x2a: {  	[tilespmem:s20+$0x1440] =	vst v0  }
0x2b: {  	[tilespmem:s20+$0x5440] =	vst v1  }
0x2c: {  	[tilespmem:s20+$0x1450] =	vst v0  }
0x2d: {  	[tilespmem:s20+$0x5450] =	vst v1  }
0x2e: {  	[tilespmem:s20+$0x1460] =	vst v0  }
0x2f: {  	[tilespmem:s20+$0x5460] =	vst v1  }
0x30: {  	[tilespmem:s20+$0x1470] =	vst v0  }
0x31: {  	[spmem:s4] =	stream.linear.scatter [tilespmem:s13], [sflag:$0x3], $0x4000, $0x38;
	[tilespmem:$0x1D400] =	vst v63  }
0x32: {  	_ =	swait.ge [sflag:s14], $0x4000  }
0x33: {  	[sflag:s14] =	ssyncset.done $0x0  }
0x34: {  	[sflag:s14] =	ssyncadd.s32 $0xFFFFC000  }
0x35: {  	[spmem:s5] =	stream.linear.scatter [tilespmem:s13], [sflag:$0x3], $0x4000, $0x38;
	[tilespmem:$0x1D400] =	vst v63  }
0x36: {  	_ =	swait.ge [sflag:s14], $0x4000  }
0x37: {  	[sflag:s14] =	ssyncset.done $0x0  }
0x38: {  	[sflag:s14] =	ssyncadd.s32 $0xFFFFC000  }
0x39: {  	[spmem:s6] =	stream.linear.scatter [tilespmem:s13], [sflag:$0x3], $0x4000, $0x38;
	[tilespmem:$0x1D400] =	vst v63  }
0x3a: {  	_ =	swait.ge [sflag:s14], $0x4000  }
0x3b: {  	[sflag:s14] =	ssyncset.done $0x0  }
0x3c: {  	[sflag:s14] =	ssyncadd.s32 $0xFFFFC000  }
0x3d: {  	[spmem:s7] =	stream.linear.scatter [tilespmem:s13], [sflag:$0x3], $0x4000, $0x38;
	[tilespmem:$0x1D400] =	vst v63  }
0x3e: {  	_ =	swait.ge [sflag:s14], $0x4000  }
0x3f: {  	[sflag:s14] =	ssyncset.done $0x0  }
0x40: {  	[sflag:s14] =	ssyncadd.s32 $0xFFFFC000  }
0x41: {  	[spmem:s8] =	stream.linear.scatter [tilespmem:s13], [sflag:$0x3], $0x4000, $0x38;
	[tilespmem:$0x1D400] =	vst v63  }
0x42: {  	_ =	swait.ge [sflag:s14], $0x4000  }
0x43: {  	[sflag:s14] =	ssyncset.done $0x0  }
0x44: {  	[sflag:s14] =	ssyncadd.s32 $0xFFFFC000  }
0x45: {  	[bflag:$0x0] =	sbarrier.arrive $0xFFFF  }
0x46: {  	[tilespmem:s3], [sflag:$0x3] =	stream.linear.gather [hbm4b:s9+s3], $0x1400, $0x38;
	[tilespmem:$0x1D400] =	vst v63  }
0x47: {  	_ =	swait.ge [sflag:s14], $0x1400  }
0x48: {  	[sflag:s14] =	ssyncset.done $0x0  }
0x49: {  	[sflag:s14] =	ssyncadd.s32 $0xFFFFEC00  }
0x4a: {  	[spmem:s1] =	stream.indirect.scatter.add.f32 [tilespmem:s16], [sflag:$0x1], $0x80, s3, s15, $0xb8;
	[tilespmem:$0x1D400] =	vst v63  }
0x4b: {  	_ = 	snop  }
0x4c: {  	[spmem:s1] =	stream.indirect.scatter.add.f32 [tilespmem:s16], [sflag:$0x2], $0x80, s15, s15, $0xb8;
	[tilespmem:$0x1D400] =	vst v63  }
0x4d: {  	_ =	swait.ge [sflag:s17], $0x4000  }
0x4e: {  	[sflag:s17] =	ssyncset.done $0x0  }
0x4f: {  	s31 =	simm.s32 $0x100;
	[sflag:s17] =	ssyncadd.s32 $0xFFFFC000  }
0x50: {  	[spmem:s1] =	stream.indirect.scatter.add.f32 [tilespmem:s16], [sflag:$0x1], $0x80, s31, s15, $0xb8;
	[tilespmem:$0x1D400] =	vst v63  }
0x51: {  	_ =	swait.ge [sflag:s18], $0x4000  }
0x52: {  	[sflag:s18] =	ssyncset.done $0x0  }
0x53: {  	s20 =	simm.s32 $0xFFFFB800;
	s21 =	simm.s32 $0x180;
	[sflag:s18] =	ssyncadd.s32 $0xFFFFC000  }
.LBB2_4:
0x54: {  	[spmem:s1] =	stream.indirect.scatter.add.f32 [tilespmem:s16], [sflag:$0x2], $0x80, s21, s15, $0xb8;
	[tilespmem:$0x1D400] =	vst v63  }
0x55: {  	s21 =	smov.u32 s20  }
0x56: {  	p0 =	sne.s32 s20, $0xFFFFFC00;
	s20 =	sadd.s32 $0x400, s20;
	_ =	swait.ge [sflag:s17], $0x4000  }
0x57: {  	s21 =	sshra.s32 s21, $0x2;
	[sflag:s17] =	ssyncset.done $0x0  }
.Ltmp1:
0x58: {  	s22 =	sadd.s32 $0x1400, s21;
	[sflag:s17] =	ssyncadd.s32 $0xFFFFC000;
	(pc) =	sbr.rel @p0 .LBB2_4-.Ltmp1, $4  }
0x59: {  	[spmem:s1] =	stream.indirect.scatter.add.f32 [tilespmem:s16], [sflag:$0x1], $0x80, s22, s15, $0xb8;
	[tilespmem:$0x1D400] =	vst v63  }
0x5a: {  	_ =	swait.ge [sflag:s18], $0x4000  }
0x5b: {  	[sflag:s18] =	ssyncset.done $0x0  }
0x5c: {  	s21 =	sadd.s32 $0x1480, s21;
	[sflag:s18] =	ssyncadd.s32 $0xFFFFC000  }
0x5d: {  	[spmem:s1] =	stream.indirect.scatter.add.f32 [tilespmem:s16], [sflag:$0x2], $0x80, s21, s15, $0xb8;
	[tilespmem:$0x1D400] =	vst v63  }
0x5e: {  	_ =	swait.ge [sflag:s17], $0x4000  }
0x5f: {  	[sflag:s17] =	ssyncset.done $0x0  }
0x60: {  	[sflag:s17] =	ssyncadd.s32 $0xFFFFC000  }
0x61: {  	_ =	swait.ge [sflag:s18], $0x4000  }
0x62: {  	[sflag:s18] =	ssyncset.done $0x0  }
0x63: {  	[sflag:s18] =	ssyncadd.s32 $0xFFFFC000  }
0x64: {  	[tilespmem:s3], [sflag:$0x3] =	stream.linear.gather [hbm4b:s10+s3], $0x1400, $0x38;
	[tilespmem:$0x1D400] =	vst v63  }
0x65: {  	_ =	swait.ge [sflag:s14], $0x1400  }
0x66: {  	[sflag:s14] =	ssyncset.done $0x0  }
0x67: {  	[sflag:s14] =	ssyncadd.s32 $0xFFFFEC00  }
0x68: {  	[spmem:s1] =	stream.indirect.scatter.add.f32 [tilespmem:s16], [sflag:$0x1], $0x80, s3, s15, $0xb8;
	[tilespmem:$0x1D400] =	vst v63  }
0x69: {  	_ = 	snop  }
0x6a: {  	[spmem:s1] =	stream.indirect.scatter.add.f32 [tilespmem:s16], [sflag:$0x2], $0x80, s15, s15, $0xb8;
	[tilespmem:$0x1D400] =	vst v63  }
0x6b: {  	_ =	swait.ge [sflag:s17], $0x4000  }
0x6c: {  	[sflag:s17] =	ssyncset.done $0x0  }
0x6d: {  	s20 =	simm.s32 $0x100;
	[sflag:s17] =	ssyncadd.s32 $0xFFFFC000  }
0x6e: {  	[spmem:s1] =	stream.indirect.scatter.add.f32 [tilespmem:s16], [sflag:$0x1], $0x80, s20, s15, $0xb8;
	[tilespmem:$0x1D400] =	vst v63  }
0x6f: {  	_ =	swait.ge [sflag:s18], $0x4000  }
0x70: {  	[sflag:s18] =	ssyncset.done $0x0  }
0x71: {  	s21 =	simm.s32 $0x180;
	s20 =	simm.s32 $0xFFFFB800;
	[sflag:s18] =	ssyncadd.s32 $0xFFFFC000  }
.LBB2_6:
0x72: {  	[spmem:s1] =	stream.indirect.scatter.add.f32 [tilespmem:s16], [sflag:$0x2], $0x80, s21, s15, $0xb8;
	[tilespmem:$0x1D400] =	vst v63  }
0x73: {  	s21 =	smov.u32 s20  }
0x74: {  	p0 =	sne.s32 s20, $0xFFFFFC00;
	s20 =	sadd.s32 $0x400, s20;
	_ =	swait.ge [sflag:s17], $0x4000  }
0x75: {  	s21 =	sshra.s32 s21, $0x2;
	[sflag:s17] =	ssyncset.done $0x0  }
.Ltmp2:
0x76: {  	s22 =	sadd.s32 $0x1400, s21;
	[sflag:s17] =	ssyncadd.s32 $0xFFFFC000;
	(pc) =	sbr.rel @p0 .LBB2_6-.Ltmp2, $4  }
0x77: {  	[spmem:s1] =	stream.indirect.scatter.add.f32 [tilespmem:s16], [sflag:$0x1], $0x80, s22, s15, $0xb8;
	[tilespmem:$0x1D400] =	vst v63  }
0x78: {  	_ =	swait.ge [sflag:s18], $0x4000  }
0x79: {  	[sflag:s18] =	ssyncset.done $0x0  }
0x7a: {  	s21 =	sadd.s32 $0x1480, s21;
	[sflag:s18] =	ssyncadd.s32 $0xFFFFC000  }
0x7b: {  	[spmem:s1] =	stream.indirect.scatter.add.f32 [tilespmem:s16], [sflag:$0x2], $0x80, s21, s15, $0xb8;
	[tilespmem:$0x1D400] =	vst v63  }
0x7c: {  	_ =	swait.ge [sflag:s17], $0x4000  }
0x7d: {  	[sflag:s17] =	ssyncset.done $0x0  }
0x7e: {  	[sflag:s17] =	ssyncadd.s32 $0xFFFFC000  }
0x7f: {  	_ =	swait.ge [sflag:s18], $0x4000  }
0x80: {  	s20 =	sshll.u32 s2, $0x6;
	s19 =	sadd.s32 $0x1, s19;
	[sflag:s18] =	ssyncset.done $0x0  }
0x81: {  	s31 =	sshrl.u32 s4, $0x3;
	p0 =	sne.s32 s19, s12;
	[sflag:s18] =	ssyncadd.s32 $0xFFFFC000  }
.Ltmp3:
0x82: {  	s20 =	sor.u32 $0x1C03, s20;
	[bflag:$0x0] =	sbarrier.arrive $0xFFFF;
	(pc) =	sbr.rel @p0 .LBB2_1-.Ltmp3, $4  }
0x83: {  	[hbm:s11], [sflag:s20] =	dma.local [spmem:s31], $0x2800  }
0x84: {  	_ =	swait.ge [sflag:s14], $0x2800  }
0x85: {  	[sflag:s14] =	ssyncset.done $0x0  }
0x86: {  	[sflag:s14] =	ssyncadd.s32 $0xFFFFD800  }
0x87: {  	_ =	sfence.sel $0x180000  }
0x88: {  	[bflag:$0x0] =	sbarrier.arrive $0xFFFF  }
0x89: {  	p0 =	sne.s32 s2, $0x0;
	_ =	strace $0x90000047  }
0x8a: {  	s0 =	sadd.s32 @!p0 $0x100000, s0;
	[bflag:$0x2] =	sbarrier.arrive $0xFFFF  }
0x8b: {  	[sflag:s0] =	ssyncadd.tile.s32 @!p0 $0x1;
	_ =	shalt  }
.Lfunc_end2:
_tile_overlayer_lowered:
.L_overlay_start_2:
0x8c: {  	(tag) =	ssettag $0x2  }
0x8d: {  	s0 =	rddreg [dreg:$0x0];
	s2 =	stileid.u32  }
0x8e: {  	s1 =	rddreg [dreg:$0x1];
	p0 =	sne.s32 s2, $0x0  }
0x8f: {  	s3 =	rddreg [dreg:$0x2];
	[bflag:$0x3] =	sbarrier.arrive $0xFFFF;
	s2 =	simm.s32 @!p0 $0x1C03  }
0x90: {  	[timem:s3], [sflag:s2] =	dma.local @!p0 [hbm:s0], s1  }
0x91: {  	s0 =	simm.s32 @!p0 $0x3  }
0x92: {  	_ =	swait.ge @!p0 [sflag:s0], s1  }
0x93: {  	s1 =	ssub.s32 @!p0 $0x0, s1;
	[sflag:s0] =	ssyncset.done @!p0 $0x0  }
0x94: {  	[sflag:s0] =	ssyncadd.s32 @!p0 s1  }
0x95: {  	[bflag:$0x3] =	sbarrier.arrive $0xFFFF  }
0x96: {  	_ =	shalt  }

</sc_bundles>
